<compile_context>
chip_gen: v7x
topology: tpu7x:2x2x1
jax: 0.10.2.dev20260603
libtpu: 0.0.44.dev20260713+nightly
codegen_flags: <defaults>
</compile_context>

<pallas_src>
import functools

import jax
import jax.numpy as jnp
from jax import lax
from jax.experimental import pallas as pl
from jax.experimental.pallas import tpu as pltpu
from jax.experimental.pallas import tpu_sc as plsc

E = 8
K = 2
D = 768
H = 768
S = 2048
NPAIR = S * K
TMC = 256
NP = NPAIR + E * TMC
NT = NPAIR // TMC + E
NC = 2
NS = 16
NW = NC * NS
BP = NPAIR // NW
TW = S // NW
SUB = 32
TS = 256
NB = S // TS


def _router_kernel(x_ref, wr1_ref, br1_ref, wg_ref,
                   gp1_ref, gp2_ref, dpos_ref, te_ref,
                   oh_scr):
    i = pl.program_id(0)

    def _router_step():
        xb = x_ref[...]
        h = lax.dot_general(xb, wr1_ref[...], (((1,), (1,)), ((), ())),
                            preferred_element_type=jnp.float32)
        h = jnp.tanh(h + br1_ref[...])
        logits = lax.dot_general(h, wg_ref[...], (((1,), (1,)), ((), ())),
                                 preferred_element_type=jnp.float32)
        lt = lax.transpose(logits, (1, 0))
        m = jnp.max(lt, axis=0, keepdims=True)
        p = jnp.exp(lt - m)
        p = p / jnp.sum(p, axis=0, keepdims=True)
        e_iota = lax.broadcasted_iota(jnp.int32, p.shape, 0)
        m1 = jnp.max(p, axis=0, keepdims=True)
        i1 = jnp.min(jnp.where(p == m1, e_iota, E), axis=0, keepdims=True)
        p_rest = jnp.where(e_iota == i1, -jnp.inf, p)
        m2 = jnp.max(p_rest, axis=0, keepdims=True)
        i2 = jnp.min(jnp.where(p_rest == m2, e_iota, E), axis=0, keepdims=True)
        denom = m1 + m2 + 1e-6
        g1 = m1 / denom
        g2 = m2 / denom
        pack = jnp.concatenate(
            [i1.astype(jnp.float32), i2.astype(jnp.float32), g1, g2,
             jnp.zeros((4, TS), jnp.float32)], axis=0)
        packT = lax.transpose(pack, (1, 0))
        i1c = packT[:, 0:1].astype(jnp.int32)
        i2c = packT[:, 1:2].astype(jnp.int32)
        e8 = lax.broadcasted_iota(jnp.int32, (TS, E), 1)
        oh_scr[pl.ds(i * TS, TS), :] = (e8 == i1c).astype(jnp.float32)
        oh_scr[pl.ds(S + i * TS, TS), :] = (e8 == i2c).astype(jnp.float32)
        gp1_ref[...] = jnp.broadcast_to(packT[:, 2:3], (TS, 128))
        gp2_ref[...] = jnp.broadcast_to(packT[:, 3:4], (TS, 128))

    _router_step()

    @pl.when(i == NB - 1)
    def _rank_step():
        r_i = lax.broadcasted_iota(jnp.int32, (256, 256), 0)
        c_i = lax.broadcasted_iota(jnp.int32, (256, 256), 1)
        tri = (c_i < r_i).astype(jnp.float32)

        nblk = NPAIR // 256
        t_rows = []
        rank_blocks = []
        for b in range(nblk):
            ohb = oh_scr[b * 256:(b + 1) * 256, :]
            rb = lax.dot_general(tri, ohb, (((1,), (0,)), ((), ())),
                                 preferred_element_type=jnp.float32)
            rank_blocks.append(rb)
            t_rows.append(jnp.sum(ohb, axis=0, keepdims=True))
        t_mat = jnp.concatenate(t_rows, axis=0)

        r16 = lax.broadcasted_iota(jnp.int32, (nblk, nblk), 0)
        c16 = lax.broadcasted_iota(jnp.int32, (nblk, nblk), 1)
        tri16 = (r16 < c16).astype(jnp.float32)
        bo = lax.dot_general(tri16, t_mat, (((0,), (0,)), ((), ())),
                             preferred_element_type=jnp.float32)

        counts = jnp.sum(t_mat, axis=0, keepdims=True)
        ci = counts.astype(jnp.int32)
        pci = ((ci + (TMC - 1)) // TMC) * TMC
        pcf = pci.astype(jnp.float32)
        r8 = lax.broadcasted_iota(jnp.int32, (E, E), 0)
        c8 = lax.broadcasted_iota(jnp.int32, (E, E), 1)
        tri8 = (r8 < c8).astype(jnp.float32)
        eo = lax.dot_general(pcf, tri8, (((1,), (0,)), ((), ())),
                             preferred_element_type=jnp.float32)

        dpos_parts = []
        for b in range(nblk):
            ohb = oh_scr[b * 256:(b + 1) * 256, :]
            base = rank_blocks[b] + bo[b:b + 1, :] + eo
            dpos_parts.append(jnp.sum(base * ohb, axis=1, keepdims=True))
        dpos = jnp.concatenate(dpos_parts, axis=0)
        dpos_ref[...] = dpos.astype(jnp.int32)

        ctoT = lax.transpose(eo * (1.0 / TMC), (1, 0))
        t_iota = lax.broadcasted_iota(jnp.int32, (E, NT), 1).astype(jnp.float32)
        ge = jnp.sum((t_iota >= ctoT).astype(jnp.int32), axis=0,
                     keepdims=True)
        te_ref[...] = ge - 1


def _router_call(x2d, Wr1, br1_2d, Wg, interpret=False):
    nmap = lambda i: (i, 0)
    zmap = lambda i: (0, 0)
    return pl.pallas_call(
        _router_kernel,
        grid=(NB,),
        in_specs=[
            pl.BlockSpec((TS, D), nmap),
            pl.BlockSpec((D, D), zmap),
            pl.BlockSpec((1, D), zmap),
            pl.BlockSpec((E, D), zmap),
        ],
        out_specs=[
            pl.BlockSpec((TS, 128), nmap),
            pl.BlockSpec((TS, 128), nmap),
            pl.BlockSpec((NPAIR, 1), zmap),
            pl.BlockSpec((1, NT), zmap),
        ],
        out_shape=[
            jax.ShapeDtypeStruct((S, 128), jnp.float32),
            jax.ShapeDtypeStruct((S, 128), jnp.float32),
            jax.ShapeDtypeStruct((NPAIR, 1), jnp.int32),
            jax.ShapeDtypeStruct((1, NT), jnp.int32),
        ],
        scratch_shapes=[pltpu.VMEM((NPAIR, E), jnp.float32)],
        compiler_params=pltpu.CompilerParams(
            dimension_semantics=("arbitrary",),
            vmem_limit_bytes=60 * 1024 * 1024,
        ),
        interpret=interpret,
    )(x2d, Wr1, br1_2d, Wg)


def _scatter_kernel(dpos_hbm, x_hbm, gp1_hbm, gp2_hbm, xs_hbm, gs_hbm,
                    idx0_v, idx1_v, rows_v, g0_v, g1_v, sem1, sem2):
    wid = lax.axis_index("s") * NC + lax.axis_index("c")
    base = wid * TW
    pltpu.sync_copy(dpos_hbm.at[pl.ds(base, TW)], idx0_v)
    pltpu.sync_copy(dpos_hbm.at[pl.ds(S + base, TW)], idx1_v)
    pltpu.sync_copy(x_hbm.at[pl.ds(base, TW)], rows_v)
    pltpu.sync_copy(gp1_hbm.at[pl.ds(base, TW)], g0_v)
    pltpu.sync_copy(gp2_hbm.at[pl.ds(base, TW)], g1_v)
    cp1 = pltpu.async_copy(rows_v, xs_hbm.at[idx0_v], sem1)
    cp2 = pltpu.async_copy(rows_v, xs_hbm.at[idx1_v], sem1)
    cp3 = pltpu.async_copy(g0_v, gs_hbm.at[idx0_v], sem2)
    cp4 = pltpu.async_copy(g1_v, gs_hbm.at[idx1_v], sem2)
    cp1.wait()
    cp2.wait()
    cp3.wait()
    cp4.wait()


@functools.lru_cache(maxsize=1)
def _scatter_call_builder():
    return pl.kernel(
        _scatter_kernel,
        mesh=plsc.VectorSubcoreMesh(core_axis_name="c", subcore_axis_name="s"),
        out_type=[
            jax.ShapeDtypeStruct((NP, D), jnp.float32),
            jax.ShapeDtypeStruct((NP, 128), jnp.float32),
        ],
        scratch_types=[
            pltpu.VMEM((TW,), jnp.int32),
            pltpu.VMEM((TW,), jnp.int32),
            pltpu.VMEM((TW, D), jnp.float32),
            pltpu.VMEM((TW, 128), jnp.float32),
            pltpu.VMEM((TW, 128), jnp.float32),
            pltpu.SemaphoreType.DMA,
            pltpu.SemaphoreType.DMA,
        ],
    )


def _scatter_call(dpos_hbm, x_hbm, gp1_hbm, gp2_hbm):
    return _scatter_call_builder()(dpos_hbm, x_hbm, gp1_hbm, gp2_hbm)


def _gmm_kernel(te_ref, xs_ref, gs_ref, win_ref, wout_ref, out_ref):
    e = te_ref[pl.program_id(0)]
    hh = lax.dot_general(xs_ref[...], win_ref[e], (((1,), (0,)), ((), ())),
                         preferred_element_type=jnp.float32)
    hh = jnp.maximum(hh, 0.0) * gs_ref[:, 0:1]
    oo = lax.dot_general(hh, wout_ref[e], (((1,), (0,)), ((), ())),
                         preferred_element_type=jnp.float32)
    out_ref[...] = oo


def _gmm_call(te, xs, gs, We_in, We_out, interpret=False):
    return pl.pallas_call(
        _gmm_kernel,
        grid_spec=pltpu.PrefetchScalarGridSpec(
            num_scalar_prefetch=1,
            grid=(NT,),
            in_specs=[
                pl.BlockSpec((TMC, D), lambda t, te_ref: (t, 0)),
                pl.BlockSpec((TMC, 128), lambda t, te_ref: (t, 0)),
                pl.BlockSpec((E, D, H), lambda t, te_ref: (0, 0, 0)),
                pl.BlockSpec((E, H, D), lambda t, te_ref: (0, 0, 0)),
            ],
            out_specs=pl.BlockSpec((TMC, D), lambda t, te_ref: (t, 0)),
        ),
        out_shape=jax.ShapeDtypeStruct((NP, D), jnp.float32),
        compiler_params=pltpu.CompilerParams(
            dimension_semantics=("arbitrary",),
            vmem_limit_bytes=60 * 1024 * 1024,
        ),
        interpret=interpret,
    )(te, xs, gs, We_in, We_out)


def _combine_kernel(dpos_hbm, outs_hbm, y_hbm,
                    p0_v, p1_v, r0_v, r1_v, sem0, sem1):
    wid = lax.axis_index("s") * NC + lax.axis_index("c")
    for sub in range(TW // SUB):
        base = wid * TW + sub * SUB
        pltpu.sync_copy(dpos_hbm.at[pl.ds(base, SUB)], p0_v)
        pltpu.sync_copy(dpos_hbm.at[pl.ds(S + base, SUB)], p1_v)
        cp0 = pltpu.async_copy(outs_hbm.at[p0_v], r0_v, sem0)
        cp1 = pltpu.async_copy(outs_hbm.at[p1_v], r1_v, sem1)
        cp0.wait()
        cp1.wait()

        def _row(r, carry):
            for j in range(D // 16):
                sl = pl.ds(j * 16, 16)
                r0_v[r, sl] = r0_v[r, sl] + r1_v[r, sl]
            return carry

        lax.fori_loop(0, SUB, _row, 0)
        pltpu.sync_copy(r0_v, y_hbm.at[pl.ds(base, SUB)])


@functools.lru_cache(maxsize=1)
def _combine_call_builder():
    return pl.kernel(
        _combine_kernel,
        mesh=plsc.VectorSubcoreMesh(core_axis_name="c", subcore_axis_name="s"),
        out_type=jax.ShapeDtypeStruct((S, D), jnp.float32),
        scratch_types=[
            pltpu.VMEM((SUB,), jnp.int32),
            pltpu.VMEM((SUB,), jnp.int32),
            pltpu.VMEM((SUB, D), jnp.float32),
            pltpu.VMEM((SUB, D), jnp.float32),
            pltpu.SemaphoreType.DMA,
            pltpu.SemaphoreType.DMA,
        ],
    )


def _combine_call(dpos_hbm, outs_hbm):
    return _combine_call_builder()(dpos_hbm, outs_hbm)


def kernel(x, Wr1, br1, Wg, We_in, We_out):
    bsz, length, d = x.shape
    x2d = x.reshape(S, D)
    gp1, gp2, dpos, te_row = _router_call(x2d, Wr1, br1.reshape(1, -1), Wg)
    dposf = dpos.reshape(NPAIR)
    te = te_row.reshape(NT)
    xs, gs = _scatter_call(dposf, x2d, gp1, gp2)
    outs = _gmm_call(te, xs, gs, We_in, We_out)
    y2 = _combine_call(dposf, outs)
    loss = jnp.zeros((), dtype=jnp.float32)
    return y2.reshape(bsz, length, d), loss

# --- scband reference (transcript-rebuilt; emitter-appended) ---
"""Pipeline reference for scband-mo-e-67018669686847 (READ-ONLY COPY).

The authoritative reference and input builder live on the scoring server;
editing this copy changes nothing except your own understanding.
"""

import jax, jax.numpy as jnp
import numpy as np

E = 8
K = 2
D = 768
H = 768
B = 1
S = 2048


def setup_inputs(seed: int = 0) -> dict:
    key = jax.random.key(seed)
    ks = jax.random.split(key, 6)
    s = 0.02
    return {
        "x": jax.random.normal(ks[0], (B, S, D), dtype=jnp.float32),
        "Wr1": jax.random.normal(ks[1], (D, D), dtype=jnp.float32) * s,
        "br1": jnp.zeros((D,), dtype=jnp.float32),
        "Wg": jax.random.normal(ks[2], (E, D), dtype=jnp.float32) * s,
        "We_in": jax.random.normal(ks[3], (E, D, H), dtype=jnp.float32) * s,
        "We_out": jax.random.normal(ks[4], (E, H, D), dtype=jnp.float32) * s,
    }


def _moe_forward(x, Wr1, br1, Wg, We_in, We_out):
    # eval mode: noisy_gating=False, dropout inactive, sample_topk=0, skip_mask=None
    bsz, length, d = x.shape
    xf = x.reshape(-1, d)
    # mlp_router: Linear(d,d) -> Tanh -> Dropout(eval: identity) -> Linear(d,E,bias=False)
    hidden = jnp.tanh(xf @ Wr1.T + br1)
    logits = hidden @ Wg.T
    probs = jax.nn.softmax(logits, axis=1)
    top_k_gates, top_k_indices = jax.lax.top_k(probs, K)
    top_k_gates = top_k_gates / (jnp.sum(top_k_gates, axis=1, keepdims=True) + 1e-06)
    # compute_gating: scatter normalized top-k gates into dense [N, E] gate matrix
    n_tok = xf.shape[0]
    gates = jnp.zeros_like(probs).at[jnp.arange(n_tok)[:, None], top_k_indices].set(top_k_gates)
    # experts: per-expert FFN (input_size->head_size, relu, hidden->input_size),
    # combined with gates; gate is exactly 0 for non-selected experts so this is
    # mathematically identical to the sparse dispatch (x[batch_index] -> ParallelExperts
    # segmented matmul -> index_add combine) in the torch module.
    y = jnp.zeros_like(xf)
    for e in range(E):
        h = jax.nn.relu(xf @ We_in[e])
        out = h @ We_out[e]
        y = y + gates[:, e:e + 1] * out
    y = y.reshape(bsz, length, d)
    # all aux-loss coefficients (cvloss, switchloss, zloss, miloss) are 0 by default
    loss = jnp.zeros((), dtype=jnp.float32)
    return y, loss


def reference(x, Wr1, br1, Wg, We_in, We_out):
    return _moe_forward(x, Wr1, br1, Wg, We_in, We_out)

if __name__ == "__main__":
    import jax
    _d = setup_inputs()
    print(jax.jit(kernel)(*tuple(_d.values())))

</pallas_src>

<mosaic_0001>
#map = affine_map<(d0, d1) -> (0)>
#map1 = affine_map<(d0, d1) -> (0, 0)>
module attributes {stable_mosaic.version = 14 : i64} {
  func.func @_combine_kernel(%arg0: i32, %arg1: i32, %arg2: memref<4096xi32, #tpu.memory_space<hbm>>, %arg3: memref<6144x768xf32, #tpu.memory_space<hbm>>, %arg4: memref<2048x768xf32, #tpu.memory_space<hbm>>, %arg5: memref<32xi32, #tpu.memory_space<vmem>>, %arg6: memref<32xi32, #tpu.memory_space<vmem>>, %arg7: memref<32x768xf32, #tpu.memory_space<vmem>>, %arg8: memref<32x768xf32, #tpu.memory_space<vmem>>, %arg9: memref<!tpu.dma_semaphore, #tpu.memory_space<semaphore_mem>>, %arg10: memref<!tpu.dma_semaphore, #tpu.memory_space<semaphore_mem>>) attributes {dimension_semantics = [#tpu.dimension_semantics<core_parallel>, #tpu.dimension_semantics<subcore_parallel>], iteration_bounds = array<i64: 2, 16>, scalar_prefetch = 0 : i64, scratch_operands = 6 : i64, tpu.core_type = #tpu.core_type<sc_vector_subcore>, window_params = [{transform_indices = #map}, {transform_indices = #map1}, {transform_indices = #map1}]} {
    %mul3A = arith.constant 2 : i32
    %mul3A_0 = arith.muli %arg1, %mul3A : i32
    %add3A = arith.addi %mul3A_0, %arg0 : i32
    %mul3A_1 = arith.constant 64 : i32
    %mul3A_2 = arith.muli %add3A, %mul3A_1 : i32
    %add3A_3 = arith.constant 0 : i32
    %add3A_4 = arith.addi %mul3A_2, %add3A_3 : i32
    "tpu.region"() ({
      %run_scoped3A = tpu.sem_alloc : memref<!tpu.dma_semaphore, #tpu.memory_space<semaphore_mem>>
      %dma_start3A_46 = tpu.memref_slice %arg2[%add3A_4] : memref<4096xi32, #tpu.memory_space<hbm>> -> memref<32xi32, #tpu.memory_space<hbm>>
      %dma_start3A_47 = tpu.memref_slice %arg2[%add3A_4] : memref<4096xi32, #tpu.memory_space<hbm>> -> memref<32xi32, #tpu.memory_space<hbm>>
      tpu.enqueue_dma source(%dma_start3A_47 : memref<32xi32, #tpu.memory_space<hbm>>) target(%arg5 : memref<32xi32, #tpu.memory_space<vmem>>) target_semaphore(%run_scoped3A : memref<!tpu.dma_semaphore, #tpu.memory_space<semaphore_mem>>)
      %dma_wait3A_48 = tpu.memref_slice %arg2[%add3A_4] : memref<4096xi32, #tpu.memory_space<hbm>> -> memref<32xi32, #tpu.memory_space<hbm>>
      %dma_wait3A_49 = tpu.memref_slice %arg2[%add3A_4] : memref<4096xi32, #tpu.memory_space<hbm>> -> memref<32xi32, #tpu.memory_space<hbm>>
      tpu.wait_dma2 semaphore(%run_scoped3A : memref<!tpu.dma_semaphore, #tpu.memory_space<semaphore_mem>>) src(%dma_wait3A_49 : memref<32xi32, #tpu.memory_space<hbm>>) dst(%arg5 : memref<32xi32, #tpu.memory_space<vmem>>)
      tpu.yield
    }) : () -> ()
    %add3A_5 = arith.constant 2048 : i32
    %add3A_6 = arith.addi %add3A_5, %add3A_4 : i32
    "tpu.region"() ({
      %run_scoped3A = tpu.sem_alloc : memref<!tpu.dma_semaphore, #tpu.memory_space<semaphore_mem>>
      %dma_start3A_46 = tpu.memref_slice %arg2[%add3A_6] : memref<4096xi32, #tpu.memory_space<hbm>> -> memref<32xi32, #tpu.memory_space<hbm>>
      %dma_start3A_47 = tpu.memref_slice %arg2[%add3A_6] : memref<4096xi32, #tpu.memory_space<hbm>> -> memref<32xi32, #tpu.memory_space<hbm>>
      tpu.enqueue_dma source(%dma_start3A_47 : memref<32xi32, #tpu.memory_space<hbm>>) target(%arg6 : memref<32xi32, #tpu.memory_space<vmem>>) target_semaphore(%run_scoped3A : memref<!tpu.dma_semaphore, #tpu.memory_space<semaphore_mem>>)
      %dma_wait3A_48 = tpu.memref_slice %arg2[%add3A_6] : memref<4096xi32, #tpu.memory_space<hbm>> -> memref<32xi32, #tpu.memory_space<hbm>>
      %dma_wait3A_49 = tpu.memref_slice %arg2[%add3A_6] : memref<4096xi32, #tpu.memory_space<hbm>> -> memref<32xi32, #tpu.memory_space<hbm>>
      tpu.wait_dma2 semaphore(%run_scoped3A : memref<!tpu.dma_semaphore, #tpu.memory_space<semaphore_mem>>) src(%dma_wait3A_49 : memref<32xi32, #tpu.memory_space<hbm>>) dst(%arg6 : memref<32xi32, #tpu.memory_space<vmem>>)
      tpu.yield
    }) : () -> ()
    %dma_start3A = arith.constant 0 : i32
    %dma_start3A_7 = arith.constant 0 : i32
    %dma_start3A_8 = tpu.memref_slice %arg3[%dma_start3A, %dma_start3A_7] : memref<6144x768xf32, #tpu.memory_space<hbm>> -> memref<6144x768xf32, #tpu.memory_space<hbm>>
    tpu.enqueue_indirect_dma source(%dma_start3A_8 : memref<6144x768xf32, #tpu.memory_space<hbm>>) target(%arg7 : memref<32x768xf32, #tpu.memory_space<vmem>>) offsets(%arg5 : memref<32xi32, #tpu.memory_space<vmem>>) semaphore(%arg9 : memref<!tpu.dma_semaphore, #tpu.memory_space<semaphore_mem>>)
    %dma_start3A_9 = arith.constant 0 : i32
    %dma_start3A_10 = arith.constant 0 : i32
    %dma_start3A_11 = tpu.memref_slice %arg3[%dma_start3A_9, %dma_start3A_10] : memref<6144x768xf32, #tpu.memory_space<hbm>> -> memref<6144x768xf32, #tpu.memory_space<hbm>>
    tpu.enqueue_indirect_dma source(%dma_start3A_11 : memref<6144x768xf32, #tpu.memory_space<hbm>>) target(%arg8 : memref<32x768xf32, #tpu.memory_space<vmem>>) offsets(%arg6 : memref<32xi32, #tpu.memory_space<vmem>>) semaphore(%arg10 : memref<!tpu.dma_semaphore, #tpu.memory_space<semaphore_mem>>)
    %dma_wait3A = arith.constant 0 : i32
    %dma_wait3A_12 = arith.constant 0 : i32
    %dma_wait3A_13 = tpu.memref_slice %arg3[%dma_wait3A, %dma_wait3A_12] : memref<6144x768xf32, #tpu.memory_space<hbm>> -> memref<6144x768xf32, #tpu.memory_space<hbm>>
    tpu.wait_indirect_dma semaphore(%arg9 : memref<!tpu.dma_semaphore, #tpu.memory_space<semaphore_mem>>) src(%dma_wait3A_13 : memref<6144x768xf32, #tpu.memory_space<hbm>>) dst(%arg7 : memref<32x768xf32, #tpu.memory_space<vmem>>)
    %dma_wait3A_14 = arith.constant 0 : i32
    %dma_wait3A_15 = arith.constant 0 : i32
    %dma_wait3A_16 = tpu.memref_slice %arg3[%dma_wait3A_14, %dma_wait3A_15] : memref<6144x768xf32, #tpu.memory_space<hbm>> -> memref<6144x768xf32, #tpu.memory_space<hbm>>
    tpu.wait_indirect_dma semaphore(%arg10 : memref<!tpu.dma_semaphore, #tpu.memory_space<semaphore_mem>>) src(%dma_wait3A_16 : memref<6144x768xf32, #tpu.memory_space<hbm>>) dst(%arg8 : memref<32x768xf32, #tpu.memory_space<vmem>>)
    %scan3A = arith.constant 0 : i32
    %scan3A_17 = arith.constant 0 : i32
    %scan3A_18 = arith.constant 32 : i32
    %scan3A_19 = arith.addi %scan3A_17, %scan3A_18 : i32
    %scan3A_20 = arith.constant 1 : i32
    scf.for %scan3A_46 = %scan3A_17 to %scan3A_19 step %scan3A_20  : i32 {
      %get3A = arith.index_cast %scan3A_46 : i32 to index
      %get3A_47 = arith.constant 0 : index
      %get3A_48 = tpu.vector_load %arg7[%get3A, %get3A_47] {strides = array<i32>} : memref<32x768xf32, #tpu.memory_space<vmem>>, vector<1x16xf32>,
      %get3A_49 = vector.shape_cast %get3A_48 : vector<1x16xf32> to vector<16xf32>
      %get3A_50 = arith.index_cast %scan3A_46 : i32 to index
      %get3A_51 = arith.constant 0 : index
      %get3A_52 = tpu.vector_load %arg8[%get3A_50, %get3A_51] {strides = array<i32>} : memref<32x768xf32, #tpu.memory_space<vmem>>, vector<1x16xf32>,
      %get3A_53 = vector.shape_cast %get3A_52 : vector<1x16xf32> to vector<16xf32>
      %add3A_54 = arith.addf %get3A_49, %get3A_53 : vector<16xf32>
      %swap3A = arith.index_cast %scan3A_46 : i32 to index
      %swap3A_55 = arith.constant 0 : index
      %swap3A_56 = tpu.vector_load %arg7[%swap3A, %swap3A_55] {strides = array<i32>} : memref<32x768xf32, #tpu.memory_space<vmem>>, vector<1x16xf32>,
      %swap3A_57 = vector.shape_cast %swap3A_56 : vector<1x16xf32> to vector<16xf32>
      %swap3A_58 = vector.shape_cast %add3A_54 : vector<16xf32> to vector<1x16xf32>
      tpu.vector_store %arg7[%swap3A, %swap3A_55], %swap3A_58 {strides = array<i32>} : memref<32x768xf32, #tpu.memory_space<vmem>>, vector<1x16xf32>,
      %get3A_59 = arith.index_cast %scan3A_46 : i32 to index
      %get3A_60 = arith.constant 16 : index
      %get3A_61 = tpu.vector_load %arg7[%get3A_59, %get3A_60] {strides = array<i32>} : memref<32x768xf32, #tpu.memory_space<vmem>>, vector<1x16xf32>,
      %get3A_62 = vector.shape_cast %get3A_61 : vector<1x16xf32> to vector<16xf32>
      %get3A_63 = arith.index_cast %scan3A_46 : i32 to index
      %get3A_64 = arith.constant 16 : index
      %get3A_65 = tpu.vector_load %arg8[%get3A_63, %get3A_64] {strides = array<i32>} : memref<32x768xf32, #tpu.memory_space<vmem>>, vector<1x16xf32>,
      %get3A_66 = vector.shape_cast %get3A_65 : vector<1x16xf32> to vector<16xf32>
      %add3A_67 = arith.addf %get3A_62, %get3A_66 : vector<16xf32>
      %swap3A_68 = arith.index_cast %scan3A_46 : i32 to index
      %swap3A_69 = arith.constant 16 : index
      %swap3A_70 = tpu.vector_load %arg7[%swap3A_68, %swap3A_69] {strides = array<i32>} : memref<32x768xf32, #tpu.memory_space<vmem>>, vector<1x16xf32>,
      %swap3A_71 = vector.shape_cast %swap3A_70 : vector<1x16xf32> to vector<16xf32>
      %swap3A_72 = vector.shape_cast %add3A_67 : vector<16xf32> to vector<1x16xf32>
      tpu.vector_store %arg7[%swap3A_68, %swap3A_69], %swap3A_72 {strides = array<i32>} : memref<32x768xf32, #tpu.memory_space<vmem>>, vector<1x16xf32>,
      %get3A_73 = arith.index_cast %scan3A_46 : i32 to index
      %get3A_74 = arith.constant 32 : index
      %get3A_75 = tpu.vector_load %arg7[%get3A_73, %get3A_74] {strides = array<i32>} : memref<32x768xf32, #tpu.memory_space<vmem>>, vector<1x16xf32>,
      %get3A_76 = vector.shape_cast %get3A_75 : vector<1x16xf32> to vector<16xf32>
      %get3A_77 = arith.index_cast %scan3A_46 : i32 to index
      %get3A_78 = arith.constant 32 : index
      %get3A_79 = tpu.vector_load %arg8[%get3A_77, %get3A_78] {strides = array<i32>} : memref<32x768xf32, #tpu.memory_space<vmem>>, vector<1x16xf32>,
      %get3A_80 = vector.shape_cast %get3A_79 : vector<1x16xf32> to vector<16xf32>
      %add3A_81 = arith.addf %get3A_76, %get3A_80 : vector<16xf32>
      %swap3A_82 = arith.index_cast %scan3A_46 : i32 to index
      %swap3A_83 = arith.constant 32 : index
      %swap3A_84 = tpu.vector_load %arg7[%swap3A_82, %swap3A_83] {strides = array<i32>} : memref<32x768xf32, #tpu.memory_space<vmem>>, vector<1x16xf32>,
      %swap3A_85 = vector.shape_cast %swap3A_84 : vector<1x16xf32> to vector<16xf32>
      %swap3A_86 = vector.shape_cast %add3A_81 : vector<16xf32> to vector<1x16xf32>
      tpu.vector_store %arg7[%swap3A_82, %swap3A_83], %swap3A_86 {strides = array<i32>} : memref<32x768xf32, #tpu.memory_space<vmem>>, vector<1x16xf32>,
      %get3A_87 = arith.index_cast %scan3A_46 : i32 to index
      %get3A_88 = arith.constant 48 : index
      %get3A_89 = tpu.vector_load %arg7[%get3A_87, %get3A_88] {strides = array<i32>} : memref<32x768xf32, #tpu.memory_space<vmem>>, vector<1x16xf32>,
      %get3A_90 = vector.shape_cast %get3A_89 : vector<1x16xf32> to vector<16xf32>
      %get3A_91 = arith.index_cast %scan3A_46 : i32 to index
      %get3A_92 = arith.constant 48 : index
      %get3A_93 = tpu.vector_load %arg8[%get3A_91, %get3A_92] {strides = array<i32>} : memref<32x768xf32, #tpu.memory_space<vmem>>, vector<1x16xf32>,
      %get3A_94 = vector.shape_cast %get3A_93 : vector<1x16xf32> to vector<16xf32>
      %add3A_95 = arith.addf %get3A_90, %get3A_94 : vector<16xf32>
      %swap3A_96 = arith.index_cast %scan3A_46 : i32 to index
      %swap3A_97 = arith.constant 48 : index
      %swap3A_98 = tpu.vector_load %arg7[%swap3A_96, %swap3A_97] {strides = array<i32>} : memref<32x768xf32, #tpu.memory_space<vmem>>, vector<1x16xf32>,
      %swap3A_99 = vector.shape_cast %swap3A_98 : vector<1x16xf32> to vector<16xf32>
      %swap3A_100 = vector.shape_cast %add3A_95 : vector<16xf32> to vector<1x16xf32>
      tpu.vector_store %arg7[%swap3A_96, %swap3A_97], %swap3A_100 {strides = array<i32>} : memref<32x768xf32, #tpu.memory_space<vmem>>, vector<1x16xf32>,
      %get3A_101 = arith.index_cast %scan3A_46 : i32 to index
      %get3A_102 = arith.constant 64 : index
      %get3A_103 = tpu.vector_load %arg7[%get3A_101, %get3A_102] {strides = array<i32>} : memref<32x768xf32, #tpu.memory_space<vmem>>, vector<1x16xf32>,
      %get3A_104 = vector.shape_cast %get3A_103 : vector<1x16xf32> to vector<16xf32>
      %get3A_105 = arith.index_cast %scan3A_46 : i32 to index
      %get3A_106 = arith.constant 64 : index
      %get3A_107 = tpu.vector_load %arg8[%get3A_105, %get3A_106] {strides = array<i32>} : memref<32x768xf32, #tpu.memory_space<vmem>>, vector<1x16xf32>,
      %get3A_108 = vector.shape_cast %get3A_107 : vector<1x16xf32> to vector<16xf32>
      %add3A_109 = arith.addf %get3A_104, %get3A_108 : vector<16xf32>
      %swap3A_110 = arith.index_cast %scan3A_46 : i32 to index
      %swap3A_111 = arith.constant 64 : index
      %swap3A_112 = tpu.vector_load %arg7[%swap3A_110, %swap3A_111] {strides = array<i32>} : memref<32x768xf32, #tpu.memory_space<vmem>>, vector<1x16xf32>,
      %swap3A_113 = vector.shape_cast %swap3A_112 : vector<1x16xf32> to vector<16xf32>
      %swap3A_114 = vector.shape_cast %add3A_109 : vector<16xf32> to vector<1x16xf32>
      tpu.vector_store %arg7[%swap3A_110, %swap3A_111], %swap3A_114 {strides = array<i32>} : memref<32x768xf32, #tpu.memory_space<vmem>>, vector<1x16xf32>,
      %get3A_115 = arith.index_cast %scan3A_46 : i32 to index
      %get3A_116 = arith.constant 80 : index
      %get3A_117 = tpu.vector_load %arg7[%get3A_115, %get3A_116] {strides = array<i32>} : memref<32x768xf32, #tpu.memory_space<vmem>>, vector<1x16xf32>,
      %get3A_118 = vector.shape_cast %get3A_117 : vector<1x16xf32> to vector<16xf32>
      %get3A_119 = arith.index_cast %scan3A_46 : i32 to index
      %get3A_120 = arith.constant 80 : index
      %get3A_121 = tpu.vector_load %arg8[%get3A_119, %get3A_120] {strides = array<i32>} : memref<32x768xf32, #tpu.memory_space<vmem>>, vector<1x16xf32>,
      %get3A_122 = vector.shape_cast %get3A_121 : vector<1x16xf32> to vector<16xf32>
      %add3A_123 = arith.addf %get3A_118, %get3A_122 : vector<16xf32>
      %swap3A_124 = arith.index_cast %scan3A_46 : i32 to index
      %swap3A_125 = arith.constant 80 : index
      %swap3A_126 = tpu.vector_load %arg7[%swap3A_124, %swap3A_125] {strides = array<i32>} : memref<32x768xf32, #tpu.memory_space<vmem>>, vector<1x16xf32>,
      %swap3A_127 = vector.shape_cast %swap3A_126 : vector<1x16xf32> to vector<16xf32>
      %swap3A_128 = vector.shape_cast %add3A_123 : vector<16xf32> to vector<1x16xf32>
      tpu.vector_store %arg7[%swap3A_124, %swap3A_125], %swap3A_128 {strides = array<i32>} : memref<32x768xf32, #tpu.memory_space<vmem>>, vector<1x16xf32>,
      %get3A_129 = arith.index_cast %scan3A_46 : i32 to index
      %get3A_130 = arith.constant 96 : index
      %get3A_131 = tpu.vector_load %arg7[%get3A_129, %get3A_130] {strides = array<i32>} : memref<32x768xf32, #tpu.memory_space<vmem>>, vector<1x16xf32>,
      %get3A_132 = vector.shape_cast %get3A_131 : vector<1x16xf32> to vector<16xf32>
      %get3A_133 = arith.index_cast %scan3A_46 : i32 to index
      %get3A_134 = arith.constant 96 : index
      %get3A_135 = tpu.vector_load %arg8[%get3A_133, %get3A_134] {strides = array<i32>} : memref<32x768xf32, #tpu.memory_space<vmem>>, vector<1x16xf32>,
      %get3A_136 = vector.shape_cast %get3A_135 : vector<1x16xf32> to vector<16xf32>
      %add3A_137 = arith.addf %get3A_132, %get3A_136 : vector<16xf32>
      %swap3A_138 = arith.index_cast %scan3A_46 : i32 to index
      %swap3A_139 = arith.constant 96 : index
      %swap3A_140 = tpu.vector_load %arg7[%swap3A_138, %swap3A_139] {strides = array<i32>} : memref<32x768xf32, #tpu.memory_space<vmem>>, vector<1x16xf32>,
      %swap3A_141 = vector.shape_cast %swap3A_140 : vector<1x16xf32> to vector<16xf32>
      %swap3A_142 = vector.shape_cast %add3A_137 : vector<16xf32> to vector<1x16xf32>
      tpu.vector_store %arg7[%swap3A_138, %swap3A_139], %swap3A_142 {strides = array<i32>} : memref<32x768xf32, #tpu.memory_space<vmem>>, vector<1x16xf32>,
      %get3A_143 = arith.index_cast %scan3A_46 : i32 to index
      %get3A_144 = arith.constant 112 : index
      %get3A_145 = tpu.vector_load %arg7[%get3A_143, %get3A_144] {strides = array<i32>} : memref<32x768xf32, #tpu.memory_space<vmem>>, vector<1x16xf32>,
      %get3A_146 = vector.shape_cast %get3A_145 : vector<1x16xf32> to vector<16xf32>
      %get3A_147 = arith.index_cast %scan3A_46 : i32 to index
      %get3A_148 = arith.constant 112 : index
      %get3A_149 = tpu.vector_load %arg8[%get3A_147, %get3A_148] {strides = array<i32>} : memref<32x768xf32, #tpu.memory_space<vmem>>, vector<1x16xf32>,
      %get3A_150 = vector.shape_cast %get3A_149 : vector<1x16xf32> to vector<16xf32>
      %add3A_151 = arith.addf %get3A_146, %get3A_150 : vector<16xf32>
      %swap3A_152 = arith.index_cast %scan3A_46 : i32 to index
      %swap3A_153 = arith.constant 112 : index
      %swap3A_154 = tpu.vector_load %arg7[%swap3A_152, %swap3A_153] {strides = array<i32>} : memref<32x768xf32, #tpu.memory_space<vmem>>, vector<1x16xf32>,
      %swap3A_155 = vector.shape_cast %swap3A_154 : vector<1x16xf32> to vector<16xf32>
      %swap3A_156 = vector.shape_cast %add3A_151 : vector<16xf32> to vector<1x16xf32>
      tpu.vector_store %arg7[%swap3A_152, %swap3A_153], %swap3A_156 {strides = array<i32>} : memref<32x768xf32, #tpu.memory_space<vmem>>, vector<1x16xf32>,
      %get3A_157 = arith.index_cast %scan3A_46 : i32 to index
      %get3A_158 = arith.constant 128 : index
      %get3A_159 = tpu.vector_load %arg7[%get3A_157, %get3A_158] {strides = array<i32>} : memref<32x768xf32, #tpu.memory_space<vmem>>, vector<1x16xf32>,
      %get3A_160 = vector.shape_cast %get3A_159 : vector<1x16xf32> to vector<16xf32>
      %get3A_161 = arith.index_cast %scan3A_46 : i32 to index
      %get3A_162 = arith.constant 128 : index
      %get3A_163 = tpu.vector_load %arg8[%get3A_161, %get3A_162] {strides = array<i32>} : memref<32x768xf32, #tpu.memory_space<vmem>>, vector<1x16xf32>,
      %get3A_164 = vector.shape_cast %get3A_163 : vector<1x16xf32> to vector<16xf32>
      %add3A_165 = arith.addf %get3A_160, %get3A_164 : vector<16xf32>
      %swap3A_166 = arith.index_cast %scan3A_46 : i32 to index
      %swap3A_167 = arith.constant 128 : index
      %swap3A_168 = tpu.vector_load %arg7[%swap3A_166, %swap3A_167] {strides = array<i32>} : memref<32x768xf32, #tpu.memory_space<vmem>>, vector<1x16xf32>,
      %swap3A_169 = vector.shape_cast %swap3A_168 : vector<1x16xf32> to vector<16xf32>
      %swap3A_170 = vector.shape_cast %add3A_165 : vector<16xf32> to vector<1x16xf32>
      tpu.vector_store %arg7[%swap3A_166, %swap3A_167], %swap3A_170 {strides = array<i32>} : memref<32x768xf32, #tpu.memory_space<vmem>>, vector<1x16xf32>,
      %get3A_171 = arith.index_cast %scan3A_46 : i32 to index
      %get3A_172 = arith.constant 144 : index
      %get3A_173 = tpu.vector_load %arg7[%get3A_171, %get3A_172] {strides = array<i32>} : memref<32x768xf32, #tpu.memory_space<vmem>>, vector<1x16xf32>,
      %get3A_174 = vector.shape_cast %get3A_173 : vector<1x16xf32> to vector<16xf32>
      %get3A_175 = arith.index_cast %scan3A_46 : i32 to index
      %get3A_176 = arith.constant 144 : index
      %get3A_177 = tpu.vector_load %arg8[%get3A_175, %get3A_176] {strides = array<i32>} : memref<32x768xf32, #tpu.memory_space<vmem>>, vector<1x16xf32>,
      %get3A_178 = vector.shape_cast %get3A_177 : vector<1x16xf32> to vector<16xf32>
      %add3A_179 = arith.addf %get3A_174, %get3A_178 : vector<16xf32>
      %swap3A_180 = arith.index_cast %scan3A_46 : i32 to index
      %swap3A_181 = arith.constant 144 : index
      %swap3A_182 = tpu.vector_load %arg7[%swap3A_180, %swap3A_181] {strides = array<i32>} : memref<32x768xf32, #tpu.memory_space<vmem>>, vector<1x16xf32>,
      %swap3A_183 = vector.shape_cast %swap3A_182 : vector<1x16xf32> to vector<16xf32>
      %swap3A_184 = vector.shape_cast %add3A_179 : vector<16xf32> to vector<1x16xf32>
      tpu.vector_store %arg7[%swap3A_180, %swap3A_181], %swap3A_184 {strides = array<i32>} : memref<32x768xf32, #tpu.memory_space<vmem>>, vector<1x16xf32>,
      %get3A_185 = arith.index_cast %scan3A_46 : i32 to index
      %get3A_186 = arith.constant 160 : index
      %get3A_187 = tpu.vector_load %arg7[%get3A_185, %get3A_186] {strides = array<i32>} : memref<32x768xf32, #tpu.memory_space<vmem>>, vector<1x16xf32>,
      %get3A_188 = vector.shape_cast %get3A_187 : vector<1x16xf32> to vector<16xf32>
      %get3A_189 = arith.index_cast %scan3A_46 : i32 to index
      %get3A_190 = arith.constant 160 : index
      %get3A_191 = tpu.vector_load %arg8[%get3A_189, %get3A_190] {strides = array<i32>} : memref<32x768xf32, #tpu.memory_space<vmem>>, vector<1x16xf32>,
      %get3A_192 = vector.shape_cast %get3A_191 : vector<1x16xf32> to vector<16xf32>
      %add3A_193 = arith.addf %get3A_188, %get3A_192 : vector<16xf32>
      %swap3A_194 = arith.index_cast %scan3A_46 : i32 to index
      %swap3A_195 = arith.constant 160 : index
      %swap3A_196 = tpu.vector_load %arg7[%swap3A_194, %swap3A_195] {strides = array<i32>} : memref<32x768xf32, #tpu.memory_space<vmem>>, vector<1x16xf32>,
      %swap3A_197 = vector.shape_cast %swap3A_196 : vector<1x16xf32> to vector<16xf32>
      %swap3A_198 = vector.shape_cast %add3A_193 : vector<16xf32> to vector<1x16xf32>
      tpu.vector_store %arg7[%swap3A_194, %swap3A_195], %swap3A_198 {strides = array<i32>} : memref<32x768xf32, #tpu.memory_space<vmem>>, vector<1x16xf32>,
      %get3A_199 = arith.index_cast %scan3A_46 : i32 to index
      %get3A_200 = arith.constant 176 : index
      %get3A_201 = tpu.vector_load %arg7[%get3A_199, %get3A_200] {strides = array<i32>} : memref<32x768xf32, #tpu.memory_space<vmem>>, vector<1x16xf32>,
      %get3A_202 = vector.shape_cast %get3A_201 : vector<1x16xf32> to vector<16xf32>
      %get3A_203 = arith.index_cast %scan3A_46 : i32 to index
      %get3A_204 = arith.constant 176 : index
      %get3A_205 = tpu.vector_load %arg8[%get3A_203, %get3A_204] {strides = array<i32>} : memref<32x768xf32, #tpu.memory_space<vmem>>, vector<1x16xf32>,
      %get3A_206 = vector.shape_cast %get3A_205 : vector<1x16xf32> to vector<16xf32>
      %add3A_207 = arith.addf %get3A_202, %get3A_206 : vector<16xf32>
      %swap3A_208 = arith.index_cast %scan3A_46 : i32 to index
      %swap3A_209 = arith.constant 176 : index
      %swap3A_210 = tpu.vector_load %arg7[%swap3A_208, %swap3A_209] {strides = array<i32>} : memref<32x768xf32, #tpu.memory_space<vmem>>, vector<1x16xf32>,
      %swap3A_211 = vector.shape_cast %swap3A_210 : vector<1x16xf32> to vector<16xf32>
      %swap3A_212 = vector.shape_cast %add3A_207 : vector<16xf32> to vector<1x16xf32>
      tpu.vector_store %arg7[%swap3A_208, %swap3A_209], %swap3A_212 {strides = array<i32>} : memref<32x768xf32, #tpu.memory_space<vmem>>, vector<1x16xf32>,
      %get3A_213 = arith.index_cast %scan3A_46 : i32 to index
      %get3A_214 = arith.constant 192 : index
      %get3A_215 = tpu.vector_load %arg7[%get3A_213, %get3A_214] {strides = array<i32>} : memref<32x768xf32, #tpu.memory_space<vmem>>, vector<1x16xf32>,
      %get3A_216 = vector.shape_cast %get3A_215 : vector<1x16xf32> to vector<16xf32>
      %get3A_217 = arith.index_cast %scan3A_46 : i32 to index
      %get3A_218 = arith.constant 192 : index
      %get3A_219 = tpu.vector_load %arg8[%get3A_217, %get3A_218] {strides = array<i32>} : memref<32x768xf32, #tpu.memory_space<vmem>>, vector<1x16xf32>,
      %get3A_220 = vector.shape_cast %get3A_219 : vector<1x16xf32> to vector<16xf32>
      %add3A_221 = arith.addf %get3A_216, %get3A_220 : vector<16xf32>
      %swap3A_222 = arith.index_cast %scan3A_46 : i32 to index
      %swap3A_223 = arith.constant 192 : index
      %swap3A_224 = tpu.vector_load %arg7[%swap3A_222, %swap3A_223] {strides = array<i32>} : memref<32x768xf32, #tpu.memory_space<vmem>>, vector<1x16xf32>,
      %swap3A_225 = vector.shape_cast %swap3A_224 : vector<1x16xf32> to vector<16xf32>
      %swap3A_226 = vector.shape_cast %add3A_221 : vector<16xf32> to vector<1x16xf32>
      tpu.vector_store %arg7[%swap3A_222, %swap3A_223], %swap3A_226 {strides = array<i32>} : memref<32x768xf32, #tpu.memory_space<vmem>>, vector<1x16xf32>,
      %get3A_227 = arith.index_cast %scan3A_46 : i32 to index
      %get3A_228 = arith.constant 208 : index
      %get3A_229 = tpu.vector_load %arg7[%get3A_227, %get3A_228] {strides = array<i32>} : memref<32x768xf32, #tpu.memory_space<vmem>>, vector<1x16xf32>,
      %get3A_230 = vector.shape_cast %get3A_229 : vector<1x16xf32> to vector<16xf32>
      %get3A_231 = arith.index_cast %scan3A_46 : i32 to index
      %get3A_232 = arith.constant 208 : index
      %get3A_233 = tpu.vector_load %arg8[%get3A_231, %get3A_232] {strides = array<i32>} : memref<32x768xf32, #tpu.memory_space<vmem>>, vector<1x16xf32>,
      %get3A_234 = vector.shape_cast %get3A_233 : vector<1x16xf32> to vector<16xf32>
      %add3A_235 = arith.addf %get3A_230, %get3A_234 : vector<16xf32>
      %swap3A_236 = arith.index_cast %scan3A_46 : i32 to index
      %swap3A_237 = arith.constant 208 : index
      %swap3A_238 = tpu.vector_load %arg7[%swap3A_236, %swap3A_237] {strides = array<i32>} : memref<32x768xf32, #tpu.memory_space<vmem>>, vector<1x16xf32>,
      %swap3A_239 = vector.shape_cast %swap3A_238 : vector<1x16xf32> to vector<16xf32>
      %swap3A_240 = vector.shape_cast %add3A_235 : vector<16xf32> to vector<1x16xf32>
      tpu.vector_store %arg7[%swap3A_236, %swap3A_237], %swap3A_240 {strides = array<i32>} : memref<32x768xf32, #tpu.memory_space<vmem>>, vector<1x16xf32>,
      %get3A_241 = arith.index_cast %scan3A_46 : i32 to index
      %get3A_242 = arith.constant 224 : index
      %get3A_243 = tpu.vector_load %arg7[%get3A_241, %get3A_242] {strides = array<i32>} : memref<32x768xf32, #tpu.memory_space<vmem>>, vector<1x16xf32>,
      %get3A_244 = vector.shape_cast %get3A_243 : vector<1x16xf32> to vector<16xf32>
      %get3A_245 = arith.index_cast %scan3A_46 : i32 to index
      %get3A_246 = arith.constant 224 : index
      %get3A_247 = tpu.vector_load %arg8[%get3A_245, %get3A_246] {strides = array<i32>} : memref<32x768xf32, #tpu.memory_space<vmem>>, vector<1x16xf32>,
      %get3A_248 = vector.shape_cast %get3A_247 : vector<1x16xf32> to vector<16xf32>
      %add3A_249 = arith.addf %get3A_244, %get3A_248 : vector<16xf32>
      %swap3A_250 = arith.index_cast %scan3A_46 : i32 to index
      %swap3A_251 = arith.constant 224 : index
      %swap3A_252 = tpu.vector_load %arg7[%swap3A_250, %swap3A_251] {strides = array<i32>} : memref<32x768xf32, #tpu.memory_space<vmem>>, vector<1x16xf32>,
      %swap3A_253 = vector.shape_cast %swap3A_252 : vector<1x16xf32> to vector<16xf32>
      %swap3A_254 = vector.shape_cast %add3A_249 : vector<16xf32> to vector<1x16xf32>
      tpu.vector_store %arg7[%swap3A_250, %swap3A_251], %swap3A_254 {strides = array<i32>} : memref<32x768xf32, #tpu.memory_space<vmem>>, vector<1x16xf32>,
      %get3A_255 = arith.index_cast %scan3A_46 : i32 to index
      %get3A_256 = arith.constant 240 : index
      %get3A_257 = tpu.vector_load %arg7[%get3A_255, %get3A_256] {strides = array<i32>} : memref<32x768xf32, #tpu.memory_space<vmem>>, vector<1x16xf32>,
      %get3A_258 = vector.shape_cast %get3A_257 : vector<1x16xf32> to vector<16xf32>
      %get3A_259 = arith.index_cast %scan3A_46 : i32 to index
      %get3A_260 = arith.constant 240 : index
      %get3A_261 = tpu.vector_load %arg8[%get3A_259, %get3A_260] {strides = array<i32>} : memref<32x768xf32, #tpu.memory_space<vmem>>, vector<1x16xf32>,
      %get3A_262 = vector.shape_cast %get3A_261 : vector<1x16xf32> to vector<16xf32>
      %add3A_263 = arith.addf %get3A_258, %get3A_262 : vector<16xf32>
      %swap3A_264 = arith.index_cast %scan3A_46 : i32 to index
      %swap3A_265 = arith.constant 240 : index
      %swap3A_266 = tpu.vector_load %arg7[%swap3A_264, %swap3A_265] {strides = array<i32>} : memref<32x768xf32, #tpu.memory_space<vmem>>, vector<1x16xf32>,
      %swap3A_267 = vector.shape_cast %swap3A_266 : vector<1x16xf32> to vector<16xf32>
      %swap3A_268 = vector.shape_cast %add3A_263 : vector<16xf32> to vector<1x16xf32>
      tpu.vector_store %arg7[%swap3A_264, %swap3A_265], %swap3A_268 {strides = array<i32>} : memref<32x768xf32, #tpu.memory_space<vmem>>, vector<1x16xf32>,
      %get3A_269 = arith.index_cast %scan3A_46 : i32 to index
      %get3A_270 = arith.constant 256 : index
      %get3A_271 = tpu.vector_load %arg7[%get3A_269, %get3A_270] {strides = array<i32>} : memref<32x768xf32, #tpu.memory_space<vmem>>, vector<1x16xf32>,
      %get3A_272 = vector.shape_cast %get3A_271 : vector<1x16xf32> to vector<16xf32>
      %get3A_273 = arith.index_cast %scan3A_46 : i32 to index
      %get3A_274 = arith.constant 256 : index
      %get3A_275 = tpu.vector_load %arg8[%get3A_273, %get3A_274] {strides = array<i32>} : memref<32x768xf32, #tpu.memory_space<vmem>>, vector<1x16xf32>,
      %get3A_276 = vector.shape_cast %get3A_275 : vector<1x16xf32> to vector<16xf32>
      %add3A_277 = arith.addf %get3A_272, %get3A_276 : vector<16xf32>
      %swap3A_278 = arith.index_cast %scan3A_46 : i32 to index
      %swap3A_279 = arith.constant 256 : index
      %swap3A_280 = tpu.vector_load %arg7[%swap3A_278, %swap3A_279] {strides = array<i32>} : memref<32x768xf32, #tpu.memory_space<vmem>>, vector<1x16xf32>,
      %swap3A_281 = vector.shape_cast %swap3A_280 : vector<1x16xf32> to vector<16xf32>
      %swap3A_282 = vector.shape_cast %add3A_277 : vector<16xf32> to vector<1x16xf32>
      tpu.vector_store %arg7[%swap3A_278, %swap3A_279], %swap3A_282 {strides = array<i32>} : memref<32x768xf32, #tpu.memory_space<vmem>>, vector<1x16xf32>,
      %get3A_283 = arith.index_cast %scan3A_46 : i32 to index
      %get3A_284 = arith.constant 272 : index
      %get3A_285 = tpu.vector_load %arg7[%get3A_283, %get3A_284] {strides = array<i32>} : memref<32x768xf32, #tpu.memory_space<vmem>>, vector<1x16xf32>,
      %get3A_286 = vector.shape_cast %get3A_285 : vector<1x16xf32> to vector<16xf32>
      %get3A_287 = arith.index_cast %scan3A_46 : i32 to index
      %get3A_288 = arith.constant 272 : index
      %get3A_289 = tpu.vector_load %arg8[%get3A_287, %get3A_288] {strides = array<i32>} : memref<32x768xf32, #tpu.memory_space<vmem>>, vector<1x16xf32>,
      %get3A_290 = vector.shape_cast %get3A_289 : vector<1x16xf32> to vector<16xf32>
      %add3A_291 = arith.addf %get3A_286, %get3A_290 : vector<16xf32>
      %swap3A_292 = arith.index_cast %scan3A_46 : i32 to index
      %swap3A_293 = arith.constant 272 : index
      %swap3A_294 = tpu.vector_load %arg7[%swap3A_292, %swap3A_293] {strides = array<i32>} : memref<32x768xf32, #tpu.memory_space<vmem>>, vector<1x16xf32>,
      %swap3A_295 = vector.shape_cast %swap3A_294 : vector<1x16xf32> to vector<16xf32>
      %swap3A_296 = vector.shape_cast %add3A_291 : vector<16xf32> to vector<1x16xf32>
      tpu.vector_store %arg7[%swap3A_292, %swap3A_293], %swap3A_296 {strides = array<i32>} : memref<32x768xf32, #tpu.memory_space<vmem>>, vector<1x16xf32>,
      %get3A_297 = arith.index_cast %scan3A_46 : i32 to index
      %get3A_298 = arith.constant 288 : index
      %get3A_299 = tpu.vector_load %arg7[%get3A_297, %get3A_298] {strides = array<i32>} : memref<32x768xf32, #tpu.memory_space<vmem>>, vector<1x16xf32>,
      %get3A_300 = vector.shape_cast %get3A_299 : vector<1x16xf32> to vector<16xf32>
      %get3A_301 = arith.index_cast %scan3A_46 : i32 to index
      %get3A_302 = arith.constant 288 : index
      %get3A_303 = tpu.vector_load %arg8[%get3A_301, %get3A_302] {strides = array<i32>} : memref<32x768xf32, #tpu.memory_space<vmem>>, vector<1x16xf32>,
      %get3A_304 = vector.shape_cast %get3A_303 : vector<1x16xf32> to vector<16xf32>
      %add3A_305 = arith.addf %get3A_300, %get3A_304 : vector<16xf32>
      %swap3A_306 = arith.index_cast %scan3A_46 : i32 to index
      %swap3A_307 = arith.constant 288 : index
      %swap3A_308 = tpu.vector_load %arg7[%swap3A_306, %swap3A_307] {strides = array<i32>} : memref<32x768xf32, #tpu.memory_space<vmem>>, vector<1x16xf32>,
      %swap3A_309 = vector.shape_cast %swap3A_308 : vector<1x16xf32> to vector<16xf32>
      %swap3A_310 = vector.shape_cast %add3A_305 : vector<16xf32> to vector<1x16xf32>
      tpu.vector_store %arg7[%swap3A_306, %swap3A_307], %swap3A_310 {strides = array<i32>} : memref<32x768xf32, #tpu.memory_space<vmem>>, vector<1x16xf32>,
      %get3A_311 = arith.index_cast %scan3A_46 : i32 to index
      %get3A_312 = arith.constant 304 : index
      %get3A_313 = tpu.vector_load %arg7[%get3A_311, %get3A_312] {strides = array<i32>} : memref<32x768xf32, #tpu.memory_space<vmem>>, vector<1x16xf32>,
      %get3A_314 = vector.shape_cast %get3A_313 : vector<1x16xf32> to vector<16xf32>
      %get3A_315 = arith.index_cast %scan3A_46 : i32 to index
      %get3A_316 = arith.constant 304 : index
      %get3A_317 = tpu.vector_load %arg8[%get3A_315, %get3A_316] {strides = array<i32>} : memref<32x768xf32, #tpu.memory_space<vmem>>, vector<1x16xf32>,
      %get3A_318 = vector.shape_cast %get3A_317 : vector<1x16xf32> to vector<16xf32>
      %add3A_319 = arith.addf %get3A_314, %get3A_318 : vector<16xf32>
      %swap3A_320 = arith.index_cast %scan3A_46 : i32 to index
      %swap3A_321 = arith.constant 304 : index
      %swap3A_322 = tpu.vector_load %arg7[%swap3A_320, %swap3A_321] {strides = array<i32>} : memref<32x768xf32, #tpu.memory_space<vmem>>, vector<1x16xf32>,
      %swap3A_323 = vector.shape_cast %swap3A_322 : vector<1x16xf32> to vector<16xf32>
      %swap3A_324 = vector.shape_cast %add3A_319 : vector<16xf32> to vector<1x16xf32>
      tpu.vector_store %arg7[%swap3A_320, %swap3A_321], %swap3A_324 {strides = array<i32>} : memref<32x768xf32, #tpu.memory_space<vmem>>, vector<1x16xf32>,
      %get3A_325 = arith.index_cast %scan3A_46 : i32 to index
      %get3A_326 = arith.constant 320 : index
      %get3A_327 = tpu.vector_load %arg7[%get3A_325, %get3A_326] {strides = array<i32>} : memref<32x768xf32, #tpu.memory_space<vmem>>, vector<1x16xf32>,
      %get3A_328 = vector.shape_cast %get3A_327 : vector<1x16xf32> to vector<16xf32>
      %get3A_329 = arith.index_cast %scan3A_46 : i32 to index
      %get3A_330 = arith.constant 320 : index
      %get3A_331 = tpu.vector_load %arg8[%get3A_329, %get3A_330] {strides = array<i32>} : memref<32x768xf32, #tpu.memory_space<vmem>>, vector<1x16xf32>,
      %get3A_332 = vector.shape_cast %get3A_331 : vector<1x16xf32> to vector<16xf32>
      %add3A_333 = arith.addf %get3A_328, %get3A_332 : vector<16xf32>
      %swap3A_334 = arith.index_cast %scan3A_46 : i32 to index
      %swap3A_335 = arith.constant 320 : index
      %swap3A_336 = tpu.vector_load %arg7[%swap3A_334, %swap3A_335] {strides = array<i32>} : memref<32x768xf32, #tpu.memory_space<vmem>>, vector<1x16xf32>,
      %swap3A_337 = vector.shape_cast %swap3A_336 : vector<1x16xf32> to vector<16xf32>
      %swap3A_338 = vector.shape_cast %add3A_333 : vector<16xf32> to vector<1x16xf32>
      tpu.vector_store %arg7[%swap3A_334, %swap3A_335], %swap3A_338 {strides = array<i32>} : memref<32x768xf32, #tpu.memory_space<vmem>>, vector<1x16xf32>,
      %get3A_339 = arith.index_cast %scan3A_46 : i32 to index
      %get3A_340 = arith.constant 336 : index
      %get3A_341 = tpu.vector_load %arg7[%get3A_339, %get3A_340] {strides = array<i32>} : memref<32x768xf32, #tpu.memory_space<vmem>>, vector<1x16xf32>,
      %get3A_342 = vector.shape_cast %get3A_341 : vector<1x16xf32> to vector<16xf32>
      %get3A_343 = arith.index_cast %scan3A_46 : i32 to index
      %get3A_344 = arith.constant 336 : index
      %get3A_345 = tpu.vector_load %arg8[%get3A_343, %get3A_344] {strides = array<i32>} : memref<32x768xf32, #tpu.memory_space<vmem>>, vector<1x16xf32>,
      %get3A_346 = vector.shape_cast %get3A_345 : vector<1x16xf32> to vector<16xf32>
      %add3A_347 = arith.addf %get3A_342, %get3A_346 : vector<16xf32>
      %swap3A_348 = arith.index_cast %scan3A_46 : i32 to index
      %swap3A_349 = arith.constant 336 : index
      %swap3A_350 = tpu.vector_load %arg7[%swap3A_348, %swap3A_349] {strides = array<i32>} : memref<32x768xf32, #tpu.memory_space<vmem>>, vector<1x16xf32>,
      %swap3A_351 = vector.shape_cast %swap3A_350 : vector<1x16xf32> to vector<16xf32>
      %swap3A_352 = vector.shape_cast %add3A_347 : vector<16xf32> to vector<1x16xf32>
      tpu.vector_store %arg7[%swap3A_348, %swap3A_349], %swap3A_352 {strides = array<i32>} : memref<32x768xf32, #tpu.memory_space<vmem>>, vector<1x16xf32>,
      %get3A_353 = arith.index_cast %scan3A_46 : i32 to index
      %get3A_354 = arith.constant 352 : index
      %get3A_355 = tpu.vector_load %arg7[%get3A_353, %get3A_354] {strides = array<i32>} : memref<32x768xf32, #tpu.memory_space<vmem>>, vector<1x16xf32>,
      %get3A_356 = vector.shape_cast %get3A_355 : vector<1x16xf32> to vector<16xf32>
      %get3A_357 = arith.index_cast %scan3A_46 : i32 to index
      %get3A_358 = arith.constant 352 : index
      %get3A_359 = tpu.vector_load %arg8[%get3A_357, %get3A_358] {strides = array<i32>} : memref<32x768xf32, #tpu.memory_space<vmem>>, vector<1x16xf32>,
      %get3A_360 = vector.shape_cast %get3A_359 : vector<1x16xf32> to vector<16xf32>
      %add3A_361 = arith.addf %get3A_356, %get3A_360 : vector<16xf32>
      %swap3A_362 = arith.index_cast %scan3A_46 : i32 to index
      %swap3A_363 = arith.constant 352 : index
      %swap3A_364 = tpu.vector_load %arg7[%swap3A_362, %swap3A_363] {strides = array<i32>} : memref<32x768xf32, #tpu.memory_space<vmem>>, vector<1x16xf32>,
      %swap3A_365 = vector.shape_cast %swap3A_364 : vector<1x16xf32> to vector<16xf32>
      %swap3A_366 = vector.shape_cast %add3A_361 : vector<16xf32> to vector<1x16xf32>
      tpu.vector_store %arg7[%swap3A_362, %swap3A_363], %swap3A_366 {strides = array<i32>} : memref<32x768xf32, #tpu.memory_space<vmem>>, vector<1x16xf32>,
      %get3A_367 = arith.index_cast %scan3A_46 : i32 to index
      %get3A_368 = arith.constant 368 : index
      %get3A_369 = tpu.vector_load %arg7[%get3A_367, %get3A_368] {strides = array<i32>} : memref<32x768xf32, #tpu.memory_space<vmem>>, vector<1x16xf32>,
      %get3A_370 = vector.shape_cast %get3A_369 : vector<1x16xf32> to vector<16xf32>
      %get3A_371 = arith.index_cast %scan3A_46 : i32 to index
      %get3A_372 = arith.constant 368 : index
      %get3A_373 = tpu.vector_load %arg8[%get3A_371, %get3A_372] {strides = array<i32>} : memref<32x768xf32, #tpu.memory_space<vmem>>, vector<1x16xf32>,
      %get3A_374 = vector.shape_cast %get3A_373 : vector<1x16xf32> to vector<16xf32>
      %add3A_375 = arith.addf %get3A_370, %get3A_374 : vector<16xf32>
      %swap3A_376 = arith.index_cast %scan3A_46 : i32 to index
      %swap3A_377 = arith.constant 368 : index
      %swap3A_378 = tpu.vector_load %arg7[%swap3A_376, %swap3A_377] {strides = array<i32>} : memref<32x768xf32, #tpu.memory_space<vmem>>, vector<1x16xf32>,
      %swap3A_379 = vector.shape_cast %swap3A_378 : vector<1x16xf32> to vector<16xf32>
      %swap3A_380 = vector.shape_cast %add3A_375 : vector<16xf32> to vector<1x16xf32>
      tpu.vector_store %arg7[%swap3A_376, %swap3A_377], %swap3A_380 {strides = array<i32>} : memref<32x768xf32, #tpu.memory_space<vmem>>, vector<1x16xf32>,
      %get3A_381 = arith.index_cast %scan3A_46 : i32 to index
      %get3A_382 = arith.constant 384 : index
      %get3A_383 = tpu.vector_load %arg7[%get3A_381, %get3A_382] {strides = array<i32>} : memref<32x768xf32, #tpu.memory_space<vmem>>, vector<1x16xf32>,
      %get3A_384 = vector.shape_cast %get3A_383 : vector<1x16xf32> to vector<16xf32>
      %get3A_385 = arith.index_cast %scan3A_46 : i32 to index
      %get3A_386 = arith.constant 384 : index
      %get3A_387 = tpu.vector_load %arg8[%get3A_385, %get3A_386] {strides = array<i32>} : memref<32x768xf32, #tpu.memory_space<vmem>>, vector<1x16xf32>,
      %get3A_388 = vector.shape_cast %get3A_387 : vector<1x16xf32> to vector<16xf32>
      %add3A_389 = arith.addf %get3A_384, %get3A_388 : vector<16xf32>
      %swap3A_390 = arith.index_cast %scan3A_46 : i32 to index
      %swap3A_391 = arith.constant 384 : index
      %swap3A_392 = tpu.vector_load %arg7[%swap3A_390, %swap3A_391] {strides = array<i32>} : memref<32x768xf32, #tpu.memory_space<vmem>>, vector<1x16xf32>,
      %swap3A_393 = vector.shape_cast %swap3A_392 : vector<1x16xf32> to vector<16xf32>
      %swap3A_394 = vector.shape_cast %add3A_389 : vector<16xf32> to vector<1x16xf32>
      tpu.vector_store %arg7[%swap3A_390, %swap3A_391], %swap3A_394 {strides = array<i32>} : memref<32x768xf32, #tpu.memory_space<vmem>>, vector<1x16xf32>,
      %get3A_395 = arith.index_cast %scan3A_46 : i32 to index
      %get3A_396 = arith.constant 400 : index
      %get3A_397 = tpu.vector_load %arg7[%get3A_395, %get3A_396] {strides = array<i32>} : memref<32x768xf32, #tpu.memory_space<vmem>>, vector<1x16xf32>,
      %get3A_398 = vector.shape_cast %get3A_397 : vector<1x16xf32> to vector<16xf32>
      %get3A_399 = arith.index_cast %scan3A_46 : i32 to index
      %get3A_400 = arith.constant 400 : index
      %get3A_401 = tpu.vector_load %arg8[%get3A_399, %get3A_400] {strides = array<i32>} : memref<32x768xf32, #tpu.memory_space<vmem>>, vector<1x16xf32>,
      %get3A_402 = vector.shape_cast %get3A_401 : vector<1x16xf32> to vector<16xf32>
      %add3A_403 = arith.addf %get3A_398, %get3A_402 : vector<16xf32>
      %swap3A_404 = arith.index_cast %scan3A_46 : i32 to index
      %swap3A_405 = arith.constant 400 : index
      %swap3A_406 = tpu.vector_load %arg7[%swap3A_404, %swap3A_405] {strides = array<i32>} : memref<32x768xf32, #tpu.memory_space<vmem>>, vector<1x16xf32>,
      %swap3A_407 = vector.shape_cast %swap3A_406 : vector<1x16xf32> to vector<16xf32>
      %swap3A_408 = vector.shape_cast %add3A_403 : vector<16xf32> to vector<1x16xf32>
      tpu.vector_store %arg7[%swap3A_404, %swap3A_405], %swap3A_408 {strides = array<i32>} : memref<32x768xf32, #tpu.memory_space<vmem>>, vector<1x16xf32>,
      %get3A_409 = arith.index_cast %scan3A_46 : i32 to index
      %get3A_410 = arith.constant 416 : index
      %get3A_411 = tpu.vector_load %arg7[%get3A_409, %get3A_410] {strides = array<i32>} : memref<32x768xf32, #tpu.memory_space<vmem>>, vector<1x16xf32>,
      %get3A_412 = vector.shape_cast %get3A_411 : vector<1x16xf32> to vector<16xf32>
      %get3A_413 = arith.index_cast %scan3A_46 : i32 to index
      %get3A_414 = arith.constant 416 : index
      %get3A_415 = tpu.vector_load %arg8[%get3A_413, %get3A_414] {strides = array<i32>} : memref<32x768xf32, #tpu.memory_space<vmem>>, vector<1x16xf32>,
      %get3A_416 = vector.shape_cast %get3A_415 : vector<1x16xf32> to vector<16xf32>
      %add3A_417 = arith.addf %get3A_412, %get3A_416 : vector<16xf32>
      %swap3A_418 = arith.index_cast %scan3A_46 : i32 to index
      %swap3A_419 = arith.constant 416 : index
      %swap3A_420 = tpu.vector_load %arg7[%swap3A_418, %swap3A_419] {strides = array<i32>} : memref<32x768xf32, #tpu.memory_space<vmem>>, vector<1x16xf32>,
      %swap3A_421 = vector.shape_cast %swap3A_420 : vector<1x16xf32> to vector<16xf32>
      %swap3A_422 = vector.shape_cast %add3A_417 : vector<16xf32> to vector<1x16xf32>
      tpu.vector_store %arg7[%swap3A_418, %swap3A_419], %swap3A_422 {strides = array<i32>} : memref<32x768xf32, #tpu.memory_space<vmem>>, vector<1x16xf32>,
      %get3A_423 = arith.index_cast %scan3A_46 : i32 to index
      %get3A_424 = arith.constant 432 : index
      %get3A_425 = tpu.vector_load %arg7[%get3A_423, %get3A_424] {strides = array<i32>} : memref<32x768xf32, #tpu.memory_space<vmem>>, vector<1x16xf32>,
      %get3A_426 = vector.shape_cast %get3A_425 : vector<1x16xf32> to vector<16xf32>
      %get3A_427 = arith.index_cast %scan3A_46 : i32 to index
      %get3A_428 = arith.constant 432 : index
      %get3A_429 = tpu.vector_load %arg8[%get3A_427, %get3A_428] {strides = array<i32>} : memref<32x768xf32, #tpu.memory_space<vmem>>, vector<1x16xf32>,
      %get3A_430 = vector.shape_cast %get3A_429 : vector<1x16xf32> to vector<16xf32>
      %add3A_431 = arith.addf %get3A_426, %get3A_430 : vector<16xf32>
      %swap3A_432 = arith.index_cast %scan3A_46 : i32 to index
      %swap3A_433 = arith.constant 432 : index
      %swap3A_434 = tpu.vector_load %arg7[%swap3A_432, %swap3A_433] {strides = array<i32>} : memref<32x768xf32, #tpu.memory_space<vmem>>, vector<1x16xf32>,
      %swap3A_435 = vector.shape_cast %swap3A_434 : vector<1x16xf32> to vector<16xf32>
      %swap3A_436 = vector.shape_cast %add3A_431 : vector<16xf32> to vector<1x16xf32>
      tpu.vector_store %arg7[%swap3A_432, %swap3A_433], %swap3A_436 {strides = array<i32>} : memref<32x768xf32, #tpu.memory_space<vmem>>, vector<1x16xf32>,
      %get3A_437 = arith.index_cast %scan3A_46 : i32 to index
      %get3A_438 = arith.constant 448 : index
      %get3A_439 = tpu.vector_load %arg7[%get3A_437, %get3A_438] {strides = array<i32>} : memref<32x768xf32, #tpu.memory_space<vmem>>, vector<1x16xf32>,
      %get3A_440 = vector.shape_cast %get3A_439 : vector<1x16xf32> to vector<16xf32>
      %get3A_441 = arith.index_cast %scan3A_46 : i32 to index
      %get3A_442 = arith.constant 448 : index
      %get3A_443 = tpu.vector_load %arg8[%get3A_441, %get3A_442] {strides = array<i32>} : memref<32x768xf32, #tpu.memory_space<vmem>>, vector<1x16xf32>,
      %get3A_444 = vector.shape_cast %get3A_443 : vector<1x16xf32> to vector<16xf32>
      %add3A_445 = arith.addf %get3A_440, %get3A_444 : vector<16xf32>
      %swap3A_446 = arith.index_cast %scan3A_46 : i32 to index
      %swap3A_447 = arith.constant 448 : index
      %swap3A_448 = tpu.vector_load %arg7[%swap3A_446, %swap3A_447] {strides = array<i32>} : memref<32x768xf32, #tpu.memory_space<vmem>>, vector<1x16xf32>,
      %swap3A_449 = vector.shape_cast %swap3A_448 : vector<1x16xf32> to vector<16xf32>
      %swap3A_450 = vector.shape_cast %add3A_445 : vector<16xf32> to vector<1x16xf32>
      tpu.vector_store %arg7[%swap3A_446, %swap3A_447], %swap3A_450 {strides = array<i32>} : memref<32x768xf32, #tpu.memory_space<vmem>>, vector<1x16xf32>,
      %get3A_451 = arith.index_cast %scan3A_46 : i32 to index
      %get3A_452 = arith.constant 464 : index
      %get3A_453 = tpu.vector_load %arg7[%get3A_451, %get3A_452] {strides = array<i32>} : memref<32x768xf32, #tpu.memory_space<vmem>>, vector<1x16xf32>,
      %get3A_454 = vector.shape_cast %get3A_453 : vector<1x16xf32> to vector<16xf32>
      %get3A_455 = arith.index_cast %scan3A_46 : i32 to index
      %get3A_456 = arith.constant 464 : index
      %get3A_457 = tpu.vector_load %arg8[%get3A_455, %get3A_456] {strides = array<i32>} : memref<32x768xf32, #tpu.memory_space<vmem>>, vector<1x16xf32>,
      %get3A_458 = vector.shape_cast %get3A_457 : vector<1x16xf32> to vector<16xf32>
      %add3A_459 = arith.addf %get3A_454, %get3A_458 : vector<16xf32>
      %swap3A_460 = arith.index_cast %scan3A_46 : i32 to index
      %swap3A_461 = arith.constant 464 : index
      %swap3A_462 = tpu.vector_load %arg7[%swap3A_460, %swap3A_461] {strides = array<i32>} : memref<32x768xf32, #tpu.memory_space<vmem>>, vector<1x16xf32>,
      %swap3A_463 = vector.shape_cast %swap3A_462 : vector<1x16xf32> to vector<16xf32>
      %swap3A_464 = vector.shape_cast %add3A_459 : vector<16xf32> to vector<1x16xf32>
      tpu.vector_store %arg7[%swap3A_460, %swap3A_461], %swap3A_464 {strides = array<i32>} : memref<32x768xf32, #tpu.memory_space<vmem>>, vector<1x16xf32>,
      %get3A_465 = arith.index_cast %scan3A_46 : i32 to index
      %get3A_466 = arith.constant 480 : index
      %get3A_467 = tpu.vector_load %arg7[%get3A_465, %get3A_466] {strides = array<i32>} : memref<32x768xf32, #tpu.memory_space<vmem>>, vector<1x16xf32>,
      %get3A_468 = vector.shape_cast %get3A_467 : vector<1x16xf32> to vector<16xf32>
      %get3A_469 = arith.index_cast %scan3A_46 : i32 to index
      %get3A_470 = arith.constant 480 : index
      %get3A_471 = tpu.vector_load %arg8[%get3A_469, %get3A_470] {strides = array<i32>} : memref<32x768xf32, #tpu.memory_space<vmem>>, vector<1x16xf32>,
      %get3A_472 = vector.shape_cast %get3A_471 : vector<1x16xf32> to vector<16xf32>
      %add3A_473 = arith.addf %get3A_468, %get3A_472 : vector<16xf32>
      %swap3A_474 = arith.index_cast %scan3A_46 : i32 to index
      %swap3A_475 = arith.constant 480 : index
      %swap3A_476 = tpu.vector_load %arg7[%swap3A_474, %swap3A_475] {strides = array<i32>} : memref<32x768xf32, #tpu.memory_space<vmem>>, vector<1x16xf32>,
      %swap3A_477 = vector.shape_cast %swap3A_476 : vector<1x16xf32> to vector<16xf32>
      %swap3A_478 = vector.shape_cast %add3A_473 : vector<16xf32> to vector<1x16xf32>
      tpu.vector_store %arg7[%swap3A_474, %swap3A_475], %swap3A_478 {strides = array<i32>} : memref<32x768xf32, #tpu.memory_space<vmem>>, vector<1x16xf32>,
      %get3A_479 = arith.index_cast %scan3A_46 : i32 to index
      %get3A_480 = arith.constant 496 : index
      %get3A_481 = tpu.vector_load %arg7[%get3A_479, %get3A_480] {strides = array<i32>} : memref<32x768xf32, #tpu.memory_space<vmem>>, vector<1x16xf32>,
      %get3A_482 = vector.shape_cast %get3A_481 : vector<1x16xf32> to vector<16xf32>
      %get3A_483 = arith.index_cast %scan3A_46 : i32 to index
      %get3A_484 = arith.constant 496 : index
      %get3A_485 = tpu.vector_load %arg8[%get3A_483, %get3A_484] {strides = array<i32>} : memref<32x768xf32, #tpu.memory_space<vmem>>, vector<1x16xf32>,
      %get3A_486 = vector.shape_cast %get3A_485 : vector<1x16xf32> to vector<16xf32>
      %add3A_487 = arith.addf %get3A_482, %get3A_486 : vector<16xf32>
      %swap3A_488 = arith.index_cast %scan3A_46 : i32 to index
      %swap3A_489 = arith.constant 496 : index
      %swap3A_490 = tpu.vector_load %arg7[%swap3A_488, %swap3A_489] {strides = array<i32>} : memref<32x768xf32, #tpu.memory_space<vmem>>, vector<1x16xf32>,
      %swap3A_491 = vector.shape_cast %swap3A_490 : vector<1x16xf32> to vector<16xf32>
      %swap3A_492 = vector.shape_cast %add3A_487 : vector<16xf32> to vector<1x16xf32>
      tpu.vector_store %arg7[%swap3A_488, %swap3A_489], %swap3A_492 {strides = array<i32>} : memref<32x768xf32, #tpu.memory_space<vmem>>, vector<1x16xf32>,
      %get3A_493 = arith.index_cast %scan3A_46 : i32 to index
      %get3A_494 = arith.constant 512 : index
      %get3A_495 = tpu.vector_load %arg7[%get3A_493, %get3A_494] {strides = array<i32>} : memref<32x768xf32, #tpu.memory_space<vmem>>, vector<1x16xf32>,
      %get3A_496 = vector.shape_cast %get3A_495 : vector<1x16xf32> to vector<16xf32>
      %get3A_497 = arith.index_cast %scan3A_46 : i32 to index
      %get3A_498 = arith.constant 512 : index
      %get3A_499 = tpu.vector_load %arg8[%get3A_497, %get3A_498] {strides = array<i32>} : memref<32x768xf32, #tpu.memory_space<vmem>>, vector<1x16xf32>,
      %get3A_500 = vector.shape_cast %get3A_499 : vector<1x16xf32> to vector<16xf32>
      %add3A_501 = arith.addf %get3A_496, %get3A_500 : vector<16xf32>
      %swap3A_502 = arith.index_cast %scan3A_46 : i32 to index
      %swap3A_503 = arith.constant 512 : index
      %swap3A_504 = tpu.vector_load %arg7[%swap3A_502, %swap3A_503] {strides = array<i32>} : memref<32x768xf32, #tpu.memory_space<vmem>>, vector<1x16xf32>,
      %swap3A_505 = vector.shape_cast %swap3A_504 : vector<1x16xf32> to vector<16xf32>
      %swap3A_506 = vector.shape_cast %add3A_501 : vector<16xf32> to vector<1x16xf32>
      tpu.vector_store %arg7[%swap3A_502, %swap3A_503], %swap3A_506 {strides = array<i32>} : memref<32x768xf32, #tpu.memory_space<vmem>>, vector<1x16xf32>,
      %get3A_507 = arith.index_cast %scan3A_46 : i32 to index
      %get3A_508 = arith.constant 528 : index
      %get3A_509 = tpu.vector_load %arg7[%get3A_507, %get3A_508] {strides = array<i32>} : memref<32x768xf32, #tpu.memory_space<vmem>>, vector<1x16xf32>,
      %get3A_510 = vector.shape_cast %get3A_509 : vector<1x16xf32> to vector<16xf32>
      %get3A_511 = arith.index_cast %scan3A_46 : i32 to index
      %get3A_512 = arith.constant 528 : index
      %get3A_513 = tpu.vector_load %arg8[%get3A_511, %get3A_512] {strides = array<i32>} : memref<32x768xf32, #tpu.memory_space<vmem>>, vector<1x16xf32>,
      %get3A_514 = vector.shape_cast %get3A_513 : vector<1x16xf32> to vector<16xf32>
      %add3A_515 = arith.addf %get3A_510, %get3A_514 : vector<16xf32>
      %swap3A_516 = arith.index_cast %scan3A_46 : i32 to index
      %swap3A_517 = arith.constant 528 : index
      %swap3A_518 = tpu.vector_load %arg7[%swap3A_516, %swap3A_517] {strides = array<i32>} : memref<32x768xf32, #tpu.memory_space<vmem>>, vector<1x16xf32>,
      %swap3A_519 = vector.shape_cast %swap3A_518 : vector<1x16xf32> to vector<16xf32>
      %swap3A_520 = vector.shape_cast %add3A_515 : vector<16xf32> to vector<1x16xf32>
      tpu.vector_store %arg7[%swap3A_516, %swap3A_517], %swap3A_520 {strides = array<i32>} : memref<32x768xf32, #tpu.memory_space<vmem>>, vector<1x16xf32>,
      %get3A_521 = arith.index_cast %scan3A_46 : i32 to index
      %get3A_522 = arith.constant 544 : index
      %get3A_523 = tpu.vector_load %arg7[%get3A_521, %get3A_522] {strides = array<i32>} : memref<32x768xf32, #tpu.memory_space<vmem>>, vector<1x16xf32>,
      %get3A_524 = vector.shape_cast %get3A_523 : vector<1x16xf32> to vector<16xf32>
      %get3A_525 = arith.index_cast %scan3A_46 : i32 to index
      %get3A_526 = arith.constant 544 : index
      %get3A_527 = tpu.vector_load %arg8[%get3A_525, %get3A_526] {strides = array<i32>} : memref<32x768xf32, #tpu.memory_space<vmem>>, vector<1x16xf32>,
      %get3A_528 = vector.shape_cast %get3A_527 : vector<1x16xf32> to vector<16xf32>
      %add3A_529 = arith.addf %get3A_524, %get3A_528 : vector<16xf32>
      %swap3A_530 = arith.index_cast %scan3A_46 : i32 to index
      %swap3A_531 = arith.constant 544 : index
      %swap3A_532 = tpu.vector_load %arg7[%swap3A_530, %swap3A_531] {strides = array<i32>} : memref<32x768xf32, #tpu.memory_space<vmem>>, vector<1x16xf32>,
      %swap3A_533 = vector.shape_cast %swap3A_532 : vector<1x16xf32> to vector<16xf32>
      %swap3A_534 = vector.shape_cast %add3A_529 : vector<16xf32> to vector<1x16xf32>
      tpu.vector_store %arg7[%swap3A_530, %swap3A_531], %swap3A_534 {strides = array<i32>} : memref<32x768xf32, #tpu.memory_space<vmem>>, vector<1x16xf32>,
      %get3A_535 = arith.index_cast %scan3A_46 : i32 to index
      %get3A_536 = arith.constant 560 : index
      %get3A_537 = tpu.vector_load %arg7[%get3A_535, %get3A_536] {strides = array<i32>} : memref<32x768xf32, #tpu.memory_space<vmem>>, vector<1x16xf32>,
      %get3A_538 = vector.shape_cast %get3A_537 : vector<1x16xf32> to vector<16xf32>
      %get3A_539 = arith.index_cast %scan3A_46 : i32 to index
      %get3A_540 = arith.constant 560 : index
      %get3A_541 = tpu.vector_load %arg8[%get3A_539, %get3A_540] {strides = array<i32>} : memref<32x768xf32, #tpu.memory_space<vmem>>, vector<1x16xf32>,
      %get3A_542 = vector.shape_cast %get3A_541 : vector<1x16xf32> to vector<16xf32>
      %add3A_543 = arith.addf %get3A_538, %get3A_542 : vector<16xf32>
      %swap3A_544 = arith.index_cast %scan3A_46 : i32 to index
      %swap3A_545 = arith.constant 560 : index
      %swap3A_546 = tpu.vector_load %arg7[%swap3A_544, %swap3A_545] {strides = array<i32>} : memref<32x768xf32, #tpu.memory_space<vmem>>, vector<1x16xf32>,
      %swap3A_547 = vector.shape_cast %swap3A_546 : vector<1x16xf32> to vector<16xf32>
      %swap3A_548 = vector.shape_cast %add3A_543 : vector<16xf32> to vector<1x16xf32>
      tpu.vector_store %arg7[%swap3A_544, %swap3A_545], %swap3A_548 {strides = array<i32>} : memref<32x768xf32, #tpu.memory_space<vmem>>, vector<1x16xf32>,
      %get3A_549 = arith.index_cast %scan3A_46 : i32 to index
      %get3A_550 = arith.constant 576 : index
      %get3A_551 = tpu.vector_load %arg7[%get3A_549, %get3A_550] {strides = array<i32>} : memref<32x768xf32, #tpu.memory_space<vmem>>, vector<1x16xf32>,
      %get3A_552 = vector.shape_cast %get3A_551 : vector<1x16xf32> to vector<16xf32>
      %get3A_553 = arith.index_cast %scan3A_46 : i32 to index
      %get3A_554 = arith.constant 576 : index
      %get3A_555 = tpu.vector_load %arg8[%get3A_553, %get3A_554] {strides = array<i32>} : memref<32x768xf32, #tpu.memory_space<vmem>>, vector<1x16xf32>,
      %get3A_556 = vector.shape_cast %get3A_555 : vector<1x16xf32> to vector<16xf32>
      %add3A_557 = arith.addf %get3A_552, %get3A_556 : vector<16xf32>
      %swap3A_558 = arith.index_cast %scan3A_46 : i32 to index
      %swap3A_559 = arith.constant 576 : index
      %swap3A_560 = tpu.vector_load %arg7[%swap3A_558, %swap3A_559] {strides = array<i32>} : memref<32x768xf32, #tpu.memory_space<vmem>>, vector<1x16xf32>,
      %swap3A_561 = vector.shape_cast %swap3A_560 : vector<1x16xf32> to vector<16xf32>
      %swap3A_562 = vector.shape_cast %add3A_557 : vector<16xf32> to vector<1x16xf32>
      tpu.vector_store %arg7[%swap3A_558, %swap3A_559], %swap3A_562 {strides = array<i32>} : memref<32x768xf32, #tpu.memory_space<vmem>>, vector<1x16xf32>,
      %get3A_563 = arith.index_cast %scan3A_46 : i32 to index
      %get3A_564 = arith.constant 592 : index
      %get3A_565 = tpu.vector_load %arg7[%get3A_563, %get3A_564] {strides = array<i32>} : memref<32x768xf32, #tpu.memory_space<vmem>>, vector<1x16xf32>,
      %get3A_566 = vector.shape_cast %get3A_565 : vector<1x16xf32> to vector<16xf32>
      %get3A_567 = arith.index_cast %scan3A_46 : i32 to index
      %get3A_568 = arith.constant 592 : index
      %get3A_569 = tpu.vector_load %arg8[%get3A_567, %get3A_568] {strides = array<i32>} : memref<32x768xf32, #tpu.memory_space<vmem>>, vector<1x16xf32>,
      %get3A_570 = vector.shape_cast %get3A_569 : vector<1x16xf32> to vector<16xf32>
      %add3A_571 = arith.addf %get3A_566, %get3A_570 : vector<16xf32>
      %swap3A_572 = arith.index_cast %scan3A_46 : i32 to index
      %swap3A_573 = arith.constant 592 : index
      %swap3A_574 = tpu.vector_load %arg7[%swap3A_572, %swap3A_573] {strides = array<i32>} : memref<32x768xf32, #tpu.memory_space<vmem>>, vector<1x16xf32>,
      %swap3A_575 = vector.shape_cast %swap3A_574 : vector<1x16xf32> to vector<16xf32>
      %swap3A_576 = vector.shape_cast %add3A_571 : vector<16xf32> to vector<1x16xf32>
      tpu.vector_store %arg7[%swap3A_572, %swap3A_573], %swap3A_576 {strides = array<i32>} : memref<32x768xf32, #tpu.memory_space<vmem>>, vector<1x16xf32>,
      %get3A_577 = arith.index_cast %scan3A_46 : i32 to index
      %get3A_578 = arith.constant 608 : index
      %get3A_579 = tpu.vector_load %arg7[%get3A_577, %get3A_578] {strides = array<i32>} : memref<32x768xf32, #tpu.memory_space<vmem>>, vector<1x16xf32>,
      %get3A_580 = vector.shape_cast %get3A_579 : vector<1x16xf32> to vector<16xf32>
      %get3A_581 = arith.index_cast %scan3A_46 : i32 to index
      %get3A_582 = arith.constant 608 : index
      %get3A_583 = tpu.vector_load %arg8[%get3A_581, %get3A_582] {strides = array<i32>} : memref<32x768xf32, #tpu.memory_space<vmem>>, vector<1x16xf32>,
      %get3A_584 = vector.shape_cast %get3A_583 : vector<1x16xf32> to vector<16xf32>
      %add3A_585 = arith.addf %get3A_580, %get3A_584 : vector<16xf32>
      %swap3A_586 = arith.index_cast %scan3A_46 : i32 to index
      %swap3A_587 = arith.constant 608 : index
      %swap3A_588 = tpu.vector_load %arg7[%swap3A_586, %swap3A_587] {strides = array<i32>} : memref<32x768xf32, #tpu.memory_space<vmem>>, vector<1x16xf32>,
      %swap3A_589 = vector.shape_cast %swap3A_588 : vector<1x16xf32> to vector<16xf32>
      %swap3A_590 = vector.shape_cast %add3A_585 : vector<16xf32> to vector<1x16xf32>
      tpu.vector_store %arg7[%swap3A_586, %swap3A_587], %swap3A_590 {strides = array<i32>} : memref<32x768xf32, #tpu.memory_space<vmem>>, vector<1x16xf32>,
      %get3A_591 = arith.index_cast %scan3A_46 : i32 to index
      %get3A_592 = arith.constant 624 : index
      %get3A_593 = tpu.vector_load %arg7[%get3A_591, %get3A_592] {strides = array<i32>} : memref<32x768xf32, #tpu.memory_space<vmem>>, vector<1x16xf32>,
      %get3A_594 = vector.shape_cast %get3A_593 : vector<1x16xf32> to vector<16xf32>
      %get3A_595 = arith.index_cast %scan3A_46 : i32 to index
      %get3A_596 = arith.constant 624 : index
      %get3A_597 = tpu.vector_load %arg8[%get3A_595, %get3A_596] {strides = array<i32>} : memref<32x768xf32, #tpu.memory_space<vmem>>, vector<1x16xf32>,
      %get3A_598 = vector.shape_cast %get3A_597 : vector<1x16xf32> to vector<16xf32>
      %add3A_599 = arith.addf %get3A_594, %get3A_598 : vector<16xf32>
      %swap3A_600 = arith.index_cast %scan3A_46 : i32 to index
      %swap3A_601 = arith.constant 624 : index
      %swap3A_602 = tpu.vector_load %arg7[%swap3A_600, %swap3A_601] {strides = array<i32>} : memref<32x768xf32, #tpu.memory_space<vmem>>, vector<1x16xf32>,
      %swap3A_603 = vector.shape_cast %swap3A_602 : vector<1x16xf32> to vector<16xf32>
      %swap3A_604 = vector.shape_cast %add3A_599 : vector<16xf32> to vector<1x16xf32>
      tpu.vector_store %arg7[%swap3A_600, %swap3A_601], %swap3A_604 {strides = array<i32>} : memref<32x768xf32, #tpu.memory_space<vmem>>, vector<1x16xf32>,
      %get3A_605 = arith.index_cast %scan3A_46 : i32 to index
      %get3A_606 = arith.constant 640 : index
      %get3A_607 = tpu.vector_load %arg7[%get3A_605, %get3A_606] {strides = array<i32>} : memref<32x768xf32, #tpu.memory_space<vmem>>, vector<1x16xf32>,
      %get3A_608 = vector.shape_cast %get3A_607 : vector<1x16xf32> to vector<16xf32>
      %get3A_609 = arith.index_cast %scan3A_46 : i32 to index
      %get3A_610 = arith.constant 640 : index
      %get3A_611 = tpu.vector_load %arg8[%get3A_609, %get3A_610] {strides = array<i32>} : memref<32x768xf32, #tpu.memory_space<vmem>>, vector<1x16xf32>,
      %get3A_612 = vector.shape_cast %get3A_611 : vector<1x16xf32> to vector<16xf32>
      %add3A_613 = arith.addf %get3A_608, %get3A_612 : vector<16xf32>
      %swap3A_614 = arith.index_cast %scan3A_46 : i32 to index
      %swap3A_615 = arith.constant 640 : index
      %swap3A_616 = tpu.vector_load %arg7[%swap3A_614, %swap3A_615] {strides = array<i32>} : memref<32x768xf32, #tpu.memory_space<vmem>>, vector<1x16xf32>,
      %swap3A_617 = vector.shape_cast %swap3A_616 : vector<1x16xf32> to vector<16xf32>
      %swap3A_618 = vector.shape_cast %add3A_613 : vector<16xf32> to vector<1x16xf32>
      tpu.vector_store %arg7[%swap3A_614, %swap3A_615], %swap3A_618 {strides = array<i32>} : memref<32x768xf32, #tpu.memory_space<vmem>>, vector<1x16xf32>,
      %get3A_619 = arith.index_cast %scan3A_46 : i32 to index
      %get3A_620 = arith.constant 656 : index
      %get3A_621 = tpu.vector_load %arg7[%get3A_619, %get3A_620] {strides = array<i32>} : memref<32x768xf32, #tpu.memory_space<vmem>>, vector<1x16xf32>,
      %get3A_622 = vector.shape_cast %get3A_621 : vector<1x16xf32> to vector<16xf32>
      %get3A_623 = arith.index_cast %scan3A_46 : i32 to index
      %get3A_624 = arith.constant 656 : index
      %get3A_625 = tpu.vector_load %arg8[%get3A_623, %get3A_624] {strides = array<i32>} : memref<32x768xf32, #tpu.memory_space<vmem>>, vector<1x16xf32>,
      %get3A_626 = vector.shape_cast %get3A_625 : vector<1x16xf32> to vector<16xf32>
      %add3A_627 = arith.addf %get3A_622, %get3A_626 : vector<16xf32>
      %swap3A_628 = arith.index_cast %scan3A_46 : i32 to index
      %swap3A_629 = arith.constant 656 : index
      %swap3A_630 = tpu.vector_load %arg7[%swap3A_628, %swap3A_629] {strides = array<i32>} : memref<32x768xf32, #tpu.memory_space<vmem>>, vector<1x16xf32>,
      %swap3A_631 = vector.shape_cast %swap3A_630 : vector<1x16xf32> to vector<16xf32>
      %swap3A_632 = vector.shape_cast %add3A_627 : vector<16xf32> to vector<1x16xf32>
      tpu.vector_store %arg7[%swap3A_628, %swap3A_629], %swap3A_632 {strides = array<i32>} : memref<32x768xf32, #tpu.memory_space<vmem>>, vector<1x16xf32>,
      %get3A_633 = arith.index_cast %scan3A_46 : i32 to index
      %get3A_634 = arith.constant 672 : index
      %get3A_635 = tpu.vector_load %arg7[%get3A_633, %get3A_634] {strides = array<i32>} : memref<32x768xf32, #tpu.memory_space<vmem>>, vector<1x16xf32>,
      %get3A_636 = vector.shape_cast %get3A_635 : vector<1x16xf32> to vector<16xf32>
      %get3A_637 = arith.index_cast %scan3A_46 : i32 to index
      %get3A_638 = arith.constant 672 : index
      %get3A_639 = tpu.vector_load %arg8[%get3A_637, %get3A_638] {strides = array<i32>} : memref<32x768xf32, #tpu.memory_space<vmem>>, vector<1x16xf32>,
      %get3A_640 = vector.shape_cast %get3A_639 : vector<1x16xf32> to vector<16xf32>
      %add3A_641 = arith.addf %get3A_636, %get3A_640 : vector<16xf32>
      %swap3A_642 = arith.index_cast %scan3A_46 : i32 to index
      %swap3A_643 = arith.constant 672 : index
      %swap3A_644 = tpu.vector_load %arg7[%swap3A_642, %swap3A_643] {strides = array<i32>} : memref<32x768xf32, #tpu.memory_space<vmem>>, vector<1x16xf32>,
      %swap3A_645 = vector.shape_cast %swap3A_644 : vector<1x16xf32> to vector<16xf32>
      %swap3A_646 = vector.shape_cast %add3A_641 : vector<16xf32> to vector<1x16xf32>
      tpu.vector_store %arg7[%swap3A_642, %swap3A_643], %swap3A_646 {strides = array<i32>} : memref<32x768xf32, #tpu.memory_space<vmem>>, vector<1x16xf32>,
      %get3A_647 = arith.index_cast %scan3A_46 : i32 to index
      %get3A_648 = arith.constant 688 : index
      %get3A_649 = tpu.vector_load %arg7[%get3A_647, %get3A_648] {strides = array<i32>} : memref<32x768xf32, #tpu.memory_space<vmem>>, vector<1x16xf32>,
      %get3A_650 = vector.shape_cast %get3A_649 : vector<1x16xf32> to vector<16xf32>
      %get3A_651 = arith.index_cast %scan3A_46 : i32 to index
      %get3A_652 = arith.constant 688 : index
      %get3A_653 = tpu.vector_load %arg8[%get3A_651, %get3A_652] {strides = array<i32>} : memref<32x768xf32, #tpu.memory_space<vmem>>, vector<1x16xf32>,
      %get3A_654 = vector.shape_cast %get3A_653 : vector<1x16xf32> to vector<16xf32>
      %add3A_655 = arith.addf %get3A_650, %get3A_654 : vector<16xf32>
      %swap3A_656 = arith.index_cast %scan3A_46 : i32 to index
      %swap3A_657 = arith.constant 688 : index
      %swap3A_658 = tpu.vector_load %arg7[%swap3A_656, %swap3A_657] {strides = array<i32>} : memref<32x768xf32, #tpu.memory_space<vmem>>, vector<1x16xf32>,
      %swap3A_659 = vector.shape_cast %swap3A_658 : vector<1x16xf32> to vector<16xf32>
      %swap3A_660 = vector.shape_cast %add3A_655 : vector<16xf32> to vector<1x16xf32>
      tpu.vector_store %arg7[%swap3A_656, %swap3A_657], %swap3A_660 {strides = array<i32>} : memref<32x768xf32, #tpu.memory_space<vmem>>, vector<1x16xf32>,
      %get3A_661 = arith.index_cast %scan3A_46 : i32 to index
      %get3A_662 = arith.constant 704 : index
      %get3A_663 = tpu.vector_load %arg7[%get3A_661, %get3A_662] {strides = array<i32>} : memref<32x768xf32, #tpu.memory_space<vmem>>, vector<1x16xf32>,
      %get3A_664 = vector.shape_cast %get3A_663 : vector<1x16xf32> to vector<16xf32>
      %get3A_665 = arith.index_cast %scan3A_46 : i32 to index
      %get3A_666 = arith.constant 704 : index
      %get3A_667 = tpu.vector_load %arg8[%get3A_665, %get3A_666] {strides = array<i32>} : memref<32x768xf32, #tpu.memory_space<vmem>>, vector<1x16xf32>,
      %get3A_668 = vector.shape_cast %get3A_667 : vector<1x16xf32> to vector<16xf32>
      %add3A_669 = arith.addf %get3A_664, %get3A_668 : vector<16xf32>
      %swap3A_670 = arith.index_cast %scan3A_46 : i32 to index
      %swap3A_671 = arith.constant 704 : index
      %swap3A_672 = tpu.vector_load %arg7[%swap3A_670, %swap3A_671] {strides = array<i32>} : memref<32x768xf32, #tpu.memory_space<vmem>>, vector<1x16xf32>,
      %swap3A_673 = vector.shape_cast %swap3A_672 : vector<1x16xf32> to vector<16xf32>
      %swap3A_674 = vector.shape_cast %add3A_669 : vector<16xf32> to vector<1x16xf32>
      tpu.vector_store %arg7[%swap3A_670, %swap3A_671], %swap3A_674 {strides = array<i32>} : memref<32x768xf32, #tpu.memory_space<vmem>>, vector<1x16xf32>,
      %get3A_675 = arith.index_cast %scan3A_46 : i32 to index
      %get3A_676 = arith.constant 720 : index
      %get3A_677 = tpu.vector_load %arg7[%get3A_675, %get3A_676] {strides = array<i32>} : memref<32x768xf32, #tpu.memory_space<vmem>>, vector<1x16xf32>,
      %get3A_678 = vector.shape_cast %get3A_677 : vector<1x16xf32> to vector<16xf32>
      %get3A_679 = arith.index_cast %scan3A_46 : i32 to index
      %get3A_680 = arith.constant 720 : index
      %get3A_681 = tpu.vector_load %arg8[%get3A_679, %get3A_680] {strides = array<i32>} : memref<32x768xf32, #tpu.memory_space<vmem>>, vector<1x16xf32>,
      %get3A_682 = vector.shape_cast %get3A_681 : vector<1x16xf32> to vector<16xf32>
      %add3A_683 = arith.addf %get3A_678, %get3A_682 : vector<16xf32>
      %swap3A_684 = arith.index_cast %scan3A_46 : i32 to index
      %swap3A_685 = arith.constant 720 : index
      %swap3A_686 = tpu.vector_load %arg7[%swap3A_684, %swap3A_685] {strides = array<i32>} : memref<32x768xf32, #tpu.memory_space<vmem>>, vector<1x16xf32>,
      %swap3A_687 = vector.shape_cast %swap3A_686 : vector<1x16xf32> to vector<16xf32>
      %swap3A_688 = vector.shape_cast %add3A_683 : vector<16xf32> to vector<1x16xf32>
      tpu.vector_store %arg7[%swap3A_684, %swap3A_685], %swap3A_688 {strides = array<i32>} : memref<32x768xf32, #tpu.memory_space<vmem>>, vector<1x16xf32>,
      %get3A_689 = arith.index_cast %scan3A_46 : i32 to index
      %get3A_690 = arith.constant 736 : index
      %get3A_691 = tpu.vector_load %arg7[%get3A_689, %get3A_690] {strides = array<i32>} : memref<32x768xf32, #tpu.memory_space<vmem>>, vector<1x16xf32>,
      %get3A_692 = vector.shape_cast %get3A_691 : vector<1x16xf32> to vector<16xf32>
      %get3A_693 = arith.index_cast %scan3A_46 : i32 to index
      %get3A_694 = arith.constant 736 : index
      %get3A_695 = tpu.vector_load %arg8[%get3A_693, %get3A_694] {strides = array<i32>} : memref<32x768xf32, #tpu.memory_space<vmem>>, vector<1x16xf32>,
      %get3A_696 = vector.shape_cast %get3A_695 : vector<1x16xf32> to vector<16xf32>
      %add3A_697 = arith.addf %get3A_692, %get3A_696 : vector<16xf32>
      %swap3A_698 = arith.index_cast %scan3A_46 : i32 to index
      %swap3A_699 = arith.constant 736 : index
      %swap3A_700 = tpu.vector_load %arg7[%swap3A_698, %swap3A_699] {strides = array<i32>} : memref<32x768xf32, #tpu.memory_space<vmem>>, vector<1x16xf32>,
      %swap3A_701 = vector.shape_cast %swap3A_700 : vector<1x16xf32> to vector<16xf32>
      %swap3A_702 = vector.shape_cast %add3A_697 : vector<16xf32> to vector<1x16xf32>
      tpu.vector_store %arg7[%swap3A_698, %swap3A_699], %swap3A_702 {strides = array<i32>} : memref<32x768xf32, #tpu.memory_space<vmem>>, vector<1x16xf32>,
      %get3A_703 = arith.index_cast %scan3A_46 : i32 to index
      %get3A_704 = arith.constant 752 : index
      %get3A_705 = tpu.vector_load %arg7[%get3A_703, %get3A_704] {strides = array<i32>} : memref<32x768xf32, #tpu.memory_space<vmem>>, vector<1x16xf32>,
      %get3A_706 = vector.shape_cast %get3A_705 : vector<1x16xf32> to vector<16xf32>
      %get3A_707 = arith.index_cast %scan3A_46 : i32 to index
      %get3A_708 = arith.constant 752 : index
      %get3A_709 = tpu.vector_load %arg8[%get3A_707, %get3A_708] {strides = array<i32>} : memref<32x768xf32, #tpu.memory_space<vmem>>, vector<1x16xf32>,
      %get3A_710 = vector.shape_cast %get3A_709 : vector<1x16xf32> to vector<16xf32>
      %add3A_711 = arith.addf %get3A_706, %get3A_710 : vector<16xf32>
      %swap3A_712 = arith.index_cast %scan3A_46 : i32 to index
      %swap3A_713 = arith.constant 752 : index
      %swap3A_714 = tpu.vector_load %arg7[%swap3A_712, %swap3A_713] {strides = array<i32>} : memref<32x768xf32, #tpu.memory_space<vmem>>, vector<1x16xf32>,
      %swap3A_715 = vector.shape_cast %swap3A_714 : vector<1x16xf32> to vector<16xf32>
      %swap3A_716 = vector.shape_cast %add3A_711 : vector<16xf32> to vector<1x16xf32>
      tpu.vector_store %arg7[%swap3A_712, %swap3A_713], %swap3A_716 {strides = array<i32>} : memref<32x768xf32, #tpu.memory_space<vmem>>, vector<1x16xf32>,
    }
    %scan3A_21 = arith.constant 32 : i32
    "tpu.region"() ({
      %run_scoped3A = tpu.sem_alloc : memref<!tpu.dma_semaphore, #tpu.memory_space<semaphore_mem>>
      %dma_start3A_46 = arith.constant 0 : i32
      %dma_start3A_47 = tpu.memref_slice %arg4[%add3A_4, %dma_start3A_46] : memref<2048x768xf32, #tpu.memory_space<hbm>> -> memref<32x768xf32, #tpu.memory_space<hbm>>
      %dma_start3A_48 = arith.constant 0 : i32
      %dma_start3A_49 = tpu.memref_slice %arg4[%add3A_4, %dma_start3A_48] : memref<2048x768xf32, #tpu.memory_space<hbm>> -> memref<32x768xf32, #tpu.memory_space<hbm>>
      tpu.enqueue_dma source(%arg7 : memref<32x768xf32, #tpu.memory_space<vmem>>) target(%dma_start3A_49 : memref<32x768xf32, #tpu.memory_space<hbm>>) target_semaphore(%run_scoped3A : memref<!tpu.dma_semaphore, #tpu.memory_space<semaphore_mem>>)
      %dma_wait3A_50 = arith.constant 0 : i32
      %dma_wait3A_51 = tpu.memref_slice %arg4[%add3A_4, %dma_wait3A_50] : memref<2048x768xf32, #tpu.memory_space<hbm>> -> memref<32x768xf32, #tpu.memory_space<hbm>>
      %dma_wait3A_52 = arith.constant 0 : i32
      %dma_wait3A_53 = tpu.memref_slice %arg4[%add3A_4, %dma_wait3A_52] : memref<2048x768xf32, #tpu.memory_space<hbm>> -> memref<32x768xf32, #tpu.memory_space<hbm>>
      tpu.wait_dma2 semaphore(%run_scoped3A : memref<!tpu.dma_semaphore, #tpu.memory_space<semaphore_mem>>) src(%arg7 : memref<32x768xf32, #tpu.memory_space<vmem>>) dst(%dma_wait3A_53 : memref<32x768xf32, #tpu.memory_space<hbm>>)
      tpu.yield
    }) : () -> ()
    %mul3A_22 = arith.constant 64 : i32
    %mul3A_23 = arith.muli %add3A, %mul3A_22 : i32
    %add3A_24 = arith.constant 32 : i32
    %add3A_25 = arith.addi %mul3A_23, %add3A_24 : i32
    "tpu.region"() ({
      %run_scoped3A = tpu.sem_alloc : memref<!tpu.dma_semaphore, #tpu.memory_space<semaphore_mem>>
      %dma_start3A_46 = tpu.memref_slice %arg2[%add3A_25] : memref<4096xi32, #tpu.memory_space<hbm>> -> memref<32xi32, #tpu.memory_space<hbm>>
      %dma_start3A_47 = tpu.memref_slice %arg2[%add3A_25] : memref<4096xi32, #tpu.memory_space<hbm>> -> memref<32xi32, #tpu.memory_space<hbm>>
      tpu.enqueue_dma source(%dma_start3A_47 : memref<32xi32, #tpu.memory_space<hbm>>) target(%arg5 : memref<32xi32, #tpu.memory_space<vmem>>) target_semaphore(%run_scoped3A : memref<!tpu.dma_semaphore, #tpu.memory_space<semaphore_mem>>)
      %dma_wait3A_48 = tpu.memref_slice %arg2[%add3A_25] : memref<4096xi32, #tpu.memory_space<hbm>> -> memref<32xi32, #tpu.memory_space<hbm>>
      %dma_wait3A_49 = tpu.memref_slice %arg2[%add3A_25] : memref<4096xi32, #tpu.memory_space<hbm>> -> memref<32xi32, #tpu.memory_space<hbm>>
      tpu.wait_dma2 semaphore(%run_scoped3A : memref<!tpu.dma_semaphore, #tpu.memory_space<semaphore_mem>>) src(%dma_wait3A_49 : memref<32xi32, #tpu.memory_space<hbm>>) dst(%arg5 : memref<32xi32, #tpu.memory_space<vmem>>)
      tpu.yield
    }) : () -> ()
    %add3A_26 = arith.constant 2048 : i32
    %add3A_27 = arith.addi %add3A_26, %add3A_25 : i32
    "tpu.region"() ({
      %run_scoped3A = tpu.sem_alloc : memref<!tpu.dma_semaphore, #tpu.memory_space<semaphore_mem>>
      %dma_start3A_46 = tpu.memref_slice %arg2[%add3A_27] : memref<4096xi32, #tpu.memory_space<hbm>> -> memref<32xi32, #tpu.memory_space<hbm>>
      %dma_start3A_47 = tpu.memref_slice %arg2[%add3A_27] : memref<4096xi32, #tpu.memory_space<hbm>> -> memref<32xi32, #tpu.memory_space<hbm>>
      tpu.enqueue_dma source(%dma_start3A_47 : memref<32xi32, #tpu.memory_space<hbm>>) target(%arg6 : memref<32xi32, #tpu.memory_space<vmem>>) target_semaphore(%run_scoped3A : memref<!tpu.dma_semaphore, #tpu.memory_space<semaphore_mem>>)
      %dma_wait3A_48 = tpu.memref_slice %arg2[%add3A_27] : memref<4096xi32, #tpu.memory_space<hbm>> -> memref<32xi32, #tpu.memory_space<hbm>>
      %dma_wait3A_49 = tpu.memref_slice %arg2[%add3A_27] : memref<4096xi32, #tpu.memory_space<hbm>> -> memref<32xi32, #tpu.memory_space<hbm>>
      tpu.wait_dma2 semaphore(%run_scoped3A : memref<!tpu.dma_semaphore, #tpu.memory_space<semaphore_mem>>) src(%dma_wait3A_49 : memref<32xi32, #tpu.memory_space<hbm>>) dst(%arg6 : memref<32xi32, #tpu.memory_space<vmem>>)
      tpu.yield
    }) : () -> ()
    %dma_start3A_28 = arith.constant 0 : i32
    %dma_start3A_29 = arith.constant 0 : i32
    %dma_start3A_30 = tpu.memref_slice %arg3[%dma_start3A_28, %dma_start3A_29] : memref<6144x768xf32, #tpu.memory_space<hbm>> -> memref<6144x768xf32, #tpu.memory_space<hbm>>
    tpu.enqueue_indirect_dma source(%dma_start3A_30 : memref<6144x768xf32, #tpu.memory_space<hbm>>) target(%arg7 : memref<32x768xf32, #tpu.memory_space<vmem>>) offsets(%arg5 : memref<32xi32, #tpu.memory_space<vmem>>) semaphore(%arg9 : memref<!tpu.dma_semaphore, #tpu.memory_space<semaphore_mem>>)
    %dma_start3A_31 = arith.constant 0 : i32
    %dma_start3A_32 = arith.constant 0 : i32
    %dma_start3A_33 = tpu.memref_slice %arg3[%dma_start3A_31, %dma_start3A_32] : memref<6144x768xf32, #tpu.memory_space<hbm>> -> memref<6144x768xf32, #tpu.memory_space<hbm>>
    tpu.enqueue_indirect_dma source(%dma_start3A_33 : memref<6144x768xf32, #tpu.memory_space<hbm>>) target(%arg8 : memref<32x768xf32, #tpu.memory_space<vmem>>) offsets(%arg6 : memref<32xi32, #tpu.memory_space<vmem>>) semaphore(%arg10 : memref<!tpu.dma_semaphore, #tpu.memory_space<semaphore_mem>>)
    %dma_wait3A_34 = arith.constant 0 : i32
    %dma_wait3A_35 = arith.constant 0 : i32
    %dma_wait3A_36 = tpu.memref_slice %arg3[%dma_wait3A_34, %dma_wait3A_35] : memref<6144x768xf32, #tpu.memory_space<hbm>> -> memref<6144x768xf32, #tpu.memory_space<hbm>>
    tpu.wait_indirect_dma semaphore(%arg9 : memref<!tpu.dma_semaphore, #tpu.memory_space<semaphore_mem>>) src(%dma_wait3A_36 : memref<6144x768xf32, #tpu.memory_space<hbm>>) dst(%arg7 : memref<32x768xf32, #tpu.memory_space<vmem>>)
    %dma_wait3A_37 = arith.constant 0 : i32
    %dma_wait3A_38 = arith.constant 0 : i32
    %dma_wait3A_39 = tpu.memref_slice %arg3[%dma_wait3A_37, %dma_wait3A_38] : memref<6144x768xf32, #tpu.memory_space<hbm>> -> memref<6144x768xf32, #tpu.memory_space<hbm>>
    tpu.wait_indirect_dma semaphore(%arg10 : memref<!tpu.dma_semaphore, #tpu.memory_space<semaphore_mem>>) src(%dma_wait3A_39 : memref<6144x768xf32, #tpu.memory_space<hbm>>) dst(%arg8 : memref<32x768xf32, #tpu.memory_space<vmem>>)
    %scan3A_40 = arith.constant 0 : i32
    %scan3A_41 = arith.constant 0 : i32
    %scan3A_42 = arith.constant 32 : i32
    %scan3A_43 = arith.addi %scan3A_41, %scan3A_42 : i32
    %scan3A_44 = arith.constant 1 : i32
    scf.for %scan3A_46 = %scan3A_41 to %scan3A_43 step %scan3A_44  : i32 {
      %get3A = arith.index_cast %scan3A_46 : i32 to index
      %get3A_47 = arith.constant 0 : index
      %get3A_48 = tpu.vector_load %arg7[%get3A, %get3A_47] {strides = array<i32>} : memref<32x768xf32, #tpu.memory_space<vmem>>, vector<1x16xf32>,
      %get3A_49 = vector.shape_cast %get3A_48 : vector<1x16xf32> to vector<16xf32>
      %get3A_50 = arith.index_cast %scan3A_46 : i32 to index
      %get3A_51 = arith.constant 0 : index
      %get3A_52 = tpu.vector_load %arg8[%get3A_50, %get3A_51] {strides = array<i32>} : memref<32x768xf32, #tpu.memory_space<vmem>>, vector<1x16xf32>,
      %get3A_53 = vector.shape_cast %get3A_52 : vector<1x16xf32> to vector<16xf32>
      %add3A_54 = arith.addf %get3A_49, %get3A_53 : vector<16xf32>
      %swap3A = arith.index_cast %scan3A_46 : i32 to index
      %swap3A_55 = arith.constant 0 : index
      %swap3A_56 = tpu.vector_load %arg7[%swap3A, %swap3A_55] {strides = array<i32>} : memref<32x768xf32, #tpu.memory_space<vmem>>, vector<1x16xf32>,
      %swap3A_57 = vector.shape_cast %swap3A_56 : vector<1x16xf32> to vector<16xf32>
      %swap3A_58 = vector.shape_cast %add3A_54 : vector<16xf32> to vector<1x16xf32>
      tpu.vector_store %arg7[%swap3A, %swap3A_55], %swap3A_58 {strides = array<i32>} : memref<32x768xf32, #tpu.memory_space<vmem>>, vector<1x16xf32>,
      %get3A_59 = arith.index_cast %scan3A_46 : i32 to index
      %get3A_60 = arith.constant 16 : index
      %get3A_61 = tpu.vector_load %arg7[%get3A_59, %get3A_60] {strides = array<i32>} : memref<32x768xf32, #tpu.memory_space<vmem>>, vector<1x16xf32>,
      %get3A_62 = vector.shape_cast %get3A_61 : vector<1x16xf32> to vector<16xf32>
      %get3A_63 = arith.index_cast %scan3A_46 : i32 to index
      %get3A_64 = arith.constant 16 : index
      %get3A_65 = tpu.vector_load %arg8[%get3A_63, %get3A_64] {strides = array<i32>} : memref<32x768xf32, #tpu.memory_space<vmem>>, vector<1x16xf32>,
      %get3A_66 = vector.shape_cast %get3A_65 : vector<1x16xf32> to vector<16xf32>
      %add3A_67 = arith.addf %get3A_62, %get3A_66 : vector<16xf32>
      %swap3A_68 = arith.index_cast %scan3A_46 : i32 to index
      %swap3A_69 = arith.constant 16 : index
      %swap3A_70 = tpu.vector_load %arg7[%swap3A_68, %swap3A_69] {strides = array<i32>} : memref<32x768xf32, #tpu.memory_space<vmem>>, vector<1x16xf32>,
      %swap3A_71 = vector.shape_cast %swap3A_70 : vector<1x16xf32> to vector<16xf32>
      %swap3A_72 = vector.shape_cast %add3A_67 : vector<16xf32> to vector<1x16xf32>
      tpu.vector_store %arg7[%swap3A_68, %swap3A_69], %swap3A_72 {strides = array<i32>} : memref<32x768xf32, #tpu.memory_space<vmem>>, vector<1x16xf32>,
      %get3A_73 = arith.index_cast %scan3A_46 : i32 to index
      %get3A_74 = arith.constant 32 : index
      %get3A_75 = tpu.vector_load %arg7[%get3A_73, %get3A_74] {strides = array<i32>} : memref<32x768xf32, #tpu.memory_space<vmem>>, vector<1x16xf32>,
      %get3A_76 = vector.shape_cast %get3A_75 : vector<1x16xf32> to vector<16xf32>
      %get3A_77 = arith.index_cast %scan3A_46 : i32 to index
      %get3A_78 = arith.constant 32 : index
      %get3A_79 = tpu.vector_load %arg8[%get3A_77, %get3A_78] {strides = array<i32>} : memref<32x768xf32, #tpu.memory_space<vmem>>, vector<1x16xf32>,
      %get3A_80 = vector.shape_cast %get3A_79 : vector<1x16xf32> to vector<16xf32>
      %add3A_81 = arith.addf %get3A_76, %get3A_80 : vector<16xf32>
      %swap3A_82 = arith.index_cast %scan3A_46 : i32 to index
      %swap3A_83 = arith.constant 32 : index
      %swap3A_84 = tpu.vector_load %arg7[%swap3A_82, %swap3A_83] {strides = array<i32>} : memref<32x768xf32, #tpu.memory_space<vmem>>, vector<1x16xf32>,
      %swap3A_85 = vector.shape_cast %swap3A_84 : vector<1x16xf32> to vector<16xf32>
      %swap3A_86 = vector.shape_cast %add3A_81 : vector<16xf32> to vector<1x16xf32>
      tpu.vector_store %arg7[%swap3A_82, %swap3A_83], %swap3A_86 {strides = array<i32>} : memref<32x768xf32, #tpu.memory_space<vmem>>, vector<1x16xf32>,
      %get3A_87 = arith.index_cast %scan3A_46 : i32 to index
      %get3A_88 = arith.constant 48 : index
      %get3A_89 = tpu.vector_load %arg7[%get3A_87, %get3A_88] {strides = array<i32>} : memref<32x768xf32, #tpu.memory_space<vmem>>, vector<1x16xf32>,
      %get3A_90 = vector.shape_cast %get3A_89 : vector<1x16xf32> to vector<16xf32>
      %get3A_91 = arith.index_cast %scan3A_46 : i32 to index
      %get3A_92 = arith.constant 48 : index
      %get3A_93 = tpu.vector_load %arg8[%get3A_91, %get3A_92] {strides = array<i32>} : memref<32x768xf32, #tpu.memory_space<vmem>>, vector<1x16xf32>,
      %get3A_94 = vector.shape_cast %get3A_93 : vector<1x16xf32> to vector<16xf32>
      %add3A_95 = arith.addf %get3A_90, %get3A_94 : vector<16xf32>
      %swap3A_96 = arith.index_cast %scan3A_46 : i32 to index
      %swap3A_97 = arith.constant 48 : index
      %swap3A_98 = tpu.vector_load %arg7[%swap3A_96, %swap3A_97] {strides = array<i32>} : memref<32x768xf32, #tpu.memory_space<vmem>>, vector<1x16xf32>,
      %swap3A_99 = vector.shape_cast %swap3A_98 : vector<1x16xf32> to vector<16xf32>
      %swap3A_100 = vector.shape_cast %add3A_95 : vector<16xf32> to vector<1x16xf32>
      tpu.vector_store %arg7[%swap3A_96, %swap3A_97], %swap3A_100 {strides = array<i32>} : memref<32x768xf32, #tpu.memory_space<vmem>>, vector<1x16xf32>,
      %get3A_101 = arith.index_cast %scan3A_46 : i32 to index
      %get3A_102 = arith.constant 64 : index
      %get3A_103 = tpu.vector_load %arg7[%get3A_101, %get3A_102] {strides = array<i32>} : memref<32x768xf32, #tpu.memory_space<vmem>>, vector<1x16xf32>,
      %get3A_104 = vector.shape_cast %get3A_103 : vector<1x16xf32> to vector<16xf32>
      %get3A_105 = arith.index_cast %scan3A_46 : i32 to index
      %get3A_106 = arith.constant 64 : index
      %get3A_107 = tpu.vector_load %arg8[%get3A_105, %get3A_106] {strides = array<i32>} : memref<32x768xf32, #tpu.memory_space<vmem>>, vector<1x16xf32>,
      %get3A_108 = vector.shape_cast %get3A_107 : vector<1x16xf32> to vector<16xf32>
      %add3A_109 = arith.addf %get3A_104, %get3A_108 : vector<16xf32>
      %swap3A_110 = arith.index_cast %scan3A_46 : i32 to index
      %swap3A_111 = arith.constant 64 : index
      %swap3A_112 = tpu.vector_load %arg7[%swap3A_110, %swap3A_111] {strides = array<i32>} : memref<32x768xf32, #tpu.memory_space<vmem>>, vector<1x16xf32>,
      %swap3A_113 = vector.shape_cast %swap3A_112 : vector<1x16xf32> to vector<16xf32>
      %swap3A_114 = vector.shape_cast %add3A_109 : vector<16xf32> to vector<1x16xf32>
      tpu.vector_store %arg7[%swap3A_110, %swap3A_111], %swap3A_114 {strides = array<i32>} : memref<32x768xf32, #tpu.memory_space<vmem>>, vector<1x16xf32>,
      %get3A_115 = arith.index_cast %scan3A_46 : i32 to index
      %get3A_116 = arith.constant 80 : index
      %get3A_117 = tpu.vector_load %arg7[%get3A_115, %get3A_116] {strides = array<i32>} : memref<32x768xf32, #tpu.memory_space<vmem>>, vector<1x16xf32>,
      %get3A_118 = vector.shape_cast %get3A_117 : vector<1x16xf32> to vector<16xf32>
      %get3A_119 = arith.index_cast %scan3A_46 : i32 to index
      %get3A_120 = arith.constant 80 : index
      %get3A_121 = tpu.vector_load %arg8[%get3A_119, %get3A_120] {strides = array<i32>} : memref<32x768xf32, #tpu.memory_space<vmem>>, vector<1x16xf32>,
      %get3A_122 = vector.shape_cast %get3A_121 : vector<1x16xf32> to vector<16xf32>
      %add3A_123 = arith.addf %get3A_118, %get3A_122 : vector<16xf32>
      %swap3A_124 = arith.index_cast %scan3A_46 : i32 to index
      %swap3A_125 = arith.constant 80 : index
      %swap3A_126 = tpu.vector_load %arg7[%swap3A_124, %swap3A_125] {strides = array<i32>} : memref<32x768xf32, #tpu.memory_space<vmem>>, vector<1x16xf32>,
      %swap3A_127 = vector.shape_cast %swap3A_126 : vector<1x16xf32> to vector<16xf32>
      %swap3A_128 = vector.shape_cast %add3A_123 : vector<16xf32> to vector<1x16xf32>
      tpu.vector_store %arg7[%swap3A_124, %swap3A_125], %swap3A_128 {strides = array<i32>} : memref<32x768xf32, #tpu.memory_space<vmem>>, vector<1x16xf32>,
      %get3A_129 = arith.index_cast %scan3A_46 : i32 to index
      %get3A_130 = arith.constant 96 : index
      %get3A_131 = tpu.vector_load %arg7[%get3A_129, %get3A_130] {strides = array<i32>} : memref<32x768xf32, #tpu.memory_space<vmem>>, vector<1x16xf32>,
      %get3A_132 = vector.shape_cast %get3A_131 : vector<1x16xf32> to vector<16xf32>
      %get3A_133 = arith.index_cast %scan3A_46 : i32 to index
      %get3A_134 = arith.constant 96 : index
      %get3A_135 = tpu.vector_load %arg8[%get3A_133, %get3A_134] {strides = array<i32>} : memref<32x768xf32, #tpu.memory_space<vmem>>, vector<1x16xf32>,
      %get3A_136 = vector.shape_cast %get3A_135 : vector<1x16xf32> to vector<16xf32>
      %add3A_137 = arith.addf %get3A_132, %get3A_136 : vector<16xf32>
      %swap3A_138 = arith.index_cast %scan3A_46 : i32 to index
      %swap3A_139 = arith.constant 96 : index
      %swap3A_140 = tpu.vector_load %arg7[%swap3A_138, %swap3A_139] {strides = array<i32>} : memref<32x768xf32, #tpu.memory_space<vmem>>, vector<1x16xf32>,
      %swap3A_141 = vector.shape_cast %swap3A_140 : vector<1x16xf32> to vector<16xf32>
      %swap3A_142 = vector.shape_cast %add3A_137 : vector<16xf32> to vector<1x16xf32>
      tpu.vector_store %arg7[%swap3A_138, %swap3A_139], %swap3A_142 {strides = array<i32>} : memref<32x768xf32, #tpu.memory_space<vmem>>, vector<1x16xf32>,
      %get3A_143 = arith.index_cast %scan3A_46 : i32 to index
      %get3A_144 = arith.constant 112 : index
      %get3A_145 = tpu.vector_load %arg7[%get3A_143, %get3A_144] {strides = array<i32>} : memref<32x768xf32, #tpu.memory_space<vmem>>, vector<1x16xf32>,
      %get3A_146 = vector.shape_cast %get3A_145 : vector<1x16xf32> to vector<16xf32>
      %get3A_147 = arith.index_cast %scan3A_46 : i32 to index
      %get3A_148 = arith.constant 112 : index
      %get3A_149 = tpu.vector_load %arg8[%get3A_147, %get3A_148] {strides = array<i32>} : memref<32x768xf32, #tpu.memory_space<vmem>>, vector<1x16xf32>,
      %get3A_150 = vector.shape_cast %get3A_149 : vector<1x16xf32> to vector<16xf32>
      %add3A_151 = arith.addf %get3A_146, %get3A_150 : vector<16xf32>
      %swap3A_152 = arith.index_cast %scan3A_46 : i32 to index
      %swap3A_153 = arith.constant 112 : index
      %swap3A_154 = tpu.vector_load %arg7[%swap3A_152, %swap3A_153] {strides = array<i32>} : memref<32x768xf32, #tpu.memory_space<vmem>>, vector<1x16xf32>,
      %swap3A_155 = vector.shape_cast %swap3A_154 : vector<1x16xf32> to vector<16xf32>
      %swap3A_156 = vector.shape_cast %add3A_151 : vector<16xf32> to vector<1x16xf32>
      tpu.vector_store %arg7[%swap3A_152, %swap3A_153], %swap3A_156 {strides = array<i32>} : memref<32x768xf32, #tpu.memory_space<vmem>>, vector<1x16xf32>,
      %get3A_157 = arith.index_cast %scan3A_46 : i32 to index
      %get3A_158 = arith.constant 128 : index
      %get3A_159 = tpu.vector_load %arg7[%get3A_157, %get3A_158] {strides = array<i32>} : memref<32x768xf32, #tpu.memory_space<vmem>>, vector<1x16xf32>,
      %get3A_160 = vector.shape_cast %get3A_159 : vector<1x16xf32> to vector<16xf32>
      %get3A_161 = arith.index_cast %scan3A_46 : i32 to index
      %get3A_162 = arith.constant 128 : index
      %get3A_163 = tpu.vector_load %arg8[%get3A_161, %get3A_162] {strides = array<i32>} : memref<32x768xf32, #tpu.memory_space<vmem>>, vector<1x16xf32>,
      %get3A_164 = vector.shape_cast %get3A_163 : vector<1x16xf32> to vector<16xf32>
      %add3A_165 = arith.addf %get3A_160, %get3A_164 : vector<16xf32>
      %swap3A_166 = arith.index_cast %scan3A_46 : i32 to index
      %swap3A_167 = arith.constant 128 : index
      %swap3A_168 = tpu.vector_load %arg7[%swap3A_166, %swap3A_167] {strides = array<i32>} : memref<32x768xf32, #tpu.memory_space<vmem>>, vector<1x16xf32>,
      %swap3A_169 = vector.shape_cast %swap3A_168 : vector<1x16xf32> to vector<16xf32>
      %swap3A_170 = vector.shape_cast %add3A_165 : vector<16xf32> to vector<1x16xf32>
      tpu.vector_store %arg7[%swap3A_166, %swap3A_167], %swap3A_170 {strides = array<i32>} : memref<32x768xf32, #tpu.memory_space<vmem>>, vector<1x16xf32>,
      %get3A_171 = arith.index_cast %scan3A_46 : i32 to index
      %get3A_172 = arith.constant 144 : index
      %get3A_173 = tpu.vector_load %arg7[%get3A_171, %get3A_172] {strides = array<i32>} : memref<32x768xf32, #tpu.memory_space<vmem>>, vector<1x16xf32>,
      %get3A_174 = vector.shape_cast %get3A_173 : vector<1x16xf32> to vector<16xf32>
      %get3A_175 = arith.index_cast %scan3A_46 : i32 to index
      %get3A_176 = arith.constant 144 : index
      %get3A_177 = tpu.vector_load %arg8[%get3A_175, %get3A_176] {strides = array<i32>} : memref<32x768xf32, #tpu.memory_space<vmem>>, vector<1x16xf32>,
      %get3A_178 = vector.shape_cast %get3A_177 : vector<1x16xf32> to vector<16xf32>
      %add3A_179 = arith.addf %get3A_174, %get3A_178 : vector<16xf32>
      %swap3A_180 = arith.index_cast %scan3A_46 : i32 to index
      %swap3A_181 = arith.constant 144 : index
      %swap3A_182 = tpu.vector_load %arg7[%swap3A_180, %swap3A_181] {strides = array<i32>} : memref<32x768xf32, #tpu.memory_space<vmem>>, vector<1x16xf32>,
      %swap3A_183 = vector.shape_cast %swap3A_182 : vector<1x16xf32> to vector<16xf32>
      %swap3A_184 = vector.shape_cast %add3A_179 : vector<16xf32> to vector<1x16xf32>
      tpu.vector_store %arg7[%swap3A_180, %swap3A_181], %swap3A_184 {strides = array<i32>} : memref<32x768xf32, #tpu.memory_space<vmem>>, vector<1x16xf32>,
      %get3A_185 = arith.index_cast %scan3A_46 : i32 to index
      %get3A_186 = arith.constant 160 : index
      %get3A_187 = tpu.vector_load %arg7[%get3A_185, %get3A_186] {strides = array<i32>} : memref<32x768xf32, #tpu.memory_space<vmem>>, vector<1x16xf32>,
      %get3A_188 = vector.shape_cast %get3A_187 : vector<1x16xf32> to vector<16xf32>
      %get3A_189 = arith.index_cast %scan3A_46 : i32 to index
      %get3A_190 = arith.constant 160 : index
      %get3A_191 = tpu.vector_load %arg8[%get3A_189, %get3A_190] {strides = array<i32>} : memref<32x768xf32, #tpu.memory_space<vmem>>, vector<1x16xf32>,
      %get3A_192 = vector.shape_cast %get3A_191 : vector<1x16xf32> to vector<16xf32>
      %add3A_193 = arith.addf %get3A_188, %get3A_192 : vector<16xf32>
      %swap3A_194 = arith.index_cast %scan3A_46 : i32 to index
      %swap3A_195 = arith.constant 160 : index
      %swap3A_196 = tpu.vector_load %arg7[%swap3A_194, %swap3A_195] {strides = array<i32>} : memref<32x768xf32, #tpu.memory_space<vmem>>, vector<1x16xf32>,
      %swap3A_197 = vector.shape_cast %swap3A_196 : vector<1x16xf32> to vector<16xf32>
      %swap3A_198 = vector.shape_cast %add3A_193 : vector<16xf32> to vector<1x16xf32>
      tpu.vector_store %arg7[%swap3A_194, %swap3A_195], %swap3A_198 {strides = array<i32>} : memref<32x768xf32, #tpu.memory_space<vmem>>, vector<1x16xf32>,
      %get3A_199 = arith.index_cast %scan3A_46 : i32 to index
      %get3A_200 = arith.constant 176 : index
      %get3A_201 = tpu.vector_load %arg7[%get3A_199, %get3A_200] {strides = array<i32>} : memref<32x768xf32, #tpu.memory_space<vmem>>, vector<1x16xf32>,
      %get3A_202 = vector.shape_cast %get3A_201 : vector<1x16xf32> to vector<16xf32>
      %get3A_203 = arith.index_cast %scan3A_46 : i32 to index
      %get3A_204 = arith.constant 176 : index
      %get3A_205 = tpu.vector_load %arg8[%get3A_203, %get3A_204] {strides = array<i32>} : memref<32x768xf32, #tpu.memory_space<vmem>>, vector<1x16xf32>,
      %get3A_206 = vector.shape_cast %get3A_205 : vector<1x16xf32> to vector<16xf32>
      %add3A_207 = arith.addf %get3A_202, %get3A_206 : vector<16xf32>
      %swap3A_208 = arith.index_cast %scan3A_46 : i32 to index
      %swap3A_209 = arith.constant 176 : index
      %swap3A_210 = tpu.vector_load %arg7[%swap3A_208, %swap3A_209] {strides = array<i32>} : memref<32x768xf32, #tpu.memory_space<vmem>>, vector<1x16xf32>,
      %swap3A_211 = vector.shape_cast %swap3A_210 : vector<1x16xf32> to vector<16xf32>
      %swap3A_212 = vector.shape_cast %add3A_207 : vector<16xf32> to vector<1x16xf32>
      tpu.vector_store %arg7[%swap3A_208, %swap3A_209], %swap3A_212 {strides = array<i32>} : memref<32x768xf32, #tpu.memory_space<vmem>>, vector<1x16xf32>,
      %get3A_213 = arith.index_cast %scan3A_46 : i32 to index
      %get3A_214 = arith.constant 192 : index
      %get3A_215 = tpu.vector_load %arg7[%get3A_213, %get3A_214] {strides = array<i32>} : memref<32x768xf32, #tpu.memory_space<vmem>>, vector<1x16xf32>,
      %get3A_216 = vector.shape_cast %get3A_215 : vector<1x16xf32> to vector<16xf32>
      %get3A_217 = arith.index_cast %scan3A_46 : i32 to index
      %get3A_218 = arith.constant 192 : index
      %get3A_219 = tpu.vector_load %arg8[%get3A_217, %get3A_218] {strides = array<i32>} : memref<32x768xf32, #tpu.memory_space<vmem>>, vector<1x16xf32>,
      %get3A_220 = vector.shape_cast %get3A_219 : vector<1x16xf32> to vector<16xf32>
      %add3A_221 = arith.addf %get3A_216, %get3A_220 : vector<16xf32>
      %swap3A_222 = arith.index_cast %scan3A_46 : i32 to index
      %swap3A_223 = arith.constant 192 : index
      %swap3A_224 = tpu.vector_load %arg7[%swap3A_222, %swap3A_223] {strides = array<i32>} : memref<32x768xf32, #tpu.memory_space<vmem>>, vector<1x16xf32>,
      %swap3A_225 = vector.shape_cast %swap3A_224 : vector<1x16xf32> to vector<16xf32>
      %swap3A_226 = vector.shape_cast %add3A_221 : vector<16xf32> to vector<1x16xf32>
      tpu.vector_store %arg7[%swap3A_222, %swap3A_223], %swap3A_226 {strides = array<i32>} : memref<32x768xf32, #tpu.memory_space<vmem>>, vector<1x16xf32>,
      %get3A_227 = arith.index_cast %scan3A_46 : i32 to index
      %get3A_228 = arith.constant 208 : index
      %get3A_229 = tpu.vector_load %arg7[%get3A_227, %get3A_228] {strides = array<i32>} : memref<32x768xf32, #tpu.memory_space<vmem>>, vector<1x16xf32>,
      %get3A_230 = vector.shape_cast %get3A_229 : vector<1x16xf32> to vector<16xf32>
      %get3A_231 = arith.index_cast %scan3A_46 : i32 to index
      %get3A_232 = arith.constant 208 : index
      %get3A_233 = tpu.vector_load %arg8[%get3A_231, %get3A_232] {strides = array<i32>} : memref<32x768xf32, #tpu.memory_space<vmem>>, vector<1x16xf32>,
      %get3A_234 = vector.shape_cast %get3A_233 : vector<1x16xf32> to vector<16xf32>
      %add3A_235 = arith.addf %get3A_230, %get3A_234 : vector<16xf32>
      %swap3A_236 = arith.index_cast %scan3A_46 : i32 to index
      %swap3A_237 = arith.constant 208 : index
      %swap3A_238 = tpu.vector_load %arg7[%swap3A_236, %swap3A_237] {strides = array<i32>} : memref<32x768xf32, #tpu.memory_space<vmem>>, vector<1x16xf32>,
      %swap3A_239 = vector.shape_cast %swap3A_238 : vector<1x16xf32> to vector<16xf32>
      %swap3A_240 = vector.shape_cast %add3A_235 : vector<16xf32> to vector<1x16xf32>
      tpu.vector_store %arg7[%swap3A_236, %swap3A_237], %swap3A_240 {strides = array<i32>} : memref<32x768xf32, #tpu.memory_space<vmem>>, vector<1x16xf32>,
      %get3A_241 = arith.index_cast %scan3A_46 : i32 to index
      %get3A_242 = arith.constant 224 : index
      %get3A_243 = tpu.vector_load %arg7[%get3A_241, %get3A_242] {strides = array<i32>} : memref<32x768xf32, #tpu.memory_space<vmem>>, vector<1x16xf32>,
      %get3A_244 = vector.shape_cast %get3A_243 : vector<1x16xf32> to vector<16xf32>
      %get3A_245 = arith.index_cast %scan3A_46 : i32 to index
      %get3A_246 = arith.constant 224 : index
      %get3A_247 = tpu.vector_load %arg8[%get3A_245, %get3A_246] {strides = array<i32>} : memref<32x768xf32, #tpu.memory_space<vmem>>, vector<1x16xf32>,
      %get3A_248 = vector.shape_cast %get3A_247 : vector<1x16xf32> to vector<16xf32>
      %add3A_249 = arith.addf %get3A_244, %get3A_248 : vector<16xf32>
      %swap3A_250 = arith.index_cast %scan3A_46 : i32 to index
      %swap3A_251 = arith.constant 224 : index
      %swap3A_252 = tpu.vector_load %arg7[%swap3A_250, %swap3A_251] {strides = array<i32>} : memref<32x768xf32, #tpu.memory_space<vmem>>, vector<1x16xf32>,
      %swap3A_253 = vector.shape_cast %swap3A_252 : vector<1x16xf32> to vector<16xf32>
      %swap3A_254 = vector.shape_cast %add3A_249 : vector<16xf32> to vector<1x16xf32>
      tpu.vector_store %arg7[%swap3A_250, %swap3A_251], %swap3A_254 {strides = array<i32>} : memref<32x768xf32, #tpu.memory_space<vmem>>, vector<1x16xf32>,
      %get3A_255 = arith.index_cast %scan3A_46 : i32 to index
      %get3A_256 = arith.constant 240 : index
      %get3A_257 = tpu.vector_load %arg7[%get3A_255, %get3A_256] {strides = array<i32>} : memref<32x768xf32, #tpu.memory_space<vmem>>, vector<1x16xf32>,
      %get3A_258 = vector.shape_cast %get3A_257 : vector<1x16xf32> to vector<16xf32>
      %get3A_259 = arith.index_cast %scan3A_46 : i32 to index
      %get3A_260 = arith.constant 240 : index
      %get3A_261 = tpu.vector_load %arg8[%get3A_259, %get3A_260] {strides = array<i32>} : memref<32x768xf32, #tpu.memory_space<vmem>>, vector<1x16xf32>,
      %get3A_262 = vector.shape_cast %get3A_261 : vector<1x16xf32> to vector<16xf32>
      %add3A_263 = arith.addf %get3A_258, %get3A_262 : vector<16xf32>
      %swap3A_264 = arith.index_cast %scan3A_46 : i32 to index
      %swap3A_265 = arith.constant 240 : index
      %swap3A_266 = tpu.vector_load %arg7[%swap3A_264, %swap3A_265] {strides = array<i32>} : memref<32x768xf32, #tpu.memory_space<vmem>>, vector<1x16xf32>,
      %swap3A_267 = vector.shape_cast %swap3A_266 : vector<1x16xf32> to vector<16xf32>
      %swap3A_268 = vector.shape_cast %add3A_263 : vector<16xf32> to vector<1x16xf32>
      tpu.vector_store %arg7[%swap3A_264, %swap3A_265], %swap3A_268 {strides = array<i32>} : memref<32x768xf32, #tpu.memory_space<vmem>>, vector<1x16xf32>,
      %get3A_269 = arith.index_cast %scan3A_46 : i32 to index
      %get3A_270 = arith.constant 256 : index
      %get3A_271 = tpu.vector_load %arg7[%get3A_269, %get3A_270] {strides = array<i32>} : memref<32x768xf32, #tpu.memory_space<vmem>>, vector<1x16xf32>,
      %get3A_272 = vector.shape_cast %get3A_271 : vector<1x16xf32> to vector<16xf32>
      %get3A_273 = arith.index_cast %scan3A_46 : i32 to index
      %get3A_274 = arith.constant 256 : index
      %get3A_275 = tpu.vector_load %arg8[%get3A_273, %get3A_274] {strides = array<i32>} : memref<32x768xf32, #tpu.memory_space<vmem>>, vector<1x16xf32>,
      %get3A_276 = vector.shape_cast %get3A_275 : vector<1x16xf32> to vector<16xf32>
      %add3A_277 = arith.addf %get3A_272, %get3A_276 : vector<16xf32>
      %swap3A_278 = arith.index_cast %scan3A_46 : i32 to index
      %swap3A_279 = arith.constant 256 : index
      %swap3A_280 = tpu.vector_load %arg7[%swap3A_278, %swap3A_279] {strides = array<i32>} : memref<32x768xf32, #tpu.memory_space<vmem>>, vector<1x16xf32>,
      %swap3A_281 = vector.shape_cast %swap3A_280 : vector<1x16xf32> to vector<16xf32>
      %swap3A_282 = vector.shape_cast %add3A_277 : vector<16xf32> to vector<1x16xf32>
      tpu.vector_store %arg7[%swap3A_278, %swap3A_279], %swap3A_282 {strides = array<i32>} : memref<32x768xf32, #tpu.memory_space<vmem>>, vector<1x16xf32>,
      %get3A_283 = arith.index_cast %scan3A_46 : i32 to index
      %get3A_284 = arith.constant 272 : index
      %get3A_285 = tpu.vector_load %arg7[%get3A_283, %get3A_284] {strides = array<i32>} : memref<32x768xf32, #tpu.memory_space<vmem>>, vector<1x16xf32>,
      %get3A_286 = vector.shape_cast %get3A_285 : vector<1x16xf32> to vector<16xf32>
      %get3A_287 = arith.index_cast %scan3A_46 : i32 to index
      %get3A_288 = arith.constant 272 : index
      %get3A_289 = tpu.vector_load %arg8[%get3A_287, %get3A_288] {strides = array<i32>} : memref<32x768xf32, #tpu.memory_space<vmem>>, vector<1x16xf32>,
      %get3A_290 = vector.shape_cast %get3A_289 : vector<1x16xf32> to vector<16xf32>
      %add3A_291 = arith.addf %get3A_286, %get3A_290 : vector<16xf32>
      %swap3A_292 = arith.index_cast %scan3A_46 : i32 to index
      %swap3A_293 = arith.constant 272 : index
      %swap3A_294 = tpu.vector_load %arg7[%swap3A_292, %swap3A_293] {strides = array<i32>} : memref<32x768xf32, #tpu.memory_space<vmem>>, vector<1x16xf32>,
      %swap3A_295 = vector.shape_cast %swap3A_294 : vector<1x16xf32> to vector<16xf32>
      %swap3A_296 = vector.shape_cast %add3A_291 : vector<16xf32> to vector<1x16xf32>
      tpu.vector_store %arg7[%swap3A_292, %swap3A_293], %swap3A_296 {strides = array<i32>} : memref<32x768xf32, #tpu.memory_space<vmem>>, vector<1x16xf32>,
      %get3A_297 = arith.index_cast %scan3A_46 : i32 to index
      %get3A_298 = arith.constant 288 : index
      %get3A_299 = tpu.vector_load %arg7[%get3A_297, %get3A_298] {strides = array<i32>} : memref<32x768xf32, #tpu.memory_space<vmem>>, vector<1x16xf32>,
      %get3A_300 = vector.shape_cast %get3A_299 : vector<1x16xf32> to vector<16xf32>
      %get3A_301 = arith.index_cast %scan3A_46 : i32 to index
      %get3A_302 = arith.constant 288 : index
      %get3A_303 = tpu.vector_load %arg8[%get3A_301, %get3A_302] {strides = array<i32>} : memref<32x768xf32, #tpu.memory_space<vmem>>, vector<1x16xf32>,
      %get3A_304 = vector.shape_cast %get3A_303 : vector<1x16xf32> to vector<16xf32>
      %add3A_305 = arith.addf %get3A_300, %get3A_304 : vector<16xf32>
      %swap3A_306 = arith.index_cast %scan3A_46 : i32 to index
      %swap3A_307 = arith.constant 288 : index
      %swap3A_308 = tpu.vector_load %arg7[%swap3A_306, %swap3A_307] {strides = array<i32>} : memref<32x768xf32, #tpu.memory_space<vmem>>, vector<1x16xf32>,
      %swap3A_309 = vector.shape_cast %swap3A_308 : vector<1x16xf32> to vector<16xf32>
      %swap3A_310 = vector.shape_cast %add3A_305 : vector<16xf32> to vector<1x16xf32>
      tpu.vector_store %arg7[%swap3A_306, %swap3A_307], %swap3A_310 {strides = array<i32>} : memref<32x768xf32, #tpu.memory_space<vmem>>, vector<1x16xf32>,
      %get3A_311 = arith.index_cast %scan3A_46 : i32 to index
      %get3A_312 = arith.constant 304 : index
      %get3A_313 = tpu.vector_load %arg7[%get3A_311, %get3A_312] {strides = array<i32>} : memref<32x768xf32, #tpu.memory_space<vmem>>, vector<1x16xf32>,
      %get3A_314 = vector.shape_cast %get3A_313 : vector<1x16xf32> to vector<16xf32>
      %get3A_315 = arith.index_cast %scan3A_46 : i32 to index
      %get3A_316 = arith.constant 304 : index
      %get3A_317 = tpu.vector_load %arg8[%get3A_315, %get3A_316] {strides = array<i32>} : memref<32x768xf32, #tpu.memory_space<vmem>>, vector<1x16xf32>,
      %get3A_318 = vector.shape_cast %get3A_317 : vector<1x16xf32> to vector<16xf32>
      %add3A_319 = arith.addf %get3A_314, %get3A_318 : vector<16xf32>
      %swap3A_320 = arith.index_cast %scan3A_46 : i32 to index
      %swap3A_321 = arith.constant 304 : index
      %swap3A_322 = tpu.vector_load %arg7[%swap3A_320, %swap3A_321] {strides = array<i32>} : memref<32x768xf32, #tpu.memory_space<vmem>>, vector<1x16xf32>,
      %swap3A_323 = vector.shape_cast %swap3A_322 : vector<1x16xf32> to vector<16xf32>
      %swap3A_324 = vector.shape_cast %add3A_319 : vector<16xf32> to vector<1x16xf32>
      tpu.vector_store %arg7[%swap3A_320, %swap3A_321], %swap3A_324 {strides = array<i32>} : memref<32x768xf32, #tpu.memory_space<vmem>>, vector<1x16xf32>,
      %get3A_325 = arith.index_cast %scan3A_46 : i32 to index
      %get3A_326 = arith.constant 320 : index
      %get3A_327 = tpu.vector_load %arg7[%get3A_325, %get3A_326] {strides = array<i32>} : memref<32x768xf32, #tpu.memory_space<vmem>>, vector<1x16xf32>,
      %get3A_328 = vector.shape_cast %get3A_327 : vector<1x16xf32> to vector<16xf32>
      %get3A_329 = arith.index_cast %scan3A_46 : i32 to index
      %get3A_330 = arith.constant 320 : index
      %get3A_331 = tpu.vector_load %arg8[%get3A_329, %get3A_330] {strides = array<i32>} : memref<32x768xf32, #tpu.memory_space<vmem>>, vector<1x16xf32>,
      %get3A_332 = vector.shape_cast %get3A_331 : vector<1x16xf32> to vector<16xf32>
      %add3A_333 = arith.addf %get3A_328, %get3A_332 : vector<16xf32>
      %swap3A_334 = arith.index_cast %scan3A_46 : i32 to index
      %swap3A_335 = arith.constant 320 : index
      %swap3A_336 = tpu.vector_load %arg7[%swap3A_334, %swap3A_335] {strides = array<i32>} : memref<32x768xf32, #tpu.memory_space<vmem>>, vector<1x16xf32>,
      %swap3A_337 = vector.shape_cast %swap3A_336 : vector<1x16xf32> to vector<16xf32>
      %swap3A_338 = vector.shape_cast %add3A_333 : vector<16xf32> to vector<1x16xf32>
      tpu.vector_store %arg7[%swap3A_334, %swap3A_335], %swap3A_338 {strides = array<i32>} : memref<32x768xf32, #tpu.memory_space<vmem>>, vector<1x16xf32>,
      %get3A_339 = arith.index_cast %scan3A_46 : i32 to index
      %get3A_340 = arith.constant 336 : index
      %get3A_341 = tpu.vector_load %arg7[%get3A_339, %get3A_340] {strides = array<i32>} : memref<32x768xf32, #tpu.memory_space<vmem>>, vector<1x16xf32>,
      %get3A_342 = vector.shape_cast %get3A_341 : vector<1x16xf32> to vector<16xf32>
      %get3A_343 = arith.index_cast %scan3A_46 : i32 to index
      %get3A_344 = arith.constant 336 : index
      %get3A_345 = tpu.vector_load %arg8[%get3A_343, %get3A_344] {strides = array<i32>} : memref<32x768xf32, #tpu.memory_space<vmem>>, vector<1x16xf32>,
      %get3A_346 = vector.shape_cast %get3A_345 : vector<1x16xf32> to vector<16xf32>
      %add3A_347 = arith.addf %get3A_342, %get3A_346 : vector<16xf32>
      %swap3A_348 = arith.index_cast %scan3A_46 : i32 to index
      %swap3A_349 = arith.constant 336 : index
      %swap3A_350 = tpu.vector_load %arg7[%swap3A_348, %swap3A_349] {strides = array<i32>} : memref<32x768xf32, #tpu.memory_space<vmem>>, vector<1x16xf32>,
      %swap3A_351 = vector.shape_cast %swap3A_350 : vector<1x16xf32> to vector<16xf32>
      %swap3A_352 = vector.shape_cast %add3A_347 : vector<16xf32> to vector<1x16xf32>
      tpu.vector_store %arg7[%swap3A_348, %swap3A_349], %swap3A_352 {strides = array<i32>} : memref<32x768xf32, #tpu.memory_space<vmem>>, vector<1x16xf32>,
      %get3A_353 = arith.index_cast %scan3A_46 : i32 to index
      %get3A_354 = arith.constant 352 : index
      %get3A_355 = tpu.vector_load %arg7[%get3A_353, %get3A_354] {strides = array<i32>} : memref<32x768xf32, #tpu.memory_space<vmem>>, vector<1x16xf32>,
      %get3A_356 = vector.shape_cast %get3A_355 : vector<1x16xf32> to vector<16xf32>
      %get3A_357 = arith.index_cast %scan3A_46 : i32 to index
      %get3A_358 = arith.constant 352 : index
      %get3A_359 = tpu.vector_load %arg8[%get3A_357, %get3A_358] {strides = array<i32>} : memref<32x768xf32, #tpu.memory_space<vmem>>, vector<1x16xf32>,
      %get3A_360 = vector.shape_cast %get3A_359 : vector<1x16xf32> to vector<16xf32>
      %add3A_361 = arith.addf %get3A_356, %get3A_360 : vector<16xf32>
      %swap3A_362 = arith.index_cast %scan3A_46 : i32 to index
      %swap3A_363 = arith.constant 352 : index
      %swap3A_364 = tpu.vector_load %arg7[%swap3A_362, %swap3A_363] {strides = array<i32>} : memref<32x768xf32, #tpu.memory_space<vmem>>, vector<1x16xf32>,
      %swap3A_365 = vector.shape_cast %swap3A_364 : vector<1x16xf32> to vector<16xf32>
      %swap3A_366 = vector.shape_cast %add3A_361 : vector<16xf32> to vector<1x16xf32>
      tpu.vector_store %arg7[%swap3A_362, %swap3A_363], %swap3A_366 {strides = array<i32>} : memref<32x768xf32, #tpu.memory_space<vmem>>, vector<1x16xf32>,
      %get3A_367 = arith.index_cast %scan3A_46 : i32 to index
      %get3A_368 = arith.constant 368 : index
      %get3A_369 = tpu.vector_load %arg7[%get3A_367, %get3A_368] {strides = array<i32>} : memref<32x768xf32, #tpu.memory_space<vmem>>, vector<1x16xf32>,
      %get3A_370 = vector.shape_cast %get3A_369 : vector<1x16xf32> to vector<16xf32>
      %get3A_371 = arith.index_cast %scan3A_46 : i32 to index
      %get3A_372 = arith.constant 368 : index
      %get3A_373 = tpu.vector_load %arg8[%get3A_371, %get3A_372] {strides = array<i32>} : memref<32x768xf32, #tpu.memory_space<vmem>>, vector<1x16xf32>,
      %get3A_374 = vector.shape_cast %get3A_373 : vector<1x16xf32> to vector<16xf32>
      %add3A_375 = arith.addf %get3A_370, %get3A_374 : vector<16xf32>
      %swap3A_376 = arith.index_cast %scan3A_46 : i32 to index
      %swap3A_377 = arith.constant 368 : index
      %swap3A_378 = tpu.vector_load %arg7[%swap3A_376, %swap3A_377] {strides = array<i32>} : memref<32x768xf32, #tpu.memory_space<vmem>>, vector<1x16xf32>,
      %swap3A_379 = vector.shape_cast %swap3A_378 : vector<1x16xf32> to vector<16xf32>
      %swap3A_380 = vector.shape_cast %add3A_375 : vector<16xf32> to vector<1x16xf32>
      tpu.vector_store %arg7[%swap3A_376, %swap3A_377], %swap3A_380 {strides = array<i32>} : memref<32x768xf32, #tpu.memory_space<vmem>>, vector<1x16xf32>,
      %get3A_381 = arith.index_cast %scan3A_46 : i32 to index
      %get3A_382 = arith.constant 384 : index
      %get3A_383 = tpu.vector_load %arg7[%get3A_381, %get3A_382] {strides = array<i32>} : memref<32x768xf32, #tpu.memory_space<vmem>>, vector<1x16xf32>,
      %get3A_384 = vector.shape_cast %get3A_383 : vector<1x16xf32> to vector<16xf32>
      %get3A_385 = arith.index_cast %scan3A_46 : i32 to index
      %get3A_386 = arith.constant 384 : index
      %get3A_387 = tpu.vector_load %arg8[%get3A_385, %get3A_386] {strides = array<i32>} : memref<32x768xf32, #tpu.memory_space<vmem>>, vector<1x16xf32>,
      %get3A_388 = vector.shape_cast %get3A_387 : vector<1x16xf32> to vector<16xf32>
      %add3A_389 = arith.addf %get3A_384, %get3A_388 : vector<16xf32>
      %swap3A_390 = arith.index_cast %scan3A_46 : i32 to index
      %swap3A_391 = arith.constant 384 : index
      %swap3A_392 = tpu.vector_load %arg7[%swap3A_390, %swap3A_391] {strides = array<i32>} : memref<32x768xf32, #tpu.memory_space<vmem>>, vector<1x16xf32>,
      %swap3A_393 = vector.shape_cast %swap3A_392 : vector<1x16xf32> to vector<16xf32>
      %swap3A_394 = vector.shape_cast %add3A_389 : vector<16xf32> to vector<1x16xf32>
      tpu.vector_store %arg7[%swap3A_390, %swap3A_391], %swap3A_394 {strides = array<i32>} : memref<32x768xf32, #tpu.memory_space<vmem>>, vector<1x16xf32>,
      %get3A_395 = arith.index_cast %scan3A_46 : i32 to index
      %get3A_396 = arith.constant 400 : index
      %get3A_397 = tpu.vector_load %arg7[%get3A_395, %get3A_396] {strides = array<i32>} : memref<32x768xf32, #tpu.memory_space<vmem>>, vector<1x16xf32>,
      %get3A_398 = vector.shape_cast %get3A_397 : vector<1x16xf32> to vector<16xf32>
      %get3A_399 = arith.index_cast %scan3A_46 : i32 to index
      %get3A_400 = arith.constant 400 : index
      %get3A_401 = tpu.vector_load %arg8[%get3A_399, %get3A_400] {strides = array<i32>} : memref<32x768xf32, #tpu.memory_space<vmem>>, vector<1x16xf32>,
      %get3A_402 = vector.shape_cast %get3A_401 : vector<1x16xf32> to vector<16xf32>
      %add3A_403 = arith.addf %get3A_398, %get3A_402 : vector<16xf32>
      %swap3A_404 = arith.index_cast %scan3A_46 : i32 to index
      %swap3A_405 = arith.constant 400 : index
      %swap3A_406 = tpu.vector_load %arg7[%swap3A_404, %swap3A_405] {strides = array<i32>} : memref<32x768xf32, #tpu.memory_space<vmem>>, vector<1x16xf32>,
      %swap3A_407 = vector.shape_cast %swap3A_406 : vector<1x16xf32> to vector<16xf32>
      %swap3A_408 = vector.shape_cast %add3A_403 : vector<16xf32> to vector<1x16xf32>
      tpu.vector_store %arg7[%swap3A_404, %swap3A_405], %swap3A_408 {strides = array<i32>} : memref<32x768xf32, #tpu.memory_space<vmem>>, vector<1x16xf32>,
      %get3A_409 = arith.index_cast %scan3A_46 : i32 to index
      %get3A_410 = arith.constant 416 : index
      %get3A_411 = tpu.vector_load %arg7[%get3A_409, %get3A_410] {strides = array<i32>} : memref<32x768xf32, #tpu.memory_space<vmem>>, vector<1x16xf32>,
      %get3A_412 = vector.shape_cast %get3A_411 : vector<1x16xf32> to vector<16xf32>
      %get3A_413 = arith.index_cast %scan3A_46 : i32 to index
      %get3A_414 = arith.constant 416 : index
      %get3A_415 = tpu.vector_load %arg8[%get3A_413, %get3A_414] {strides = array<i32>} : memref<32x768xf32, #tpu.memory_space<vmem>>, vector<1x16xf32>,
      %get3A_416 = vector.shape_cast %get3A_415 : vector<1x16xf32> to vector<16xf32>
      %add3A_417 = arith.addf %get3A_412, %get3A_416 : vector<16xf32>
      %swap3A_418 = arith.index_cast %scan3A_46 : i32 to index
      %swap3A_419 = arith.constant 416 : index
      %swap3A_420 = tpu.vector_load %arg7[%swap3A_418, %swap3A_419] {strides = array<i32>} : memref<32x768xf32, #tpu.memory_space<vmem>>, vector<1x16xf32>,
      %swap3A_421 = vector.shape_cast %swap3A_420 : vector<1x16xf32> to vector<16xf32>
      %swap3A_422 = vector.shape_cast %add3A_417 : vector<16xf32> to vector<1x16xf32>
      tpu.vector_store %arg7[%swap3A_418, %swap3A_419], %swap3A_422 {strides = array<i32>} : memref<32x768xf32, #tpu.memory_space<vmem>>, vector<1x16xf32>,
      %get3A_423 = arith.index_cast %scan3A_46 : i32 to index
      %get3A_424 = arith.constant 432 : index
      %get3A_425 = tpu.vector_load %arg7[%get3A_423, %get3A_424] {strides = array<i32>} : memref<32x768xf32, #tpu.memory_space<vmem>>, vector<1x16xf32>,
      %get3A_426 = vector.shape_cast %get3A_425 : vector<1x16xf32> to vector<16xf32>
      %get3A_427 = arith.index_cast %scan3A_46 : i32 to index
      %get3A_428 = arith.constant 432 : index
      %get3A_429 = tpu.vector_load %arg8[%get3A_427, %get3A_428] {strides = array<i32>} : memref<32x768xf32, #tpu.memory_space<vmem>>, vector<1x16xf32>,
      %get3A_430 = vector.shape_cast %get3A_429 : vector<1x16xf32> to vector<16xf32>
      %add3A_431 = arith.addf %get3A_426, %get3A_430 : vector<16xf32>
      %swap3A_432 = arith.index_cast %scan3A_46 : i32 to index
      %swap3A_433 = arith.constant 432 : index
      %swap3A_434 = tpu.vector_load %arg7[%swap3A_432, %swap3A_433] {strides = array<i32>} : memref<32x768xf32, #tpu.memory_space<vmem>>, vector<1x16xf32>,
      %swap3A_435 = vector.shape_cast %swap3A_434 : vector<1x16xf32> to vector<16xf32>
      %swap3A_436 = vector.shape_cast %add3A_431 : vector<16xf32> to vector<1x16xf32>
      tpu.vector_store %arg7[%swap3A_432, %swap3A_433], %swap3A_436 {strides = array<i32>} : memref<32x768xf32, #tpu.memory_space<vmem>>, vector<1x16xf32>,
      %get3A_437 = arith.index_cast %scan3A_46 : i32 to index
      %get3A_438 = arith.constant 448 : index
      %get3A_439 = tpu.vector_load %arg7[%get3A_437, %get3A_438] {strides = array<i32>} : memref<32x768xf32, #tpu.memory_space<vmem>>, vector<1x16xf32>,
      %get3A_440 = vector.shape_cast %get3A_439 : vector<1x16xf32> to vector<16xf32>
      %get3A_441 = arith.index_cast %scan3A_46 : i32 to index
      %get3A_442 = arith.constant 448 : index
      %get3A_443 = tpu.vector_load %arg8[%get3A_441, %get3A_442] {strides = array<i32>} : memref<32x768xf32, #tpu.memory_space<vmem>>, vector<1x16xf32>,
      %get3A_444 = vector.shape_cast %get3A_443 : vector<1x16xf32> to vector<16xf32>
      %add3A_445 = arith.addf %get3A_440, %get3A_444 : vector<16xf32>
      %swap3A_446 = arith.index_cast %scan3A_46 : i32 to index
      %swap3A_447 = arith.constant 448 : index
      %swap3A_448 = tpu.vector_load %arg7[%swap3A_446, %swap3A_447] {strides = array<i32>} : memref<32x768xf32, #tpu.memory_space<vmem>>, vector<1x16xf32>,
      %swap3A_449 = vector.shape_cast %swap3A_448 : vector<1x16xf32> to vector<16xf32>
      %swap3A_450 = vector.shape_cast %add3A_445 : vector<16xf32> to vector<1x16xf32>
      tpu.vector_store %arg7[%swap3A_446, %swap3A_447], %swap3A_450 {strides = array<i32>} : memref<32x768xf32, #tpu.memory_space<vmem>>, vector<1x16xf32>,
      %get3A_451 = arith.index_cast %scan3A_46 : i32 to index
      %get3A_452 = arith.constant 464 : index
      %get3A_453 = tpu.vector_load %arg7[%get3A_451, %get3A_452] {strides = array<i32>} : memref<32x768xf32, #tpu.memory_space<vmem>>, vector<1x16xf32>,
      %get3A_454 = vector.shape_cast %get3A_453 : vector<1x16xf32> to vector<16xf32>
      %get3A_455 = arith.index_cast %scan3A_46 : i32 to index
      %get3A_456 = arith.constant 464 : index
      %get3A_457 = tpu.vector_load %arg8[%get3A_455, %get3A_456] {strides = array<i32>} : memref<32x768xf32, #tpu.memory_space<vmem>>, vector<1x16xf32>,
      %get3A_458 = vector.shape_cast %get3A_457 : vector<1x16xf32> to vector<16xf32>
      %add3A_459 = arith.addf %get3A_454, %get3A_458 : vector<16xf32>
      %swap3A_460 = arith.index_cast %scan3A_46 : i32 to index
      %swap3A_461 = arith.constant 464 : index
      %swap3A_462 = tpu.vector_load %arg7[%swap3A_460, %swap3A_461] {strides = array<i32>} : memref<32x768xf32, #tpu.memory_space<vmem>>, vector<1x16xf32>,
      %swap3A_463 = vector.shape_cast %swap3A_462 : vector<1x16xf32> to vector<16xf32>
      %swap3A_464 = vector.shape_cast %add3A_459 : vector<16xf32> to vector<1x16xf32>
      tpu.vector_store %arg7[%swap3A_460, %swap3A_461], %swap3A_464 {strides = array<i32>} : memref<32x768xf32, #tpu.memory_space<vmem>>, vector<1x16xf32>,
      %get3A_465 = arith.index_cast %scan3A_46 : i32 to index
      %get3A_466 = arith.constant 480 : index
      %get3A_467 = tpu.vector_load %arg7[%get3A_465, %get3A_466] {strides = array<i32>} : memref<32x768xf32, #tpu.memory_space<vmem>>, vector<1x16xf32>,
      %get3A_468 = vector.shape_cast %get3A_467 : vector<1x16xf32> to vector<16xf32>
      %get3A_469 = arith.index_cast %scan3A_46 : i32 to index
      %get3A_470 = arith.constant 480 : index
      %get3A_471 = tpu.vector_load %arg8[%get3A_469, %get3A_470] {strides = array<i32>} : memref<32x768xf32, #tpu.memory_space<vmem>>, vector<1x16xf32>,
      %get3A_472 = vector.shape_cast %get3A_471 : vector<1x16xf32> to vector<16xf32>
      %add3A_473 = arith.addf %get3A_468, %get3A_472 : vector<16xf32>
      %swap3A_474 = arith.index_cast %scan3A_46 : i32 to index
      %swap3A_475 = arith.constant 480 : index
      %swap3A_476 = tpu.vector_load %arg7[%swap3A_474, %swap3A_475] {strides = array<i32>} : memref<32x768xf32, #tpu.memory_space<vmem>>, vector<1x16xf32>,
      %swap3A_477 = vector.shape_cast %swap3A_476 : vector<1x16xf32> to vector<16xf32>
      %swap3A_478 = vector.shape_cast %add3A_473 : vector<16xf32> to vector<1x16xf32>
      tpu.vector_store %arg7[%swap3A_474, %swap3A_475], %swap3A_478 {strides = array<i32>} : memref<32x768xf32, #tpu.memory_space<vmem>>, vector<1x16xf32>,
      %get3A_479 = arith.index_cast %scan3A_46 : i32 to index
      %get3A_480 = arith.constant 496 : index
      %get3A_481 = tpu.vector_load %arg7[%get3A_479, %get3A_480] {strides = array<i32>} : memref<32x768xf32, #tpu.memory_space<vmem>>, vector<1x16xf32>,
      %get3A_482 = vector.shape_cast %get3A_481 : vector<1x16xf32> to vector<16xf32>
      %get3A_483 = arith.index_cast %scan3A_46 : i32 to index
      %get3A_484 = arith.constant 496 : index
      %get3A_485 = tpu.vector_load %arg8[%get3A_483, %get3A_484] {strides = array<i32>} : memref<32x768xf32, #tpu.memory_space<vmem>>, vector<1x16xf32>,
      %get3A_486 = vector.shape_cast %get3A_485 : vector<1x16xf32> to vector<16xf32>
      %add3A_487 = arith.addf %get3A_482, %get3A_486 : vector<16xf32>
      %swap3A_488 = arith.index_cast %scan3A_46 : i32 to index
      %swap3A_489 = arith.constant 496 : index
      %swap3A_490 = tpu.vector_load %arg7[%swap3A_488, %swap3A_489] {strides = array<i32>} : memref<32x768xf32, #tpu.memory_space<vmem>>, vector<1x16xf32>,
      %swap3A_491 = vector.shape_cast %swap3A_490 : vector<1x16xf32> to vector<16xf32>
      %swap3A_492 = vector.shape_cast %add3A_487 : vector<16xf32> to vector<1x16xf32>
      tpu.vector_store %arg7[%swap3A_488, %swap3A_489], %swap3A_492 {strides = array<i32>} : memref<32x768xf32, #tpu.memory_space<vmem>>, vector<1x16xf32>,
      %get3A_493 = arith.index_cast %scan3A_46 : i32 to index
      %get3A_494 = arith.constant 512 : index
      %get3A_495 = tpu.vector_load %arg7[%get3A_493, %get3A_494] {strides = array<i32>} : memref<32x768xf32, #tpu.memory_space<vmem>>, vector<1x16xf32>,
      %get3A_496 = vector.shape_cast %get3A_495 : vector<1x16xf32> to vector<16xf32>
      %get3A_497 = arith.index_cast %scan3A_46 : i32 to index
      %get3A_498 = arith.constant 512 : index
      %get3A_499 = tpu.vector_load %arg8[%get3A_497, %get3A_498] {strides = array<i32>} : memref<32x768xf32, #tpu.memory_space<vmem>>, vector<1x16xf32>,
      %get3A_500 = vector.shape_cast %get3A_499 : vector<1x16xf32> to vector<16xf32>
      %add3A_501 = arith.addf %get3A_496, %get3A_500 : vector<16xf32>
      %swap3A_502 = arith.index_cast %scan3A_46 : i32 to index
      %swap3A_503 = arith.constant 512 : index
      %swap3A_504 = tpu.vector_load %arg7[%swap3A_502, %swap3A_503] {strides = array<i32>} : memref<32x768xf32, #tpu.memory_space<vmem>>, vector<1x16xf32>,
      %swap3A_505 = vector.shape_cast %swap3A_504 : vector<1x16xf32> to vector<16xf32>
      %swap3A_506 = vector.shape_cast %add3A_501 : vector<16xf32> to vector<1x16xf32>
      tpu.vector_store %arg7[%swap3A_502, %swap3A_503], %swap3A_506 {strides = array<i32>} : memref<32x768xf32, #tpu.memory_space<vmem>>, vector<1x16xf32>,
      %get3A_507 = arith.index_cast %scan3A_46 : i32 to index
      %get3A_508 = arith.constant 528 : index
      %get3A_509 = tpu.vector_load %arg7[%get3A_507, %get3A_508] {strides = array<i32>} : memref<32x768xf32, #tpu.memory_space<vmem>>, vector<1x16xf32>,
      %get3A_510 = vector.shape_cast %get3A_509 : vector<1x16xf32> to vector<16xf32>
      %get3A_511 = arith.index_cast %scan3A_46 : i32 to index
      %get3A_512 = arith.constant 528 : index
      %get3A_513 = tpu.vector_load %arg8[%get3A_511, %get3A_512] {strides = array<i32>} : memref<32x768xf32, #tpu.memory_space<vmem>>, vector<1x16xf32>,
      %get3A_514 = vector.shape_cast %get3A_513 : vector<1x16xf32> to vector<16xf32>
      %add3A_515 = arith.addf %get3A_510, %get3A_514 : vector<16xf32>
      %swap3A_516 = arith.index_cast %scan3A_46 : i32 to index
      %swap3A_517 = arith.constant 528 : index
      %swap3A_518 = tpu.vector_load %arg7[%swap3A_516, %swap3A_517] {strides = array<i32>} : memref<32x768xf32, #tpu.memory_space<vmem>>, vector<1x16xf32>,
      %swap3A_519 = vector.shape_cast %swap3A_518 : vector<1x16xf32> to vector<16xf32>
      %swap3A_520 = vector.shape_cast %add3A_515 : vector<16xf32> to vector<1x16xf32>
      tpu.vector_store %arg7[%swap3A_516, %swap3A_517], %swap3A_520 {strides = array<i32>} : memref<32x768xf32, #tpu.memory_space<vmem>>, vector<1x16xf32>,
      %get3A_521 = arith.index_cast %scan3A_46 : i32 to index
      %get3A_522 = arith.constant 544 : index
      %get3A_523 = tpu.vector_load %arg7[%get3A_521, %get3A_522] {strides = array<i32>} : memref<32x768xf32, #tpu.memory_space<vmem>>, vector<1x16xf32>,
      %get3A_524 = vector.shape_cast %get3A_523 : vector<1x16xf32> to vector<16xf32>
      %get3A_525 = arith.index_cast %scan3A_46 : i32 to index
      %get3A_526 = arith.constant 544 : index
      %get3A_527 = tpu.vector_load %arg8[%get3A_525, %get3A_526] {strides = array<i32>} : memref<32x768xf32, #tpu.memory_space<vmem>>, vector<1x16xf32>,
      %get3A_528 = vector.shape_cast %get3A_527 : vector<1x16xf32> to vector<16xf32>
      %add3A_529 = arith.addf %get3A_524, %get3A_528 : vector<16xf32>
      %swap3A_530 = arith.index_cast %scan3A_46 : i32 to index
      %swap3A_531 = arith.constant 544 : index
      %swap3A_532 = tpu.vector_load %arg7[%swap3A_530, %swap3A_531] {strides = array<i32>} : memref<32x768xf32, #tpu.memory_space<vmem>>, vector<1x16xf32>,
      %swap3A_533 = vector.shape_cast %swap3A_532 : vector<1x16xf32> to vector<16xf32>
      %swap3A_534 = vector.shape_cast %add3A_529 : vector<16xf32> to vector<1x16xf32>
      tpu.vector_store %arg7[%swap3A_530, %swap3A_531], %swap3A_534 {strides = array<i32>} : memref<32x768xf32, #tpu.memory_space<vmem>>, vector<1x16xf32>,
      %get3A_535 = arith.index_cast %scan3A_46 : i32 to index
      %get3A_536 = arith.constant 560 : index
      %get3A_537 = tpu.vector_load %arg7[%get3A_535, %get3A_536] {strides = array<i32>} : memref<32x768xf32, #tpu.memory_space<vmem>>, vector<1x16xf32>,
      %get3A_538 = vector.shape_cast %get3A_537 : vector<1x16xf32> to vector<16xf32>
      %get3A_539 = arith.index_cast %scan3A_46 : i32 to index
      %get3A_540 = arith.constant 560 : index
      %get3A_541 = tpu.vector_load %arg8[%get3A_539, %get3A_540] {strides = array<i32>} : memref<32x768xf32, #tpu.memory_space<vmem>>, vector<1x16xf32>,
      %get3A_542 = vector.shape_cast %get3A_541 : vector<1x16xf32> to vector<16xf32>
      %add3A_543 = arith.addf %get3A_538, %get3A_542 : vector<16xf32>
      %swap3A_544 = arith.index_cast %scan3A_46 : i32 to index
      %swap3A_545 = arith.constant 560 : index
      %swap3A_546 = tpu.vector_load %arg7[%swap3A_544, %swap3A_545] {strides = array<i32>} : memref<32x768xf32, #tpu.memory_space<vmem>>, vector<1x16xf32>,
      %swap3A_547 = vector.shape_cast %swap3A_546 : vector<1x16xf32> to vector<16xf32>
      %swap3A_548 = vector.shape_cast %add3A_543 : vector<16xf32> to vector<1x16xf32>
      tpu.vector_store %arg7[%swap3A_544, %swap3A_545], %swap3A_548 {strides = array<i32>} : memref<32x768xf32, #tpu.memory_space<vmem>>, vector<1x16xf32>,
      %get3A_549 = arith.index_cast %scan3A_46 : i32 to index
      %get3A_550 = arith.constant 576 : index
      %get3A_551 = tpu.vector_load %arg7[%get3A_549, %get3A_550] {strides = array<i32>} : memref<32x768xf32, #tpu.memory_space<vmem>>, vector<1x16xf32>,
      %get3A_552 = vector.shape_cast %get3A_551 : vector<1x16xf32> to vector<16xf32>
      %get3A_553 = arith.index_cast %scan3A_46 : i32 to index
      %get3A_554 = arith.constant 576 : index
      %get3A_555 = tpu.vector_load %arg8[%get3A_553, %get3A_554] {strides = array<i32>} : memref<32x768xf32, #tpu.memory_space<vmem>>, vector<1x16xf32>,
      %get3A_556 = vector.shape_cast %get3A_555 : vector<1x16xf32> to vector<16xf32>
      %add3A_557 = arith.addf %get3A_552, %get3A_556 : vector<16xf32>
      %swap3A_558 = arith.index_cast %scan3A_46 : i32 to index
      %swap3A_559 = arith.constant 576 : index
      %swap3A_560 = tpu.vector_load %arg7[%swap3A_558, %swap3A_559] {strides = array<i32>} : memref<32x768xf32, #tpu.memory_space<vmem>>, vector<1x16xf32>,
      %swap3A_561 = vector.shape_cast %swap3A_560 : vector<1x16xf32> to vector<16xf32>
      %swap3A_562 = vector.shape_cast %add3A_557 : vector<16xf32> to vector<1x16xf32>
      tpu.vector_store %arg7[%swap3A_558, %swap3A_559], %swap3A_562 {strides = array<i32>} : memref<32x768xf32, #tpu.memory_space<vmem>>, vector<1x16xf32>,
      %get3A_563 = arith.index_cast %scan3A_46 : i32 to index
      %get3A_564 = arith.constant 592 : index
      %get3A_565 = tpu.vector_load %arg7[%get3A_563, %get3A_564] {strides = array<i32>} : memref<32x768xf32, #tpu.memory_space<vmem>>, vector<1x16xf32>,
      %get3A_566 = vector.shape_cast %get3A_565 : vector<1x16xf32> to vector<16xf32>
      %get3A_567 = arith.index_cast %scan3A_46 : i32 to index
      %get3A_568 = arith.constant 592 : index
      %get3A_569 = tpu.vector_load %arg8[%get3A_567, %get3A_568] {strides = array<i32>} : memref<32x768xf32, #tpu.memory_space<vmem>>, vector<1x16xf32>,
      %get3A_570 = vector.shape_cast %get3A_569 : vector<1x16xf32> to vector<16xf32>
      %add3A_571 = arith.addf %get3A_566, %get3A_570 : vector<16xf32>
      %swap3A_572 = arith.index_cast %scan3A_46 : i32 to index
      %swap3A_573 = arith.constant 592 : index
      %swap3A_574 = tpu.vector_load %arg7[%swap3A_572, %swap3A_573] {strides = array<i32>} : memref<32x768xf32, #tpu.memory_space<vmem>>, vector<1x16xf32>,
      %swap3A_575 = vector.shape_cast %swap3A_574 : vector<1x16xf32> to vector<16xf32>
      %swap3A_576 = vector.shape_cast %add3A_571 : vector<16xf32> to vector<1x16xf32>
      tpu.vector_store %arg7[%swap3A_572, %swap3A_573], %swap3A_576 {strides = array<i32>} : memref<32x768xf32, #tpu.memory_space<vmem>>, vector<1x16xf32>,
      %get3A_577 = arith.index_cast %scan3A_46 : i32 to index
      %get3A_578 = arith.constant 608 : index
      %get3A_579 = tpu.vector_load %arg7[%get3A_577, %get3A_578] {strides = array<i32>} : memref<32x768xf32, #tpu.memory_space<vmem>>, vector<1x16xf32>,
      %get3A_580 = vector.shape_cast %get3A_579 : vector<1x16xf32> to vector<16xf32>
      %get3A_581 = arith.index_cast %scan3A_46 : i32 to index
      %get3A_582 = arith.constant 608 : index
      %get3A_583 = tpu.vector_load %arg8[%get3A_581, %get3A_582] {strides = array<i32>} : memref<32x768xf32, #tpu.memory_space<vmem>>, vector<1x16xf32>,
      %get3A_584 = vector.shape_cast %get3A_583 : vector<1x16xf32> to vector<16xf32>
      %add3A_585 = arith.addf %get3A_580, %get3A_584 : vector<16xf32>
      %swap3A_586 = arith.index_cast %scan3A_46 : i32 to index
      %swap3A_587 = arith.constant 608 : index
      %swap3A_588 = tpu.vector_load %arg7[%swap3A_586, %swap3A_587] {strides = array<i32>} : memref<32x768xf32, #tpu.memory_space<vmem>>, vector<1x16xf32>,
      %swap3A_589 = vector.shape_cast %swap3A_588 : vector<1x16xf32> to vector<16xf32>
      %swap3A_590 = vector.shape_cast %add3A_585 : vector<16xf32> to vector<1x16xf32>
      tpu.vector_store %arg7[%swap3A_586, %swap3A_587], %swap3A_590 {strides = array<i32>} : memref<32x768xf32, #tpu.memory_space<vmem>>, vector<1x16xf32>,
      %get3A_591 = arith.index_cast %scan3A_46 : i32 to index
      %get3A_592 = arith.constant 624 : index
      %get3A_593 = tpu.vector_load %arg7[%get3A_591, %get3A_592] {strides = array<i32>} : memref<32x768xf32, #tpu.memory_space<vmem>>, vector<1x16xf32>,
      %get3A_594 = vector.shape_cast %get3A_593 : vector<1x16xf32> to vector<16xf32>
      %get3A_595 = arith.index_cast %scan3A_46 : i32 to index
      %get3A_596 = arith.constant 624 : index
      %get3A_597 = tpu.vector_load %arg8[%get3A_595, %get3A_596] {strides = array<i32>} : memref<32x768xf32, #tpu.memory_space<vmem>>, vector<1x16xf32>,
      %get3A_598 = vector.shape_cast %get3A_597 : vector<1x16xf32> to vector<16xf32>
      %add3A_599 = arith.addf %get3A_594, %get3A_598 : vector<16xf32>
      %swap3A_600 = arith.index_cast %scan3A_46 : i32 to index
      %swap3A_601 = arith.constant 624 : index
      %swap3A_602 = tpu.vector_load %arg7[%swap3A_600, %swap3A_601] {strides = array<i32>} : memref<32x768xf32, #tpu.memory_space<vmem>>, vector<1x16xf32>,
      %swap3A_603 = vector.shape_cast %swap3A_602 : vector<1x16xf32> to vector<16xf32>
      %swap3A_604 = vector.shape_cast %add3A_599 : vector<16xf32> to vector<1x16xf32>
      tpu.vector_store %arg7[%swap3A_600, %swap3A_601], %swap3A_604 {strides = array<i32>} : memref<32x768xf32, #tpu.memory_space<vmem>>, vector<1x16xf32>,
      %get3A_605 = arith.index_cast %scan3A_46 : i32 to index
      %get3A_606 = arith.constant 640 : index
      %get3A_607 = tpu.vector_load %arg7[%get3A_605, %get3A_606] {strides = array<i32>} : memref<32x768xf32, #tpu.memory_space<vmem>>, vector<1x16xf32>,
      %get3A_608 = vector.shape_cast %get3A_607 : vector<1x16xf32> to vector<16xf32>
      %get3A_609 = arith.index_cast %scan3A_46 : i32 to index
      %get3A_610 = arith.constant 640 : index
      %get3A_611 = tpu.vector_load %arg8[%get3A_609, %get3A_610] {strides = array<i32>} : memref<32x768xf32, #tpu.memory_space<vmem>>, vector<1x16xf32>,
      %get3A_612 = vector.shape_cast %get3A_611 : vector<1x16xf32> to vector<16xf32>
      %add3A_613 = arith.addf %get3A_608, %get3A_612 : vector<16xf32>
      %swap3A_614 = arith.index_cast %scan3A_46 : i32 to index
      %swap3A_615 = arith.constant 640 : index
      %swap3A_616 = tpu.vector_load %arg7[%swap3A_614, %swap3A_615] {strides = array<i32>} : memref<32x768xf32, #tpu.memory_space<vmem>>, vector<1x16xf32>,
      %swap3A_617 = vector.shape_cast %swap3A_616 : vector<1x16xf32> to vector<16xf32>
      %swap3A_618 = vector.shape_cast %add3A_613 : vector<16xf32> to vector<1x16xf32>
      tpu.vector_store %arg7[%swap3A_614, %swap3A_615], %swap3A_618 {strides = array<i32>} : memref<32x768xf32, #tpu.memory_space<vmem>>, vector<1x16xf32>,
      %get3A_619 = arith.index_cast %scan3A_46 : i32 to index
      %get3A_620 = arith.constant 656 : index
      %get3A_621 = tpu.vector_load %arg7[%get3A_619, %get3A_620] {strides = array<i32>} : memref<32x768xf32, #tpu.memory_space<vmem>>, vector<1x16xf32>,
      %get3A_622 = vector.shape_cast %get3A_621 : vector<1x16xf32> to vector<16xf32>
      %get3A_623 = arith.index_cast %scan3A_46 : i32 to index
      %get3A_624 = arith.constant 656 : index
      %get3A_625 = tpu.vector_load %arg8[%get3A_623, %get3A_624] {strides = array<i32>} : memref<32x768xf32, #tpu.memory_space<vmem>>, vector<1x16xf32>,
      %get3A_626 = vector.shape_cast %get3A_625 : vector<1x16xf32> to vector<16xf32>
      %add3A_627 = arith.addf %get3A_622, %get3A_626 : vector<16xf32>
      %swap3A_628 = arith.index_cast %scan3A_46 : i32 to index
      %swap3A_629 = arith.constant 656 : index
      %swap3A_630 = tpu.vector_load %arg7[%swap3A_628, %swap3A_629] {strides = array<i32>} : memref<32x768xf32, #tpu.memory_space<vmem>>, vector<1x16xf32>,
      %swap3A_631 = vector.shape_cast %swap3A_630 : vector<1x16xf32> to vector<16xf32>
      %swap3A_632 = vector.shape_cast %add3A_627 : vector<16xf32> to vector<1x16xf32>
      tpu.vector_store %arg7[%swap3A_628, %swap3A_629], %swap3A_632 {strides = array<i32>} : memref<32x768xf32, #tpu.memory_space<vmem>>, vector<1x16xf32>,
      %get3A_633 = arith.index_cast %scan3A_46 : i32 to index
      %get3A_634 = arith.constant 672 : index
      %get3A_635 = tpu.vector_load %arg7[%get3A_633, %get3A_634] {strides = array<i32>} : memref<32x768xf32, #tpu.memory_space<vmem>>, vector<1x16xf32>,
      %get3A_636 = vector.shape_cast %get3A_635 : vector<1x16xf32> to vector<16xf32>
      %get3A_637 = arith.index_cast %scan3A_46 : i32 to index
      %get3A_638 = arith.constant 672 : index
      %get3A_639 = tpu.vector_load %arg8[%get3A_637, %get3A_638] {strides = array<i32>} : memref<32x768xf32, #tpu.memory_space<vmem>>, vector<1x16xf32>,
      %get3A_640 = vector.shape_cast %get3A_639 : vector<1x16xf32> to vector<16xf32>
      %add3A_641 = arith.addf %get3A_636, %get3A_640 : vector<16xf32>
      %swap3A_642 = arith.index_cast %scan3A_46 : i32 to index
      %swap3A_643 = arith.constant 672 : index
      %swap3A_644 = tpu.vector_load %arg7[%swap3A_642, %swap3A_643] {strides = array<i32>} : memref<32x768xf32, #tpu.memory_space<vmem>>, vector<1x16xf32>,
      %swap3A_645 = vector.shape_cast %swap3A_644 : vector<1x16xf32> to vector<16xf32>
      %swap3A_646 = vector.shape_cast %add3A_641 : vector<16xf32> to vector<1x16xf32>
      tpu.vector_store %arg7[%swap3A_642, %swap3A_643], %swap3A_646 {strides = array<i32>} : memref<32x768xf32, #tpu.memory_space<vmem>>, vector<1x16xf32>,
      %get3A_647 = arith.index_cast %scan3A_46 : i32 to index
      %get3A_648 = arith.constant 688 : index
      %get3A_649 = tpu.vector_load %arg7[%get3A_647, %get3A_648] {strides = array<i32>} : memref<32x768xf32, #tpu.memory_space<vmem>>, vector<1x16xf32>,
      %get3A_650 = vector.shape_cast %get3A_649 : vector<1x16xf32> to vector<16xf32>
      %get3A_651 = arith.index_cast %scan3A_46 : i32 to index
      %get3A_652 = arith.constant 688 : index
      %get3A_653 = tpu.vector_load %arg8[%get3A_651, %get3A_652] {strides = array<i32>} : memref<32x768xf32, #tpu.memory_space<vmem>>, vector<1x16xf32>,
      %get3A_654 = vector.shape_cast %get3A_653 : vector<1x16xf32> to vector<16xf32>
      %add3A_655 = arith.addf %get3A_650, %get3A_654 : vector<16xf32>
      %swap3A_656 = arith.index_cast %scan3A_46 : i32 to index
      %swap3A_657 = arith.constant 688 : index
      %swap3A_658 = tpu.vector_load %arg7[%swap3A_656, %swap3A_657] {strides = array<i32>} : memref<32x768xf32, #tpu.memory_space<vmem>>, vector<1x16xf32>,
      %swap3A_659 = vector.shape_cast %swap3A_658 : vector<1x16xf32> to vector<16xf32>
      %swap3A_660 = vector.shape_cast %add3A_655 : vector<16xf32> to vector<1x16xf32>
      tpu.vector_store %arg7[%swap3A_656, %swap3A_657], %swap3A_660 {strides = array<i32>} : memref<32x768xf32, #tpu.memory_space<vmem>>, vector<1x16xf32>,
      %get3A_661 = arith.index_cast %scan3A_46 : i32 to index
      %get3A_662 = arith.constant 704 : index
      %get3A_663 = tpu.vector_load %arg7[%get3A_661, %get3A_662] {strides = array<i32>} : memref<32x768xf32, #tpu.memory_space<vmem>>, vector<1x16xf32>,
      %get3A_664 = vector.shape_cast %get3A_663 : vector<1x16xf32> to vector<16xf32>
      %get3A_665 = arith.index_cast %scan3A_46 : i32 to index
      %get3A_666 = arith.constant 704 : index
      %get3A_667 = tpu.vector_load %arg8[%get3A_665, %get3A_666] {strides = array<i32>} : memref<32x768xf32, #tpu.memory_space<vmem>>, vector<1x16xf32>,
      %get3A_668 = vector.shape_cast %get3A_667 : vector<1x16xf32> to vector<16xf32>
      %add3A_669 = arith.addf %get3A_664, %get3A_668 : vector<16xf32>
      %swap3A_670 = arith.index_cast %scan3A_46 : i32 to index
      %swap3A_671 = arith.constant 704 : index
      %swap3A_672 = tpu.vector_load %arg7[%swap3A_670, %swap3A_671] {strides = array<i32>} : memref<32x768xf32, #tpu.memory_space<vmem>>, vector<1x16xf32>,
      %swap3A_673 = vector.shape_cast %swap3A_672 : vector<1x16xf32> to vector<16xf32>
      %swap3A_674 = vector.shape_cast %add3A_669 : vector<16xf32> to vector<1x16xf32>
      tpu.vector_store %arg7[%swap3A_670, %swap3A_671], %swap3A_674 {strides = array<i32>} : memref<32x768xf32, #tpu.memory_space<vmem>>, vector<1x16xf32>,
      %get3A_675 = arith.index_cast %scan3A_46 : i32 to index
      %get3A_676 = arith.constant 720 : index
      %get3A_677 = tpu.vector_load %arg7[%get3A_675, %get3A_676] {strides = array<i32>} : memref<32x768xf32, #tpu.memory_space<vmem>>, vector<1x16xf32>,
      %get3A_678 = vector.shape_cast %get3A_677 : vector<1x16xf32> to vector<16xf32>
      %get3A_679 = arith.index_cast %scan3A_46 : i32 to index
      %get3A_680 = arith.constant 720 : index
      %get3A_681 = tpu.vector_load %arg8[%get3A_679, %get3A_680] {strides = array<i32>} : memref<32x768xf32, #tpu.memory_space<vmem>>, vector<1x16xf32>,
      %get3A_682 = vector.shape_cast %get3A_681 : vector<1x16xf32> to vector<16xf32>
      %add3A_683 = arith.addf %get3A_678, %get3A_682 : vector<16xf32>
      %swap3A_684 = arith.index_cast %scan3A_46 : i32 to index
      %swap3A_685 = arith.constant 720 : index
      %swap3A_686 = tpu.vector_load %arg7[%swap3A_684, %swap3A_685] {strides = array<i32>} : memref<32x768xf32, #tpu.memory_space<vmem>>, vector<1x16xf32>,
      %swap3A_687 = vector.shape_cast %swap3A_686 : vector<1x16xf32> to vector<16xf32>
      %swap3A_688 = vector.shape_cast %add3A_683 : vector<16xf32> to vector<1x16xf32>
      tpu.vector_store %arg7[%swap3A_684, %swap3A_685], %swap3A_688 {strides = array<i32>} : memref<32x768xf32, #tpu.memory_space<vmem>>, vector<1x16xf32>,
      %get3A_689 = arith.index_cast %scan3A_46 : i32 to index
      %get3A_690 = arith.constant 736 : index
      %get3A_691 = tpu.vector_load %arg7[%get3A_689, %get3A_690] {strides = array<i32>} : memref<32x768xf32, #tpu.memory_space<vmem>>, vector<1x16xf32>,
      %get3A_692 = vector.shape_cast %get3A_691 : vector<1x16xf32> to vector<16xf32>
      %get3A_693 = arith.index_cast %scan3A_46 : i32 to index
      %get3A_694 = arith.constant 736 : index
      %get3A_695 = tpu.vector_load %arg8[%get3A_693, %get3A_694] {strides = array<i32>} : memref<32x768xf32, #tpu.memory_space<vmem>>, vector<1x16xf32>,
      %get3A_696 = vector.shape_cast %get3A_695 : vector<1x16xf32> to vector<16xf32>
      %add3A_697 = arith.addf %get3A_692, %get3A_696 : vector<16xf32>
      %swap3A_698 = arith.index_cast %scan3A_46 : i32 to index
      %swap3A_699 = arith.constant 736 : index
      %swap3A_700 = tpu.vector_load %arg7[%swap3A_698, %swap3A_699] {strides = array<i32>} : memref<32x768xf32, #tpu.memory_space<vmem>>, vector<1x16xf32>,
      %swap3A_701 = vector.shape_cast %swap3A_700 : vector<1x16xf32> to vector<16xf32>
      %swap3A_702 = vector.shape_cast %add3A_697 : vector<16xf32> to vector<1x16xf32>
      tpu.vector_store %arg7[%swap3A_698, %swap3A_699], %swap3A_702 {strides = array<i32>} : memref<32x768xf32, #tpu.memory_space<vmem>>, vector<1x16xf32>,
      %get3A_703 = arith.index_cast %scan3A_46 : i32 to index
      %get3A_704 = arith.constant 752 : index
      %get3A_705 = tpu.vector_load %arg7[%get3A_703, %get3A_704] {strides = array<i32>} : memref<32x768xf32, #tpu.memory_space<vmem>>, vector<1x16xf32>,
      %get3A_706 = vector.shape_cast %get3A_705 : vector<1x16xf32> to vector<16xf32>
      %get3A_707 = arith.index_cast %scan3A_46 : i32 to index
      %get3A_708 = arith.constant 752 : index
      %get3A_709 = tpu.vector_load %arg8[%get3A_707, %get3A_708] {strides = array<i32>} : memref<32x768xf32, #tpu.memory_space<vmem>>, vector<1x16xf32>,
      %get3A_710 = vector.shape_cast %get3A_709 : vector<1x16xf32> to vector<16xf32>
      %add3A_711 = arith.addf %get3A_706, %get3A_710 : vector<16xf32>
      %swap3A_712 = arith.index_cast %scan3A_46 : i32 to index
      %swap3A_713 = arith.constant 752 : index
      %swap3A_714 = tpu.vector_load %arg7[%swap3A_712, %swap3A_713] {strides = array<i32>} : memref<32x768xf32, #tpu.memory_space<vmem>>, vector<1x16xf32>,
      %swap3A_715 = vector.shape_cast %swap3A_714 : vector<1x16xf32> to vector<16xf32>
      %swap3A_716 = vector.shape_cast %add3A_711 : vector<16xf32> to vector<1x16xf32>
      tpu.vector_store %arg7[%swap3A_712, %swap3A_713], %swap3A_716 {strides = array<i32>} : memref<32x768xf32, #tpu.memory_space<vmem>>, vector<1x16xf32>,
    }
    %scan3A_45 = arith.constant 32 : i32
    "tpu.region"() ({
      %run_scoped3A = tpu.sem_alloc : memref<!tpu.dma_semaphore, #tpu.memory_space<semaphore_mem>>
      %dma_start3A_46 = arith.constant 0 : i32
      %dma_start3A_47 = tpu.memref_slice %arg4[%add3A_25, %dma_start3A_46] : memref<2048x768xf32, #tpu.memory_space<hbm>> -> memref<32x768xf32, #tpu.memory_space<hbm>>
      %dma_start3A_48 = arith.constant 0 : i32
      %dma_start3A_49 = tpu.memref_slice %arg4[%add3A_25, %dma_start3A_48] : memref<2048x768xf32, #tpu.memory_space<hbm>> -> memref<32x768xf32, #tpu.memory_space<hbm>>
      tpu.enqueue_dma source(%arg7 : memref<32x768xf32, #tpu.memory_space<vmem>>) target(%dma_start3A_49 : memref<32x768xf32, #tpu.memory_space<hbm>>) target_semaphore(%run_scoped3A : memref<!tpu.dma_semaphore, #tpu.memory_space<semaphore_mem>>)
      %dma_wait3A_50 = arith.constant 0 : i32
      %dma_wait3A_51 = tpu.memref_slice %arg4[%add3A_25, %dma_wait3A_50] : memref<2048x768xf32, #tpu.memory_space<hbm>> -> memref<32x768xf32, #tpu.memory_space<hbm>>
      %dma_wait3A_52 = arith.constant 0 : i32
      %dma_wait3A_53 = tpu.memref_slice %arg4[%add3A_25, %dma_wait3A_52] : memref<2048x768xf32, #tpu.memory_space<hbm>> -> memref<32x768xf32, #tpu.memory_space<hbm>>
      tpu.wait_dma2 semaphore(%run_scoped3A : memref<!tpu.dma_semaphore, #tpu.memory_space<semaphore_mem>>) src(%arg7 : memref<32x768xf32, #tpu.memory_space<vmem>>) dst(%dma_wait3A_53 : memref<32x768xf32, #tpu.memory_space<hbm>>)
      tpu.yield
    }) : () -> ()
    return
  }
}

#map = affine_map<(d0, d1) -> (0)>
#map1 = affine_map<(d0, d1) -> (0, 0)>
module attributes {stable_mosaic.version = 14 : i64} {
  func.func @_scatter_kernel(%arg0: i32, %arg1: i32, %arg2: memref<4096xi32, #tpu.memory_space<hbm>>, %arg3: memref<2048x768xf32, #tpu.memory_space<hbm>>, %arg4: memref<2048x128xf32, #tpu.memory_space<hbm>>, %arg5: memref<2048x128xf32, #tpu.memory_space<hbm>>, %arg6: memref<6144x768xf32, #tpu.memory_space<hbm>>, %arg7: memref<6144x128xf32, #tpu.memory_space<hbm>>, %arg8: memref<64xi32, #tpu.memory_space<vmem>>, %arg9: memref<64xi32, #tpu.memory_space<vmem>>, %arg10: memref<64x768xf32, #tpu.memory_space<vmem>>, %arg11: memref<64x128xf32, #tpu.memory_space<vmem>>, %arg12: memref<64x128xf32, #tpu.memory_space<vmem>>, %arg13: memref<!tpu.dma_semaphore, #tpu.memory_space<semaphore_mem>>, %arg14: memref<!tpu.dma_semaphore, #tpu.memory_space<semaphore_mem>>) attributes {dimension_semantics = [#tpu.dimension_semantics<core_parallel>, #tpu.dimension_semantics<subcore_parallel>], iteration_bounds = array<i64: 2, 16>, scalar_prefetch = 0 : i64, scratch_operands = 7 : i64, tpu.core_type = #tpu.core_type<sc_vector_subcore>, window_params = [{transform_indices = #map}, {transform_indices = #map1}, {transform_indices = #map1}, {transform_indices = #map1}, {transform_indices = #map1}, {transform_indices = #map1}]} {
    %mul3A = arith.constant 2 : i32
    %mul3A_0 = arith.muli %arg1, %mul3A : i32
    %add3A = arith.addi %mul3A_0, %arg0 : i32
    %mul3A_1 = arith.constant 64 : i32
    %mul3A_2 = arith.muli %add3A, %mul3A_1 : i32
    "tpu.region"() ({
      %run_scoped3A = tpu.sem_alloc : memref<!tpu.dma_semaphore, #tpu.memory_space<semaphore_mem>>
      %dma_start3A_27 = tpu.memref_slice %arg2[%mul3A_2] : memref<4096xi32, #tpu.memory_space<hbm>> -> memref<64xi32, #tpu.memory_space<hbm>>
      %dma_start3A_28 = tpu.memref_slice %arg2[%mul3A_2] : memref<4096xi32, #tpu.memory_space<hbm>> -> memref<64xi32, #tpu.memory_space<hbm>>
      tpu.enqueue_dma source(%dma_start3A_28 : memref<64xi32, #tpu.memory_space<hbm>>) target(%arg8 : memref<64xi32, #tpu.memory_space<vmem>>) target_semaphore(%run_scoped3A : memref<!tpu.dma_semaphore, #tpu.memory_space<semaphore_mem>>)
      %dma_wait3A_29 = tpu.memref_slice %arg2[%mul3A_2] : memref<4096xi32, #tpu.memory_space<hbm>> -> memref<64xi32, #tpu.memory_space<hbm>>
      %dma_wait3A_30 = tpu.memref_slice %arg2[%mul3A_2] : memref<4096xi32, #tpu.memory_space<hbm>> -> memref<64xi32, #tpu.memory_space<hbm>>
      tpu.wait_dma2 semaphore(%run_scoped3A : memref<!tpu.dma_semaphore, #tpu.memory_space<semaphore_mem>>) src(%dma_wait3A_30 : memref<64xi32, #tpu.memory_space<hbm>>) dst(%arg8 : memref<64xi32, #tpu.memory_space<vmem>>)
      tpu.yield
    }) : () -> ()
    %add3A_3 = arith.constant 2048 : i32
    %add3A_4 = arith.addi %add3A_3, %mul3A_2 : i32
    "tpu.region"() ({
      %run_scoped3A = tpu.sem_alloc : memref<!tpu.dma_semaphore, #tpu.memory_space<semaphore_mem>>
      %dma_start3A_27 = tpu.memref_slice %arg2[%add3A_4] : memref<4096xi32, #tpu.memory_space<hbm>> -> memref<64xi32, #tpu.memory_space<hbm>>
      %dma_start3A_28 = tpu.memref_slice %arg2[%add3A_4] : memref<4096xi32, #tpu.memory_space<hbm>> -> memref<64xi32, #tpu.memory_space<hbm>>
      tpu.enqueue_dma source(%dma_start3A_28 : memref<64xi32, #tpu.memory_space<hbm>>) target(%arg9 : memref<64xi32, #tpu.memory_space<vmem>>) target_semaphore(%run_scoped3A : memref<!tpu.dma_semaphore, #tpu.memory_space<semaphore_mem>>)
      %dma_wait3A_29 = tpu.memref_slice %arg2[%add3A_4] : memref<4096xi32, #tpu.memory_space<hbm>> -> memref<64xi32, #tpu.memory_space<hbm>>
      %dma_wait3A_30 = tpu.memref_slice %arg2[%add3A_4] : memref<4096xi32, #tpu.memory_space<hbm>> -> memref<64xi32, #tpu.memory_space<hbm>>
      tpu.wait_dma2 semaphore(%run_scoped3A : memref<!tpu.dma_semaphore, #tpu.memory_space<semaphore_mem>>) src(%dma_wait3A_30 : memref<64xi32, #tpu.memory_space<hbm>>) dst(%arg9 : memref<64xi32, #tpu.memory_space<vmem>>)
      tpu.yield
    }) : () -> ()
    "tpu.region"() ({
      %run_scoped3A = tpu.sem_alloc : memref<!tpu.dma_semaphore, #tpu.memory_space<semaphore_mem>>
      %dma_start3A_27 = arith.constant 0 : i32
      %dma_start3A_28 = tpu.memref_slice %arg3[%mul3A_2, %dma_start3A_27] : memref<2048x768xf32, #tpu.memory_space<hbm>> -> memref<64x768xf32, #tpu.memory_space<hbm>>
      %dma_start3A_29 = arith.constant 0 : i32
      %dma_start3A_30 = tpu.memref_slice %arg3[%mul3A_2, %dma_start3A_29] : memref<2048x768xf32, #tpu.memory_space<hbm>> -> memref<64x768xf32, #tpu.memory_space<hbm>>
      tpu.enqueue_dma source(%dma_start3A_30 : memref<64x768xf32, #tpu.memory_space<hbm>>) target(%arg10 : memref<64x768xf32, #tpu.memory_space<vmem>>) target_semaphore(%run_scoped3A : memref<!tpu.dma_semaphore, #tpu.memory_space<semaphore_mem>>)
      %dma_wait3A_31 = arith.constant 0 : i32
      %dma_wait3A_32 = tpu.memref_slice %arg3[%mul3A_2, %dma_wait3A_31] : memref<2048x768xf32, #tpu.memory_space<hbm>> -> memref<64x768xf32, #tpu.memory_space<hbm>>
      %dma_wait3A_33 = arith.constant 0 : i32
      %dma_wait3A_34 = tpu.memref_slice %arg3[%mul3A_2, %dma_wait3A_33] : memref<2048x768xf32, #tpu.memory_space<hbm>> -> memref<64x768xf32, #tpu.memory_space<hbm>>
      tpu.wait_dma2 semaphore(%run_scoped3A : memref<!tpu.dma_semaphore, #tpu.memory_space<semaphore_mem>>) src(%dma_wait3A_34 : memref<64x768xf32, #tpu.memory_space<hbm>>) dst(%arg10 : memref<64x768xf32, #tpu.memory_space<vmem>>)
      tpu.yield
    }) : () -> ()
    "tpu.region"() ({
      %run_scoped3A = tpu.sem_alloc : memref<!tpu.dma_semaphore, #tpu.memory_space<semaphore_mem>>
      %dma_start3A_27 = arith.constant 0 : i32
      %dma_start3A_28 = tpu.memref_slice %arg4[%mul3A_2, %dma_start3A_27] : memref<2048x128xf32, #tpu.memory_space<hbm>> -> memref<64x128xf32, #tpu.memory_space<hbm>>
      %dma_start3A_29 = arith.constant 0 : i32
      %dma_start3A_30 = tpu.memref_slice %arg4[%mul3A_2, %dma_start3A_29] : memref<2048x128xf32, #tpu.memory_space<hbm>> -> memref<64x128xf32, #tpu.memory_space<hbm>>
      tpu.enqueue_dma source(%dma_start3A_30 : memref<64x128xf32, #tpu.memory_space<hbm>>) target(%arg11 : memref<64x128xf32, #tpu.memory_space<vmem>>) target_semaphore(%run_scoped3A : memref<!tpu.dma_semaphore, #tpu.memory_space<semaphore_mem>>)
      %dma_wait3A_31 = arith.constant 0 : i32
      %dma_wait3A_32 = tpu.memref_slice %arg4[%mul3A_2, %dma_wait3A_31] : memref<2048x128xf32, #tpu.memory_space<hbm>> -> memref<64x128xf32, #tpu.memory_space<hbm>>
      %dma_wait3A_33 = arith.constant 0 : i32
      %dma_wait3A_34 = tpu.memref_slice %arg4[%mul3A_2, %dma_wait3A_33] : memref<2048x128xf32, #tpu.memory_space<hbm>> -> memref<64x128xf32, #tpu.memory_space<hbm>>
      tpu.wait_dma2 semaphore(%run_scoped3A : memref<!tpu.dma_semaphore, #tpu.memory_space<semaphore_mem>>) src(%dma_wait3A_34 : memref<64x128xf32, #tpu.memory_space<hbm>>) dst(%arg11 : memref<64x128xf32, #tpu.memory_space<vmem>>)
      tpu.yield
    }) : () -> ()
    "tpu.region"() ({
      %run_scoped3A = tpu.sem_alloc : memref<!tpu.dma_semaphore, #tpu.memory_space<semaphore_mem>>
      %dma_start3A_27 = arith.constant 0 : i32
      %dma_start3A_28 = tpu.memref_slice %arg5[%mul3A_2, %dma_start3A_27] : memref<2048x128xf32, #tpu.memory_space<hbm>> -> memref<64x128xf32, #tpu.memory_space<hbm>>
      %dma_start3A_29 = arith.constant 0 : i32
      %dma_start3A_30 = tpu.memref_slice %arg5[%mul3A_2, %dma_start3A_29] : memref<2048x128xf32, #tpu.memory_space<hbm>> -> memref<64x128xf32, #tpu.memory_space<hbm>>
      tpu.enqueue_dma source(%dma_start3A_30 : memref<64x128xf32, #tpu.memory_space<hbm>>) target(%arg12 : memref<64x128xf32, #tpu.memory_space<vmem>>) target_semaphore(%run_scoped3A : memref<!tpu.dma_semaphore, #tpu.memory_space<semaphore_mem>>)
      %dma_wait3A_31 = arith.constant 0 : i32
      %dma_wait3A_32 = tpu.memref_slice %arg5[%mul3A_2, %dma_wait3A_31] : memref<2048x128xf32, #tpu.memory_space<hbm>> -> memref<64x128xf32, #tpu.memory_space<hbm>>
      %dma_wait3A_33 = arith.constant 0 : i32
      %dma_wait3A_34 = tpu.memref_slice %arg5[%mul3A_2, %dma_wait3A_33] : memref<2048x128xf32, #tpu.memory_space<hbm>> -> memref<64x128xf32, #tpu.memory_space<hbm>>
      tpu.wait_dma2 semaphore(%run_scoped3A : memref<!tpu.dma_semaphore, #tpu.memory_space<semaphore_mem>>) src(%dma_wait3A_34 : memref<64x128xf32, #tpu.memory_space<hbm>>) dst(%arg12 : memref<64x128xf32, #tpu.memory_space<vmem>>)
      tpu.yield
    }) : () -> ()
    %dma_start3A = arith.constant 0 : i32
    %dma_start3A_5 = arith.constant 0 : i32
    %dma_start3A_6 = tpu.memref_slice %arg6[%dma_start3A, %dma_start3A_5] : memref<6144x768xf32, #tpu.memory_space<hbm>> -> memref<6144x768xf32, #tpu.memory_space<hbm>>
    tpu.enqueue_indirect_dma source(%arg10 : memref<64x768xf32, #tpu.memory_space<vmem>>) target(%dma_start3A_6 : memref<6144x768xf32, #tpu.memory_space<hbm>>) offsets(%arg8 : memref<64xi32, #tpu.memory_space<vmem>>) semaphore(%arg13 : memref<!tpu.dma_semaphore, #tpu.memory_space<semaphore_mem>>)
    %dma_start3A_7 = arith.constant 0 : i32
    %dma_start3A_8 = arith.constant 0 : i32
    %dma_start3A_9 = tpu.memref_slice %arg6[%dma_start3A_7, %dma_start3A_8] : memref<6144x768xf32, #tpu.memory_space<hbm>> -> memref<6144x768xf32, #tpu.memory_space<hbm>>
    tpu.enqueue_indirect_dma source(%arg10 : memref<64x768xf32, #tpu.memory_space<vmem>>) target(%dma_start3A_9 : memref<6144x768xf32, #tpu.memory_space<hbm>>) offsets(%arg9 : memref<64xi32, #tpu.memory_space<vmem>>) semaphore(%arg13 : memref<!tpu.dma_semaphore, #tpu.memory_space<semaphore_mem>>)
    %dma_start3A_10 = arith.constant 0 : i32
    %dma_start3A_11 = arith.constant 0 : i32
    %dma_start3A_12 = tpu.memref_slice %arg7[%dma_start3A_10, %dma_start3A_11] : memref<6144x128xf32, #tpu.memory_space<hbm>> -> memref<6144x128xf32, #tpu.memory_space<hbm>>
    tpu.enqueue_indirect_dma source(%arg11 : memref<64x128xf32, #tpu.memory_space<vmem>>) target(%dma_start3A_12 : memref<6144x128xf32, #tpu.memory_space<hbm>>) offsets(%arg8 : memref<64xi32, #tpu.memory_space<vmem>>) semaphore(%arg14 : memref<!tpu.dma_semaphore, #tpu.memory_space<semaphore_mem>>)
    %dma_start3A_13 = arith.constant 0 : i32
    %dma_start3A_14 = arith.constant 0 : i32
    %dma_start3A_15 = tpu.memref_slice %arg7[%dma_start3A_13, %dma_start3A_14] : memref<6144x128xf32, #tpu.memory_space<hbm>> -> memref<6144x128xf32, #tpu.memory_space<hbm>>
    tpu.enqueue_indirect_dma source(%arg12 : memref<64x128xf32, #tpu.memory_space<vmem>>) target(%dma_start3A_15 : memref<6144x128xf32, #tpu.memory_space<hbm>>) offsets(%arg9 : memref<64xi32, #tpu.memory_space<vmem>>) semaphore(%arg14 : memref<!tpu.dma_semaphore, #tpu.memory_space<semaphore_mem>>)
    %dma_wait3A = arith.constant 0 : i32
    %dma_wait3A_16 = arith.constant 0 : i32
    %dma_wait3A_17 = tpu.memref_slice %arg6[%dma_wait3A, %dma_wait3A_16] : memref<6144x768xf32, #tpu.memory_space<hbm>> -> memref<6144x768xf32, #tpu.memory_space<hbm>>
    tpu.wait_indirect_dma semaphore(%arg13 : memref<!tpu.dma_semaphore, #tpu.memory_space<semaphore_mem>>) src(%arg10 : memref<64x768xf32, #tpu.memory_space<vmem>>) dst(%dma_wait3A_17 : memref<6144x768xf32, #tpu.memory_space<hbm>>)
    %dma_wait3A_18 = arith.constant 0 : i32
    %dma_wait3A_19 = arith.constant 0 : i32
    %dma_wait3A_20 = tpu.memref_slice %arg6[%dma_wait3A_18, %dma_wait3A_19] : memref<6144x768xf32, #tpu.memory_space<hbm>> -> memref<6144x768xf32, #tpu.memory_space<hbm>>
    tpu.wait_indirect_dma semaphore(%arg13 : memref<!tpu.dma_semaphore, #tpu.memory_space<semaphore_mem>>) src(%arg10 : memref<64x768xf32, #tpu.memory_space<vmem>>) dst(%dma_wait3A_20 : memref<6144x768xf32, #tpu.memory_space<hbm>>)
    %dma_wait3A_21 = arith.constant 0 : i32
    %dma_wait3A_22 = arith.constant 0 : i32
    %dma_wait3A_23 = tpu.memref_slice %arg7[%dma_wait3A_21, %dma_wait3A_22] : memref<6144x128xf32, #tpu.memory_space<hbm>> -> memref<6144x128xf32, #tpu.memory_space<hbm>>
    tpu.wait_indirect_dma semaphore(%arg14 : memref<!tpu.dma_semaphore, #tpu.memory_space<semaphore_mem>>) src(%arg11 : memref<64x128xf32, #tpu.memory_space<vmem>>) dst(%dma_wait3A_23 : memref<6144x128xf32, #tpu.memory_space<hbm>>)
    %dma_wait3A_24 = arith.constant 0 : i32
    %dma_wait3A_25 = arith.constant 0 : i32
    %dma_wait3A_26 = tpu.memref_slice %arg7[%dma_wait3A_24, %dma_wait3A_25] : memref<6144x128xf32, #tpu.memory_space<hbm>> -> memref<6144x128xf32, #tpu.memory_space<hbm>>
    tpu.wait_indirect_dma semaphore(%arg14 : memref<!tpu.dma_semaphore, #tpu.memory_space<semaphore_mem>>) src(%arg12 : memref<64x128xf32, #tpu.memory_space<vmem>>) dst(%dma_wait3A_26 : memref<6144x128xf32, #tpu.memory_space<hbm>>)
    return
  }
}

module attributes {stable_mosaic.version = 14 : i64} {
  func.func @_gmm_kernel(%arg0: i32, %arg1: memref<24xi32, #tpu.memory_space<smem>>, %arg2: memref<256x768xf32, #tpu.memory_space<vmem>>, %arg3: memref<256x128xf32, #tpu.memory_space<vmem>>, %arg4: memref<8x768x768xf32, #tpu.memory_space<vmem>>, %arg5: memref<8x768x768xf32, #tpu.memory_space<vmem>>, %arg6: memref<256x768xf32, #tpu.memory_space<vmem>>) attributes {dimension_semantics = [#tpu.dimension_semantics<arbitrary>], iteration_bounds = array<i64: 24>, scalar_prefetch = 1 : i64, scratch_operands = 0 : i64, tpu.core_type = #tpu.core_type<tc>, window_params = [{transform_indices = @transform_0, window_bounds = array<i64: 256, 768>}, {transform_indices = @transform_1, window_bounds = array<i64: 256, 128>}, {pipeline_mode = #tpu.pipeline_mode<synchronous>, transform_indices = @transform_2, window_bounds = array<i64: 8, 768, 768>}, {pipeline_mode = #tpu.pipeline_mode<synchronous>, transform_indices = @transform_3, window_bounds = array<i64: 8, 768, 768>}, {transform_indices = @transform_4, window_bounds = array<i64: 256, 768>}]} {
    %get3A = arith.index_cast %arg0 : i32 to index
    %get3A_0 = memref.load %arg1[%get3A] : memref<24xi32, #tpu.memory_space<smem>>
    %get3A_1 = arith.constant 0 : index
    %get3A_2 = arith.constant 0 : index
    %get3A_3 = vector.load %arg2[%get3A_1, %get3A_2] : memref<256x768xf32, #tpu.memory_space<vmem>>, vector<256x768xf32>
    %get3A_4 = arith.index_cast %get3A_0 : i32 to index
    %get3A_5 = arith.constant 0 : index
    %get3A_6 = arith.constant 0 : index
    %get3A_7 = vector.load %arg4[%get3A_4, %get3A_5, %get3A_6] : memref<8x768x768xf32, #tpu.memory_space<vmem>>, vector<1x768x768xf32>
    %get3A_8 = vector.shape_cast %get3A_7 : vector<1x768x768xf32> to vector<768x768xf32>
    %dot_general3A = arith.constant dense<0.000000e+00> : vector<256x768xf32>
    %dot_general3A_9 = tpu.matmul %get3A_3, %get3A_8, %dot_general3A {dimension_numbers = #tpu.dot_dimension_numbers<[1], [0], [0], [1], [0, 0, 1, 1], [], []>, transpose_lhs_hint = false} : vector<256x768xf32>, vector<768x768xf32>, vector<256x768xf32> -> vector<256x768xf32>
    %max3A = arith.constant 0.000000e+00 : f32
    %max3A_10 = vector.broadcast %max3A : f32 to vector<256x768xf32>
    %max3A_11 = arith.maximumf %dot_general3A_9, %max3A_10 : vector<256x768xf32>
    %get3A_12 = arith.constant 0 : index
    %get3A_13 = arith.constant 0 : index
    %get3A_14 = vector.load %arg3[%get3A_12, %get3A_13] : memref<256x128xf32, #tpu.memory_space<vmem>>, vector<256x1xf32>
    %mul3A = vector.broadcast %get3A_14 : vector<256x1xf32> to vector<256x768xf32>
    %mul3A_15 = arith.mulf %max3A_11, %mul3A : vector<256x768xf32>
    %get3A_16 = arith.index_cast %get3A_0 : i32 to index
    %get3A_17 = arith.constant 0 : index
    %get3A_18 = arith.constant 0 : index
    %get3A_19 = vector.load %arg5[%get3A_16, %get3A_17, %get3A_18] : memref<8x768x768xf32, #tpu.memory_space<vmem>>, vector<1x768x768xf32>
    %get3A_20 = vector.shape_cast %get3A_19 : vector<1x768x768xf32> to vector<768x768xf32>
    %dot_general3A_21 = arith.constant dense<0.000000e+00> : vector<256x768xf32>
    %dot_general3A_22 = tpu.matmul %mul3A_15, %get3A_20, %dot_general3A_21 {dimension_numbers = #tpu.dot_dimension_numbers<[1], [0], [0], [1], [0, 0, 1, 1], [], []>, transpose_lhs_hint = false} : vector<256x768xf32>, vector<768x768xf32>, vector<256x768xf32> -> vector<256x768xf32>
    %swap3A = arith.constant 0 : index
    %swap3A_23 = arith.constant 0 : index
    %swap3A_24 = vector.load %arg6[%swap3A, %swap3A_23] : memref<256x768xf32, #tpu.memory_space<vmem>>, vector<256x768xf32>
    tpu.vector_store %arg6[%swap3A, %swap3A_23], %dot_general3A_22 {strides = array<i32>} : memref<256x768xf32, #tpu.memory_space<vmem>>, vector<256x768xf32>,
    return
  }
  func.func @transform_0(%arg0: i32, %arg1: memref<24xi32, #tpu.memory_space<smem>>) -> (i32, i32) {
    %c0_i32 = arith.constant 0 : i32
    %c0_i32_0 = arith.constant 0 : i32
    return %arg0, %c0_i32 : i32, i32
  }
  func.func @transform_1(%arg0: i32, %arg1: memref<24xi32, #tpu.memory_space<smem>>) -> (i32, i32) {
    %c0_i32 = arith.constant 0 : i32
    %c0_i32_0 = arith.constant 0 : i32
    return %arg0, %c0_i32 : i32, i32
  }
  func.func @transform_2(%arg0: i32, %arg1: memref<24xi32, #tpu.memory_space<smem>>) -> (i32, i32, i32) {
    %c0_i32 = arith.constant 0 : i32
    %c0_i32_0 = arith.constant 0 : i32
    %c0_i32_1 = arith.constant 0 : i32
    %c0_i32_2 = arith.constant 0 : i32
    return %c0_i32, %c0_i32_0, %c0_i32_1 : i32, i32, i32
  }
  func.func @transform_3(%arg0: i32, %arg1: memref<24xi32, #tpu.memory_space<smem>>) -> (i32, i32, i32) {
    %c0_i32 = arith.constant 0 : i32
    %c0_i32_0 = arith.constant 0 : i32
    %c0_i32_1 = arith.constant 0 : i32
    %c0_i32_2 = arith.constant 0 : i32
    return %c0_i32, %c0_i32_0, %c0_i32_1 : i32, i32, i32
  }
  func.func @transform_4(%arg0: i32, %arg1: memref<24xi32, #tpu.memory_space<smem>>) -> (i32, i32) {
    %c0_i32 = arith.constant 0 : i32
    %c0_i32_0 = arith.constant 0 : i32
    return %arg0, %c0_i32 : i32, i32
  }
}

module attributes {stable_mosaic.version = 14 : i64} {
  func.func @_router_kernel(%arg0: i32, %arg1: memref<256x768xf32, #tpu.memory_space<vmem>>, %arg2: memref<768x768xf32, #tpu.memory_space<vmem>>, %arg3: memref<1x768xf32, #tpu.memory_space<vmem>>, %arg4: memref<8x768xf32, #tpu.memory_space<vmem>>, %arg5: memref<256x128xf32, #tpu.memory_space<vmem>>, %arg6: memref<256x128xf32, #tpu.memory_space<vmem>>, %arg7: memref<4096x1xi32, #tpu.memory_space<vmem>>, %arg8: memref<1x24xi32, #tpu.memory_space<vmem>>, %arg9: memref<4096x8xf32, #tpu.memory_space<vmem>>) attributes {dimension_semantics = [#tpu.dimension_semantics<arbitrary>], iteration_bounds = array<i64: 8>, scalar_prefetch = 0 : i64, scratch_operands = 1 : i64, tpu.core_type = #tpu.core_type<tc>, window_params = [{transform_indices = @transform_0, window_bounds = array<i64: 256, 768>}, {pipeline_mode = #tpu.pipeline_mode<synchronous>, transform_indices = @transform_1, window_bounds = array<i64: 768, 768>}, {pipeline_mode = #tpu.pipeline_mode<synchronous>, transform_indices = @transform_2, window_bounds = array<i64: 1, 768>}, {pipeline_mode = #tpu.pipeline_mode<synchronous>, transform_indices = @transform_3, window_bounds = array<i64: 8, 768>}, {transform_indices = @transform_4, window_bounds = array<i64: 256, 128>}, {transform_indices = @transform_5, window_bounds = array<i64: 256, 128>}, {pipeline_mode = #tpu.pipeline_mode<synchronous>, transform_indices = @transform_6, window_bounds = array<i64: 4096, 1>}, {pipeline_mode = #tpu.pipeline_mode<synchronous>, transform_indices = @transform_7, window_bounds = array<i64: 1, 24>}]} {
    %get3A = arith.constant 0 : index
    %get3A_0 = arith.constant 0 : index
    %get3A_1 = vector.load %arg1[%get3A, %get3A_0] : memref<256x768xf32, #tpu.memory_space<vmem>>, vector<256x768xf32>
    %get3A_2 = arith.constant 0 : index
    %get3A_3 = arith.constant 0 : index
    %get3A_4 = vector.load %arg2[%get3A_2, %get3A_3] : memref<768x768xf32, #tpu.memory_space<vmem>>, vector<768x768xf32>
    %dot_general3A = arith.constant dense<0.000000e+00> : vector<256x768xf32>
    %dot_general3A_5 = tpu.matmul %get3A_1, %get3A_4, %dot_general3A {dimension_numbers = #tpu.dot_dimension_numbers<[1], [1], [0], [0], [0, 0, 1, 0], [], []>, transpose_lhs_hint = false} : vector<256x768xf32>, vector<768x768xf32>, vector<256x768xf32> -> vector<256x768xf32>
    %get3A_6 = arith.constant 0 : index
    %get3A_7 = arith.constant 0 : index
    %get3A_8 = vector.load %arg3[%get3A_6, %get3A_7] : memref<1x768xf32, #tpu.memory_space<vmem>>, vector<1x768xf32>
    %add3A = vector.broadcast %get3A_8 : vector<1x768xf32> to vector<256x768xf32>
    %add3A_9 = arith.addf %dot_general3A_5, %add3A : vector<256x768xf32>
    %tanh3A = math.tanh %add3A_9 : vector<256x768xf32>
    %get3A_10 = arith.constant 0 : index
    %get3A_11 = arith.constant 0 : index
    %get3A_12 = vector.load %arg4[%get3A_10, %get3A_11] : memref<8x768xf32, #tpu.memory_space<vmem>>, vector<8x768xf32>
    %dot_general3A_13 = arith.constant dense<0.000000e+00> : vector<256x8xf32>
    %dot_general3A_14 = tpu.matmul %tanh3A, %get3A_12, %dot_general3A_13 {dimension_numbers = #tpu.dot_dimension_numbers<[1], [1], [0], [0], [0, 0, 1, 0], [], []>, transpose_lhs_hint = false} : vector<256x768xf32>, vector<8x768xf32>, vector<256x8xf32> -> vector<256x8xf32>
    %transpose3A = tpu.transpose %dot_general3A_14, [1, 0] : vector<256x8xf32> -> vector<8x256xf32>
    %reduce_max3A = arith.constant dense<0xFF800000> : vector<256xf32>
    %reduce_max3A_15 = vector.multi_reduction <maximumf>, %transpose3A, %reduce_max3A [0] : vector<8x256xf32> to vector<256xf32>
    %broadcast_in_dim3A = vector.shape_cast %reduce_max3A_15 : vector<256xf32> to vector<1x256xf32>
    %sub3A = vector.broadcast %broadcast_in_dim3A : vector<1x256xf32> to vector<8x256xf32>
    %sub3A_16 = arith.subf %transpose3A, %sub3A : vector<8x256xf32>
    %exp3A = math.exp %sub3A_16 : vector<8x256xf32>
    %reduce_sum3A = arith.constant dense<0.000000e+00> : vector<256xf32>
    %reduce_sum3A_17 = vector.multi_reduction <add>, %exp3A, %reduce_sum3A [0] : vector<8x256xf32> to vector<256xf32>
    %broadcast_in_dim3A_18 = vector.shape_cast %reduce_sum3A_17 : vector<256xf32> to vector<1x256xf32>
    %div3A = vector.broadcast %broadcast_in_dim3A_18 : vector<1x256xf32> to vector<8x256xf32>
    %div3A_19 = arith.divf %exp3A, %div3A : vector<8x256xf32>
    %iota3A = tpu.iota {dimensions = array<i32: 0>} : vector<8x256xi32>
    %reduce_max3A_20 = arith.constant dense<0xFF800000> : vector<256xf32>
    %reduce_max3A_21 = vector.multi_reduction <maximumf>, %div3A_19, %reduce_max3A_20 [0] : vector<8x256xf32> to vector<256xf32>
    %broadcast_in_dim3A_22 = vector.shape_cast %reduce_max3A_21 : vector<256xf32> to vector<1x256xf32>
    %eq3A = vector.broadcast %broadcast_in_dim3A_22 : vector<1x256xf32> to vector<8x256xf32>
    %eq3A_23 = arith.cmpf oeq, %div3A_19, %eq3A : vector<8x256xf32>
    %jit3A = arith.constant 8 : i32
    %broadcast_in_dim3A_24 = vector.broadcast %jit3A : i32 to vector<8x256xi32>
    %select_n3A = arith.select %eq3A_23, %iota3A, %broadcast_in_dim3A_24 : vector<8x256xi1>, vector<8x256xi32>
    %reduce_min3A = arith.constant dense<2147483647> : vector<256xi32>
    %reduce_min3A_25 = vector.multi_reduction <minsi>, %select_n3A, %reduce_min3A [0] : vector<8x256xi32> to vector<256xi32>
    %broadcast_in_dim3A_26 = vector.shape_cast %reduce_min3A_25 : vector<256xi32> to vector<1x256xi32>
    %eq3A_27 = vector.broadcast %broadcast_in_dim3A_26 : vector<1x256xi32> to vector<8x256xi32>
    %eq3A_28 = arith.cmpi eq, %iota3A, %eq3A_27 : vector<8x256xi32>
    %jit3A_29 = arith.constant 0xFF800000 : f32
    %broadcast_in_dim3A_30 = vector.broadcast %jit3A_29 : f32 to vector<8x256xf32>
    %select_n3A_31 = arith.select %eq3A_28, %broadcast_in_dim3A_30, %div3A_19 : vector<8x256xi1>, vector<8x256xf32>
    %reduce_max3A_32 = arith.constant dense<0xFF800000> : vector<256xf32>
    %reduce_max3A_33 = vector.multi_reduction <maximumf>, %select_n3A_31, %reduce_max3A_32 [0] : vector<8x256xf32> to vector<256xf32>
    %broadcast_in_dim3A_34 = vector.shape_cast %reduce_max3A_33 : vector<256xf32> to vector<1x256xf32>
    %eq3A_35 = vector.broadcast %broadcast_in_dim3A_34 : vector<1x256xf32> to vector<8x256xf32>
    %eq3A_36 = arith.cmpf oeq, %select_n3A_31, %eq3A_35 : vector<8x256xf32>
    %jit3A_37 = arith.constant 8 : i32
    %broadcast_in_dim3A_38 = vector.broadcast %jit3A_37 : i32 to vector<8x256xi32>
    %select_n3A_39 = arith.select %eq3A_36, %iota3A, %broadcast_in_dim3A_38 : vector<8x256xi1>, vector<8x256xi32>
    %reduce_min3A_40 = arith.constant dense<2147483647> : vector<256xi32>
    %reduce_min3A_41 = vector.multi_reduction <minsi>, %select_n3A_39, %reduce_min3A_40 [0] : vector<8x256xi32> to vector<256xi32>
    %broadcast_in_dim3A_42 = vector.shape_cast %reduce_min3A_41 : vector<256xi32> to vector<1x256xi32>
    %add3A_43 = arith.addf %broadcast_in_dim3A_22, %broadcast_in_dim3A_34 : vector<1x256xf32>
    %add3A_44 = arith.constant 9.99999997E-7 : f32
    %add3A_45 = vector.broadcast %add3A_44 : f32 to vector<1x256xf32>
    %add3A_46 = arith.addf %add3A_43, %add3A_45 : vector<1x256xf32>
    %div3A_47 = arith.divf %broadcast_in_dim3A_22, %add3A_46 : vector<1x256xf32>
    %div3A_48 = arith.divf %broadcast_in_dim3A_34, %add3A_46 : vector<1x256xf32>
    %convert_element_type3A = arith.sitofp %broadcast_in_dim3A_26 : vector<1x256xi32> to vector<1x256xf32>
    %convert_element_type3A_49 = arith.sitofp %broadcast_in_dim3A_42 : vector<1x256xi32> to vector<1x256xf32>
    %broadcast_in_dim3A_50 = arith.constant 0.000000e+00 : f32
    %broadcast_in_dim3A_51 = vector.broadcast %broadcast_in_dim3A_50 : f32 to vector<4x256xf32>
    %concatenate3A = tpu.concatenate %convert_element_type3A, %convert_element_type3A_49, %div3A_47, %div3A_48, %broadcast_in_dim3A_51 in 0 : vector<1x256xf32>, vector<1x256xf32>, vector<1x256xf32>, vector<1x256xf32>, vector<4x256xf32> -> vector<8x256xf32>
    %transpose3A_52 = tpu.transpose %concatenate3A, [1, 0] : vector<8x256xf32> -> vector<256x8xf32>
    %slice3A = vector.extract_strided_slice %transpose3A_52 {offsets = [0, 0], sizes = [256, 1], strides = [1, 1]} : vector<256x8xf32> to vector<256x1xf32>
    %convert_element_type3A_53 = arith.fptosi %slice3A : vector<256x1xf32> to vector<256x1xi32>
    %slice3A_54 = vector.extract_strided_slice %transpose3A_52 {offsets = [0, 1], sizes = [256, 1], strides = [1, 1]} : vector<256x8xf32> to vector<256x1xf32>
    %convert_element_type3A_55 = arith.fptosi %slice3A_54 : vector<256x1xf32> to vector<256x1xi32>
    %iota3A_56 = tpu.iota {dimensions = array<i32: 1>} : vector<256x8xi32>
    %eq3A_57 = vector.broadcast %convert_element_type3A_53 : vector<256x1xi32> to vector<256x8xi32>
    %eq3A_58 = arith.cmpi eq, %iota3A_56, %eq3A_57 : vector<256x8xi32>
    %convert_element_type3A_59 = arith.extui %eq3A_58 : vector<256x8xi1> to vector<256x8xi32>
    %convert_element_type3A_60 = arith.sitofp %convert_element_type3A_59 : vector<256x8xi32> to vector<256x8xf32>
    %mul3A = arith.constant 256 : i32
    %mul3A_61 = arith.muli %arg0, %mul3A : i32
    %swap3A = arith.index_cast %mul3A_61 : i32 to index
    %swap3A_62 = arith.constant 0 : index
    %swap3A_63 = vector.load %arg9[%swap3A, %swap3A_62] : memref<4096x8xf32, #tpu.memory_space<vmem>>, vector<256x8xf32>
    tpu.vector_store %arg9[%swap3A, %swap3A_62], %convert_element_type3A_60 {strides = array<i32>} : memref<4096x8xf32, #tpu.memory_space<vmem>>, vector<256x8xf32>,
    %eq3A_64 = vector.broadcast %convert_element_type3A_55 : vector<256x1xi32> to vector<256x8xi32>
    %eq3A_65 = arith.cmpi eq, %iota3A_56, %eq3A_64 : vector<256x8xi32>
    %convert_element_type3A_66 = arith.extui %eq3A_65 : vector<256x8xi1> to vector<256x8xi32>
    %convert_element_type3A_67 = arith.sitofp %convert_element_type3A_66 : vector<256x8xi32> to vector<256x8xf32>
    %mul3A_68 = arith.constant 256 : i32
    %mul3A_69 = arith.muli %arg0, %mul3A_68 : i32
    %add3A_70 = arith.constant 2048 : i32
    %add3A_71 = arith.addi %add3A_70, %mul3A_69 : i32
    %swap3A_72 = arith.index_cast %add3A_71 : i32 to index
    %swap3A_73 = arith.constant 0 : index
    %swap3A_74 = vector.load %arg9[%swap3A_72, %swap3A_73] : memref<4096x8xf32, #tpu.memory_space<vmem>>, vector<256x8xf32>
    tpu.vector_store %arg9[%swap3A_72, %swap3A_73], %convert_element_type3A_67 {strides = array<i32>} : memref<4096x8xf32, #tpu.memory_space<vmem>>, vector<256x8xf32>,
    %slice3A_75 = vector.extract_strided_slice %transpose3A_52 {offsets = [0, 2], sizes = [256, 1], strides = [1, 1]} : vector<256x8xf32> to vector<256x1xf32>
    %broadcast_in_dim3A_76 = vector.shape_cast %slice3A_75 : vector<256x1xf32> to vector<256x1xf32>
    %broadcast_in_dim3A_77 = vector.broadcast %broadcast_in_dim3A_76 : vector<256x1xf32> to vector<256x128xf32>
    %swap3A_78 = arith.constant 0 : index
    %swap3A_79 = arith.constant 0 : index
    %swap3A_80 = vector.load %arg5[%swap3A_78, %swap3A_79] : memref<256x128xf32, #tpu.memory_space<vmem>>, vector<256x128xf32>
    tpu.vector_store %arg5[%swap3A_78, %swap3A_79], %broadcast_in_dim3A_77 {strides = array<i32>} : memref<256x128xf32, #tpu.memory_space<vmem>>, vector<256x128xf32>,
    %slice3A_81 = vector.extract_strided_slice %transpose3A_52 {offsets = [0, 3], sizes = [256, 1], strides = [1, 1]} : vector<256x8xf32> to vector<256x1xf32>
    %broadcast_in_dim3A_82 = vector.shape_cast %slice3A_81 : vector<256x1xf32> to vector<256x1xf32>
    %broadcast_in_dim3A_83 = vector.broadcast %broadcast_in_dim3A_82 : vector<256x1xf32> to vector<256x128xf32>
    %swap3A_84 = arith.constant 0 : index
    %swap3A_85 = arith.constant 0 : index
    %swap3A_86 = vector.load %arg6[%swap3A_84, %swap3A_85] : memref<256x128xf32, #tpu.memory_space<vmem>>, vector<256x128xf32>
    tpu.vector_store %arg6[%swap3A_84, %swap3A_85], %broadcast_in_dim3A_83 {strides = array<i32>} : memref<256x128xf32, #tpu.memory_space<vmem>>, vector<256x128xf32>,
    %eq3A_87 = arith.constant 7 : i32
    %eq3A_88 = arith.cmpi eq, %arg0, %eq3A_87 : i32
    %convert_element_type3A_89 = arith.extui %eq3A_88 : i1 to i32
    %cond3A = arith.constant 0 : i32
    %cond3A_90 = arith.cmpi ne, %convert_element_type3A_89, %cond3A : i32
    scf.if %cond3A_90 {
      %iota3A_91 = tpu.iota {dimensions = array<i32: 0>} : vector<256x256xi32>
      %iota3A_92 = tpu.iota {dimensions = array<i32: 1>} : vector<256x256xi32>
      %lt3A = arith.cmpi slt, %iota3A_92, %iota3A_91 : vector<256x256xi32>
      %convert_element_type3A_93 = arith.extui %lt3A : vector<256x256xi1> to vector<256x256xi32>
      %convert_element_type3A_94 = arith.sitofp %convert_element_type3A_93 : vector<256x256xi32> to vector<256x256xf32>
      %get3A_95 = arith.constant 0 : index
      %get3A_96 = arith.constant 0 : index
      %get3A_97 = vector.load %arg9[%get3A_95, %get3A_96] : memref<4096x8xf32, #tpu.memory_space<vmem>>, vector<256x8xf32>
      %dot_general3A_98 = arith.constant dense<0.000000e+00> : vector<256x8xf32>
      %dot_general3A_99 = tpu.matmul %convert_element_type3A_94, %get3A_97, %dot_general3A_98 {dimension_numbers = #tpu.dot_dimension_numbers<[1], [0], [0], [1], [0, 0, 1, 1], [], []>, transpose_lhs_hint = false} : vector<256x256xf32>, vector<256x8xf32>, vector<256x8xf32> -> vector<256x8xf32>
      %reduce_sum3A_100 = arith.constant dense<0.000000e+00> : vector<8xf32>
      %reduce_sum3A_101 = vector.multi_reduction <add>, %get3A_97, %reduce_sum3A_100 [0] : vector<256x8xf32> to vector<8xf32>
      %broadcast_in_dim3A_102 = vector.shape_cast %reduce_sum3A_101 : vector<8xf32> to vector<1x8xf32>
      %get3A_103 = arith.constant 256 : index
      %get3A_104 = arith.constant 0 : index
      %get3A_105 = vector.load %arg9[%get3A_103, %get3A_104] : memref<4096x8xf32, #tpu.memory_space<vmem>>, vector<256x8xf32>
      %dot_general3A_106 = arith.constant dense<0.000000e+00> : vector<256x8xf32>
      %dot_general3A_107 = tpu.matmul %convert_element_type3A_94, %get3A_105, %dot_general3A_106 {dimension_numbers = #tpu.dot_dimension_numbers<[1], [0], [0], [1], [0, 0, 1, 1], [], []>, transpose_lhs_hint = false} : vector<256x256xf32>, vector<256x8xf32>, vector<256x8xf32> -> vector<256x8xf32>
      %reduce_sum3A_108 = arith.constant dense<0.000000e+00> : vector<8xf32>
      %reduce_sum3A_109 = vector.multi_reduction <add>, %get3A_105, %reduce_sum3A_108 [0] : vector<256x8xf32> to vector<8xf32>
      %broadcast_in_dim3A_110 = vector.shape_cast %reduce_sum3A_109 : vector<8xf32> to vector<1x8xf32>
      %get3A_111 = arith.constant 512 : index
      %get3A_112 = arith.constant 0 : index
      %get3A_113 = vector.load %arg9[%get3A_111, %get3A_112] : memref<4096x8xf32, #tpu.memory_space<vmem>>, vector<256x8xf32>
      %dot_general3A_114 = arith.constant dense<0.000000e+00> : vector<256x8xf32>
      %dot_general3A_115 = tpu.matmul %convert_element_type3A_94, %get3A_113, %dot_general3A_114 {dimension_numbers = #tpu.dot_dimension_numbers<[1], [0], [0], [1], [0, 0, 1, 1], [], []>, transpose_lhs_hint = false} : vector<256x256xf32>, vector<256x8xf32>, vector<256x8xf32> -> vector<256x8xf32>
      %reduce_sum3A_116 = arith.constant dense<0.000000e+00> : vector<8xf32>
      %reduce_sum3A_117 = vector.multi_reduction <add>, %get3A_113, %reduce_sum3A_116 [0] : vector<256x8xf32> to vector<8xf32>
      %broadcast_in_dim3A_118 = vector.shape_cast %reduce_sum3A_117 : vector<8xf32> to vector<1x8xf32>
      %get3A_119 = arith.constant 768 : index
      %get3A_120 = arith.constant 0 : index
      %get3A_121 = vector.load %arg9[%get3A_119, %get3A_120] : memref<4096x8xf32, #tpu.memory_space<vmem>>, vector<256x8xf32>
      %dot_general3A_122 = arith.constant dense<0.000000e+00> : vector<256x8xf32>
      %dot_general3A_123 = tpu.matmul %convert_element_type3A_94, %get3A_121, %dot_general3A_122 {dimension_numbers = #tpu.dot_dimension_numbers<[1], [0], [0], [1], [0, 0, 1, 1], [], []>, transpose_lhs_hint = false} : vector<256x256xf32>, vector<256x8xf32>, vector<256x8xf32> -> vector<256x8xf32>
      %reduce_sum3A_124 = arith.constant dense<0.000000e+00> : vector<8xf32>
      %reduce_sum3A_125 = vector.multi_reduction <add>, %get3A_121, %reduce_sum3A_124 [0] : vector<256x8xf32> to vector<8xf32>
      %broadcast_in_dim3A_126 = vector.shape_cast %reduce_sum3A_125 : vector<8xf32> to vector<1x8xf32>
      %get3A_127 = arith.constant 1024 : index
      %get3A_128 = arith.constant 0 : index
      %get3A_129 = vector.load %arg9[%get3A_127, %get3A_128] : memref<4096x8xf32, #tpu.memory_space<vmem>>, vector<256x8xf32>
      %dot_general3A_130 = arith.constant dense<0.000000e+00> : vector<256x8xf32>
      %dot_general3A_131 = tpu.matmul %convert_element_type3A_94, %get3A_129, %dot_general3A_130 {dimension_numbers = #tpu.dot_dimension_numbers<[1], [0], [0], [1], [0, 0, 1, 1], [], []>, transpose_lhs_hint = false} : vector<256x256xf32>, vector<256x8xf32>, vector<256x8xf32> -> vector<256x8xf32>
      %reduce_sum3A_132 = arith.constant dense<0.000000e+00> : vector<8xf32>
      %reduce_sum3A_133 = vector.multi_reduction <add>, %get3A_129, %reduce_sum3A_132 [0] : vector<256x8xf32> to vector<8xf32>
      %broadcast_in_dim3A_134 = vector.shape_cast %reduce_sum3A_133 : vector<8xf32> to vector<1x8xf32>
      %get3A_135 = arith.constant 1280 : index
      %get3A_136 = arith.constant 0 : index
      %get3A_137 = vector.load %arg9[%get3A_135, %get3A_136] : memref<4096x8xf32, #tpu.memory_space<vmem>>, vector<256x8xf32>
      %dot_general3A_138 = arith.constant dense<0.000000e+00> : vector<256x8xf32>
      %dot_general3A_139 = tpu.matmul %convert_element_type3A_94, %get3A_137, %dot_general3A_138 {dimension_numbers = #tpu.dot_dimension_numbers<[1], [0], [0], [1], [0, 0, 1, 1], [], []>, transpose_lhs_hint = false} : vector<256x256xf32>, vector<256x8xf32>, vector<256x8xf32> -> vector<256x8xf32>
      %reduce_sum3A_140 = arith.constant dense<0.000000e+00> : vector<8xf32>
      %reduce_sum3A_141 = vector.multi_reduction <add>, %get3A_137, %reduce_sum3A_140 [0] : vector<256x8xf32> to vector<8xf32>
      %broadcast_in_dim3A_142 = vector.shape_cast %reduce_sum3A_141 : vector<8xf32> to vector<1x8xf32>
      %get3A_143 = arith.constant 1536 : index
      %get3A_144 = arith.constant 0 : index
      %get3A_145 = vector.load %arg9[%get3A_143, %get3A_144] : memref<4096x8xf32, #tpu.memory_space<vmem>>, vector<256x8xf32>
      %dot_general3A_146 = arith.constant dense<0.000000e+00> : vector<256x8xf32>
      %dot_general3A_147 = tpu.matmul %convert_element_type3A_94, %get3A_145, %dot_general3A_146 {dimension_numbers = #tpu.dot_dimension_numbers<[1], [0], [0], [1], [0, 0, 1, 1], [], []>, transpose_lhs_hint = false} : vector<256x256xf32>, vector<256x8xf32>, vector<256x8xf32> -> vector<256x8xf32>
      %reduce_sum3A_148 = arith.constant dense<0.000000e+00> : vector<8xf32>
      %reduce_sum3A_149 = vector.multi_reduction <add>, %get3A_145, %reduce_sum3A_148 [0] : vector<256x8xf32> to vector<8xf32>
      %broadcast_in_dim3A_150 = vector.shape_cast %reduce_sum3A_149 : vector<8xf32> to vector<1x8xf32>
      %get3A_151 = arith.constant 1792 : index
      %get3A_152 = arith.constant 0 : index
      %get3A_153 = vector.load %arg9[%get3A_151, %get3A_152] : memref<4096x8xf32, #tpu.memory_space<vmem>>, vector<256x8xf32>
      %dot_general3A_154 = arith.constant dense<0.000000e+00> : vector<256x8xf32>
      %dot_general3A_155 = tpu.matmul %convert_element_type3A_94, %get3A_153, %dot_general3A_154 {dimension_numbers = #tpu.dot_dimension_numbers<[1], [0], [0], [1], [0, 0, 1, 1], [], []>, transpose_lhs_hint = false} : vector<256x256xf32>, vector<256x8xf32>, vector<256x8xf32> -> vector<256x8xf32>
      %reduce_sum3A_156 = arith.constant dense<0.000000e+00> : vector<8xf32>
      %reduce_sum3A_157 = vector.multi_reduction <add>, %get3A_153, %reduce_sum3A_156 [0] : vector<256x8xf32> to vector<8xf32>
      %broadcast_in_dim3A_158 = vector.shape_cast %reduce_sum3A_157 : vector<8xf32> to vector<1x8xf32>
      %get3A_159 = arith.constant 2048 : index
      %get3A_160 = arith.constant 0 : index
      %get3A_161 = vector.load %arg9[%get3A_159, %get3A_160] : memref<4096x8xf32, #tpu.memory_space<vmem>>, vector<256x8xf32>
      %dot_general3A_162 = arith.constant dense<0.000000e+00> : vector<256x8xf32>
      %dot_general3A_163 = tpu.matmul %convert_element_type3A_94, %get3A_161, %dot_general3A_162 {dimension_numbers = #tpu.dot_dimension_numbers<[1], [0], [0], [1], [0, 0, 1, 1], [], []>, transpose_lhs_hint = false} : vector<256x256xf32>, vector<256x8xf32>, vector<256x8xf32> -> vector<256x8xf32>
      %reduce_sum3A_164 = arith.constant dense<0.000000e+00> : vector<8xf32>
      %reduce_sum3A_165 = vector.multi_reduction <add>, %get3A_161, %reduce_sum3A_164 [0] : vector<256x8xf32> to vector<8xf32>
      %broadcast_in_dim3A_166 = vector.shape_cast %reduce_sum3A_165 : vector<8xf32> to vector<1x8xf32>
      %get3A_167 = arith.constant 2304 : index
      %get3A_168 = arith.constant 0 : index
      %get3A_169 = vector.load %arg9[%get3A_167, %get3A_168] : memref<4096x8xf32, #tpu.memory_space<vmem>>, vector<256x8xf32>
      %dot_general3A_170 = arith.constant dense<0.000000e+00> : vector<256x8xf32>
      %dot_general3A_171 = tpu.matmul %convert_element_type3A_94, %get3A_169, %dot_general3A_170 {dimension_numbers = #tpu.dot_dimension_numbers<[1], [0], [0], [1], [0, 0, 1, 1], [], []>, transpose_lhs_hint = false} : vector<256x256xf32>, vector<256x8xf32>, vector<256x8xf32> -> vector<256x8xf32>
      %reduce_sum3A_172 = arith.constant dense<0.000000e+00> : vector<8xf32>
      %reduce_sum3A_173 = vector.multi_reduction <add>, %get3A_169, %reduce_sum3A_172 [0] : vector<256x8xf32> to vector<8xf32>
      %broadcast_in_dim3A_174 = vector.shape_cast %reduce_sum3A_173 : vector<8xf32> to vector<1x8xf32>
      %get3A_175 = arith.constant 2560 : index
      %get3A_176 = arith.constant 0 : index
      %get3A_177 = vector.load %arg9[%get3A_175, %get3A_176] : memref<4096x8xf32, #tpu.memory_space<vmem>>, vector<256x8xf32>
      %dot_general3A_178 = arith.constant dense<0.000000e+00> : vector<256x8xf32>
      %dot_general3A_179 = tpu.matmul %convert_element_type3A_94, %get3A_177, %dot_general3A_178 {dimension_numbers = #tpu.dot_dimension_numbers<[1], [0], [0], [1], [0, 0, 1, 1], [], []>, transpose_lhs_hint = false} : vector<256x256xf32>, vector<256x8xf32>, vector<256x8xf32> -> vector<256x8xf32>
      %reduce_sum3A_180 = arith.constant dense<0.000000e+00> : vector<8xf32>
      %reduce_sum3A_181 = vector.multi_reduction <add>, %get3A_177, %reduce_sum3A_180 [0] : vector<256x8xf32> to vector<8xf32>
      %broadcast_in_dim3A_182 = vector.shape_cast %reduce_sum3A_181 : vector<8xf32> to vector<1x8xf32>
      %get3A_183 = arith.constant 2816 : index
      %get3A_184 = arith.constant 0 : index
      %get3A_185 = vector.load %arg9[%get3A_183, %get3A_184] : memref<4096x8xf32, #tpu.memory_space<vmem>>, vector<256x8xf32>
      %dot_general3A_186 = arith.constant dense<0.000000e+00> : vector<256x8xf32>
      %dot_general3A_187 = tpu.matmul %convert_element_type3A_94, %get3A_185, %dot_general3A_186 {dimension_numbers = #tpu.dot_dimension_numbers<[1], [0], [0], [1], [0, 0, 1, 1], [], []>, transpose_lhs_hint = false} : vector<256x256xf32>, vector<256x8xf32>, vector<256x8xf32> -> vector<256x8xf32>
      %reduce_sum3A_188 = arith.constant dense<0.000000e+00> : vector<8xf32>
      %reduce_sum3A_189 = vector.multi_reduction <add>, %get3A_185, %reduce_sum3A_188 [0] : vector<256x8xf32> to vector<8xf32>
      %broadcast_in_dim3A_190 = vector.shape_cast %reduce_sum3A_189 : vector<8xf32> to vector<1x8xf32>
      %get3A_191 = arith.constant 3072 : index
      %get3A_192 = arith.constant 0 : index
      %get3A_193 = vector.load %arg9[%get3A_191, %get3A_192] : memref<4096x8xf32, #tpu.memory_space<vmem>>, vector<256x8xf32>
      %dot_general3A_194 = arith.constant dense<0.000000e+00> : vector<256x8xf32>
      %dot_general3A_195 = tpu.matmul %convert_element_type3A_94, %get3A_193, %dot_general3A_194 {dimension_numbers = #tpu.dot_dimension_numbers<[1], [0], [0], [1], [0, 0, 1, 1], [], []>, transpose_lhs_hint = false} : vector<256x256xf32>, vector<256x8xf32>, vector<256x8xf32> -> vector<256x8xf32>
      %reduce_sum3A_196 = arith.constant dense<0.000000e+00> : vector<8xf32>
      %reduce_sum3A_197 = vector.multi_reduction <add>, %get3A_193, %reduce_sum3A_196 [0] : vector<256x8xf32> to vector<8xf32>
      %broadcast_in_dim3A_198 = vector.shape_cast %reduce_sum3A_197 : vector<8xf32> to vector<1x8xf32>
      %get3A_199 = arith.constant 3328 : index
      %get3A_200 = arith.constant 0 : index
      %get3A_201 = vector.load %arg9[%get3A_199, %get3A_200] : memref<4096x8xf32, #tpu.memory_space<vmem>>, vector<256x8xf32>
      %dot_general3A_202 = arith.constant dense<0.000000e+00> : vector<256x8xf32>
      %dot_general3A_203 = tpu.matmul %convert_element_type3A_94, %get3A_201, %dot_general3A_202 {dimension_numbers = #tpu.dot_dimension_numbers<[1], [0], [0], [1], [0, 0, 1, 1], [], []>, transpose_lhs_hint = false} : vector<256x256xf32>, vector<256x8xf32>, vector<256x8xf32> -> vector<256x8xf32>
      %reduce_sum3A_204 = arith.constant dense<0.000000e+00> : vector<8xf32>
      %reduce_sum3A_205 = vector.multi_reduction <add>, %get3A_201, %reduce_sum3A_204 [0] : vector<256x8xf32> to vector<8xf32>
      %broadcast_in_dim3A_206 = vector.shape_cast %reduce_sum3A_205 : vector<8xf32> to vector<1x8xf32>
      %get3A_207 = arith.constant 3584 : index
      %get3A_208 = arith.constant 0 : index
      %get3A_209 = vector.load %arg9[%get3A_207, %get3A_208] : memref<4096x8xf32, #tpu.memory_space<vmem>>, vector<256x8xf32>
      %dot_general3A_210 = arith.constant dense<0.000000e+00> : vector<256x8xf32>
      %dot_general3A_211 = tpu.matmul %convert_element_type3A_94, %get3A_209, %dot_general3A_210 {dimension_numbers = #tpu.dot_dimension_numbers<[1], [0], [0], [1], [0, 0, 1, 1], [], []>, transpose_lhs_hint = false} : vector<256x256xf32>, vector<256x8xf32>, vector<256x8xf32> -> vector<256x8xf32>
      %reduce_sum3A_212 = arith.constant dense<0.000000e+00> : vector<8xf32>
      %reduce_sum3A_213 = vector.multi_reduction <add>, %get3A_209, %reduce_sum3A_212 [0] : vector<256x8xf32> to vector<8xf32>
      %broadcast_in_dim3A_214 = vector.shape_cast %reduce_sum3A_213 : vector<8xf32> to vector<1x8xf32>
      %get3A_215 = arith.constant 3840 : index
      %get3A_216 = arith.constant 0 : index
      %get3A_217 = vector.load %arg9[%get3A_215, %get3A_216] : memref<4096x8xf32, #tpu.memory_space<vmem>>, vector<256x8xf32>
      %dot_general3A_218 = arith.constant dense<0.000000e+00> : vector<256x8xf32>
      %dot_general3A_219 = tpu.matmul %convert_element_type3A_94, %get3A_217, %dot_general3A_218 {dimension_numbers = #tpu.dot_dimension_numbers<[1], [0], [0], [1], [0, 0, 1, 1], [], []>, transpose_lhs_hint = false} : vector<256x256xf32>, vector<256x8xf32>, vector<256x8xf32> -> vector<256x8xf32>
      %reduce_sum3A_220 = arith.constant dense<0.000000e+00> : vector<8xf32>
      %reduce_sum3A_221 = vector.multi_reduction <add>, %get3A_217, %reduce_sum3A_220 [0] : vector<256x8xf32> to vector<8xf32>
      %broadcast_in_dim3A_222 = vector.shape_cast %reduce_sum3A_221 : vector<8xf32> to vector<1x8xf32>
      %concatenate3A_223 = tpu.concatenate %broadcast_in_dim3A_102, %broadcast_in_dim3A_110, %broadcast_in_dim3A_118, %broadcast_in_dim3A_126, %broadcast_in_dim3A_134, %broadcast_in_dim3A_142, %broadcast_in_dim3A_150, %broadcast_in_dim3A_158, %broadcast_in_dim3A_166, %broadcast_in_dim3A_174, %broadcast_in_dim3A_182, %broadcast_in_dim3A_190, %broadcast_in_dim3A_198, %broadcast_in_dim3A_206, %broadcast_in_dim3A_214, %broadcast_in_dim3A_222 in 0 : vector<1x8xf32>, vector<1x8xf32>, vector<1x8xf32>, vector<1x8xf32>, vector<1x8xf32>, vector<1x8xf32>, vector<1x8xf32>, vector<1x8xf32>, vector<1x8xf32>, vector<1x8xf32>, vector<1x8xf32>, vector<1x8xf32>, vector<1x8xf32>, vector<1x8xf32>, vector<1x8xf32>, vector<1x8xf32> -> vector<16x8xf32>
      %iota3A_224 = tpu.iota {dimensions = array<i32: 0>} : vector<16x16xi32>
      %iota3A_225 = tpu.iota {dimensions = array<i32: 1>} : vector<16x16xi32>
      %lt3A_226 = arith.cmpi slt, %iota3A_224, %iota3A_225 : vector<16x16xi32>
      %convert_element_type3A_227 = arith.extui %lt3A_226 : vector<16x16xi1> to vector<16x16xi32>
      %convert_element_type3A_228 = arith.sitofp %convert_element_type3A_227 : vector<16x16xi32> to vector<16x16xf32>
      %dot_general3A_229 = arith.constant dense<0.000000e+00> : vector<16x8xf32>
      %dot_general3A_230 = tpu.matmul %convert_element_type3A_228, %concatenate3A_223, %dot_general3A_229 {dimension_numbers = #tpu.dot_dimension_numbers<[0], [0], [1], [1], [0, 1, 1, 1], [], []>, transpose_lhs_hint = false} : vector<16x16xf32>, vector<16x8xf32>, vector<16x8xf32> -> vector<16x8xf32>
      %reduce_sum3A_231 = arith.constant dense<0.000000e+00> : vector<8xf32>
      %reduce_sum3A_232 = vector.multi_reduction <add>, %concatenate3A_223, %reduce_sum3A_231 [0] : vector<16x8xf32> to vector<8xf32>
      %broadcast_in_dim3A_233 = vector.shape_cast %reduce_sum3A_232 : vector<8xf32> to vector<1x8xf32>
      %convert_element_type3A_234 = arith.fptosi %broadcast_in_dim3A_233 : vector<1x8xf32> to vector<1x8xi32>
      %add3A_235 = arith.constant 255 : i32
      %add3A_236 = vector.broadcast %add3A_235 : i32 to vector<1x8xi32>
      %add3A_237 = arith.addi %convert_element_type3A_234, %add3A_236 : vector<1x8xi32>
      %jit3A_238 = arith.constant 256 : i32
      %div3A_239 = vector.broadcast %jit3A_238 : i32 to vector<1x8xi32>
      %div3A_240 = arith.divsi %add3A_237, %div3A_239 : vector<1x8xi32>
      %sign3A = arith.constant 0 : i32
      %sign3A_241 = vector.broadcast %sign3A : i32 to vector<1x8xi32>
      %sign3A_242 = arith.cmpi sgt, %add3A_237, %sign3A_241 : vector<1x8xi32>
      %sign3A_243 = arith.extui %sign3A_242 : vector<1x8xi1> to vector<1x8xi32>
      %sign3A_244 = arith.constant 0 : i32
      %sign3A_245 = vector.broadcast %sign3A_244 : i32 to vector<1x8xi32>
      %sign3A_246 = arith.cmpi slt, %add3A_237, %sign3A_245 : vector<1x8xi32>
      %sign3A_247 = arith.extui %sign3A_246 : vector<1x8xi1> to vector<1x8xi32>
      %sign3A_248 = arith.subi %sign3A_243, %sign3A_247 : vector<1x8xi32>
      %sign3A_249 = arith.constant 0 : i32
      %sign3A_250 = arith.cmpi sgt, %jit3A_238, %sign3A_249 : i32
      %sign3A_251 = arith.extui %sign3A_250 : i1 to i32
      %sign3A_252 = arith.constant 0 : i32
      %sign3A_253 = arith.cmpi slt, %jit3A_238, %sign3A_252 : i32
      %sign3A_254 = arith.extui %sign3A_253 : i1 to i32
      %sign3A_255 = arith.subi %sign3A_251, %sign3A_254 : i32
      %ne3A = vector.broadcast %sign3A_255 : i32 to vector<1x8xi32>
      %ne3A_256 = arith.cmpi ne, %sign3A_248, %ne3A : vector<1x8xi32>
      %rem3A = vector.broadcast %jit3A_238 : i32 to vector<1x8xi32>
      %rem3A_257 = arith.remsi %add3A_237, %rem3A : vector<1x8xi32>
      %ne3A_258 = arith.constant 0 : i32
      %ne3A_259 = vector.broadcast %ne3A_258 : i32 to vector<1x8xi32>
      %ne3A_260 = arith.cmpi ne, %rem3A_257, %ne3A_259 : vector<1x8xi32>
      %and3A = arith.andi %ne3A_256, %ne3A_260 : vector<1x8xi1>
      %sub3A_261 = arith.constant 1 : i32
      %sub3A_262 = vector.broadcast %sub3A_261 : i32 to vector<1x8xi32>
      %sub3A_263 = arith.subi %div3A_240, %sub3A_262 : vector<1x8xi32>
      %select_n3A_264 = arith.select %and3A, %sub3A_263, %div3A_240 : vector<1x8xi1>, vector<1x8xi32>
      %mul3A_265 = arith.constant 256 : i32
      %mul3A_266 = vector.broadcast %mul3A_265 : i32 to vector<1x8xi32>
      %mul3A_267 = arith.muli %select_n3A_264, %mul3A_266 : vector<1x8xi32>
      %convert_element_type3A_268 = arith.sitofp %mul3A_267 : vector<1x8xi32> to vector<1x8xf32>
      %iota3A_269 = tpu.iota {dimensions = array<i32: 0>} : vector<8x8xi32>
      %iota3A_270 = tpu.iota {dimensions = array<i32: 1>} : vector<8x8xi32>
      %lt3A_271 = arith.cmpi slt, %iota3A_269, %iota3A_270 : vector<8x8xi32>
      %convert_element_type3A_272 = arith.extui %lt3A_271 : vector<8x8xi1> to vector<8x8xi32>
      %convert_element_type3A_273 = arith.sitofp %convert_element_type3A_272 : vector<8x8xi32> to vector<8x8xf32>
      %dot_general3A_274 = arith.constant dense<0.000000e+00> : vector<1x8xf32>
      %dot_general3A_275 = tpu.matmul %convert_element_type3A_268, %convert_element_type3A_273, %dot_general3A_274 {dimension_numbers = #tpu.dot_dimension_numbers<[1], [0], [0], [1], [0, 0, 1, 1], [], []>, transpose_lhs_hint = false} : vector<1x8xf32>, vector<8x8xf32>, vector<1x8xf32> -> vector<1x8xf32>
      %get3A_276 = arith.constant 0 : index
      %get3A_277 = arith.constant 0 : index
      %get3A_278 = vector.load %arg9[%get3A_276, %get3A_277] : memref<4096x8xf32, #tpu.memory_space<vmem>>, vector<256x8xf32>
      %slice3A_279 = vector.extract_strided_slice %dot_general3A_230 {offsets = [0, 0], sizes = [1, 8], strides = [1, 1]} : vector<16x8xf32> to vector<1x8xf32>
      %add3A_280 = vector.broadcast %slice3A_279 : vector<1x8xf32> to vector<256x8xf32>
      %add3A_281 = arith.addf %dot_general3A_99, %add3A_280 : vector<256x8xf32>
      %add3A_282 = vector.broadcast %dot_general3A_275 : vector<1x8xf32> to vector<256x8xf32>
      %add3A_283 = arith.addf %add3A_281, %add3A_282 : vector<256x8xf32>
      %mul3A_284 = arith.mulf %add3A_283, %get3A_278 : vector<256x8xf32>
      %reduce_sum3A_285 = arith.constant dense<0.000000e+00> : vector<256xf32>
      %reduce_sum3A_286 = vector.multi_reduction <add>, %mul3A_284, %reduce_sum3A_285 [1] : vector<256x8xf32> to vector<256xf32>
      %broadcast_in_dim3A_287 = vector.shape_cast %reduce_sum3A_286 : vector<256xf32> to vector<256x1xf32>
      %get3A_288 = arith.constant 256 : index
      %get3A_289 = arith.constant 0 : index
      %get3A_290 = vector.load %arg9[%get3A_288, %get3A_289] : memref<4096x8xf32, #tpu.memory_space<vmem>>, vector<256x8xf32>
      %slice3A_291 = vector.extract_strided_slice %dot_general3A_230 {offsets = [1, 0], sizes = [1, 8], strides = [1, 1]} : vector<16x8xf32> to vector<1x8xf32>
      %add3A_292 = vector.broadcast %slice3A_291 : vector<1x8xf32> to vector<256x8xf32>
      %add3A_293 = arith.addf %dot_general3A_107, %add3A_292 : vector<256x8xf32>
      %add3A_294 = vector.broadcast %dot_general3A_275 : vector<1x8xf32> to vector<256x8xf32>
      %add3A_295 = arith.addf %add3A_293, %add3A_294 : vector<256x8xf32>
      %mul3A_296 = arith.mulf %add3A_295, %get3A_290 : vector<256x8xf32>
      %reduce_sum3A_297 = arith.constant dense<0.000000e+00> : vector<256xf32>
      %reduce_sum3A_298 = vector.multi_reduction <add>, %mul3A_296, %reduce_sum3A_297 [1] : vector<256x8xf32> to vector<256xf32>
      %broadcast_in_dim3A_299 = vector.shape_cast %reduce_sum3A_298 : vector<256xf32> to vector<256x1xf32>
      %get3A_300 = arith.constant 512 : index
      %get3A_301 = arith.constant 0 : index
      %get3A_302 = vector.load %arg9[%get3A_300, %get3A_301] : memref<4096x8xf32, #tpu.memory_space<vmem>>, vector<256x8xf32>
      %slice3A_303 = vector.extract_strided_slice %dot_general3A_230 {offsets = [2, 0], sizes = [1, 8], strides = [1, 1]} : vector<16x8xf32> to vector<1x8xf32>
      %add3A_304 = vector.broadcast %slice3A_303 : vector<1x8xf32> to vector<256x8xf32>
      %add3A_305 = arith.addf %dot_general3A_115, %add3A_304 : vector<256x8xf32>
      %add3A_306 = vector.broadcast %dot_general3A_275 : vector<1x8xf32> to vector<256x8xf32>
      %add3A_307 = arith.addf %add3A_305, %add3A_306 : vector<256x8xf32>
      %mul3A_308 = arith.mulf %add3A_307, %get3A_302 : vector<256x8xf32>
      %reduce_sum3A_309 = arith.constant dense<0.000000e+00> : vector<256xf32>
      %reduce_sum3A_310 = vector.multi_reduction <add>, %mul3A_308, %reduce_sum3A_309 [1] : vector<256x8xf32> to vector<256xf32>
      %broadcast_in_dim3A_311 = vector.shape_cast %reduce_sum3A_310 : vector<256xf32> to vector<256x1xf32>
      %get3A_312 = arith.constant 768 : index
      %get3A_313 = arith.constant 0 : index
      %get3A_314 = vector.load %arg9[%get3A_312, %get3A_313] : memref<4096x8xf32, #tpu.memory_space<vmem>>, vector<256x8xf32>
      %slice3A_315 = vector.extract_strided_slice %dot_general3A_230 {offsets = [3, 0], sizes = [1, 8], strides = [1, 1]} : vector<16x8xf32> to vector<1x8xf32>
      %add3A_316 = vector.broadcast %slice3A_315 : vector<1x8xf32> to vector<256x8xf32>
      %add3A_317 = arith.addf %dot_general3A_123, %add3A_316 : vector<256x8xf32>
      %add3A_318 = vector.broadcast %dot_general3A_275 : vector<1x8xf32> to vector<256x8xf32>
      %add3A_319 = arith.addf %add3A_317, %add3A_318 : vector<256x8xf32>
      %mul3A_320 = arith.mulf %add3A_319, %get3A_314 : vector<256x8xf32>
      %reduce_sum3A_321 = arith.constant dense<0.000000e+00> : vector<256xf32>
      %reduce_sum3A_322 = vector.multi_reduction <add>, %mul3A_320, %reduce_sum3A_321 [1] : vector<256x8xf32> to vector<256xf32>
      %broadcast_in_dim3A_323 = vector.shape_cast %reduce_sum3A_322 : vector<256xf32> to vector<256x1xf32>
      %get3A_324 = arith.constant 1024 : index
      %get3A_325 = arith.constant 0 : index
      %get3A_326 = vector.load %arg9[%get3A_324, %get3A_325] : memref<4096x8xf32, #tpu.memory_space<vmem>>, vector<256x8xf32>
      %slice3A_327 = vector.extract_strided_slice %dot_general3A_230 {offsets = [4, 0], sizes = [1, 8], strides = [1, 1]} : vector<16x8xf32> to vector<1x8xf32>
      %add3A_328 = vector.broadcast %slice3A_327 : vector<1x8xf32> to vector<256x8xf32>
      %add3A_329 = arith.addf %dot_general3A_131, %add3A_328 : vector<256x8xf32>
      %add3A_330 = vector.broadcast %dot_general3A_275 : vector<1x8xf32> to vector<256x8xf32>
      %add3A_331 = arith.addf %add3A_329, %add3A_330 : vector<256x8xf32>
      %mul3A_332 = arith.mulf %add3A_331, %get3A_326 : vector<256x8xf32>
      %reduce_sum3A_333 = arith.constant dense<0.000000e+00> : vector<256xf32>
      %reduce_sum3A_334 = vector.multi_reduction <add>, %mul3A_332, %reduce_sum3A_333 [1] : vector<256x8xf32> to vector<256xf32>
      %broadcast_in_dim3A_335 = vector.shape_cast %reduce_sum3A_334 : vector<256xf32> to vector<256x1xf32>
      %get3A_336 = arith.constant 1280 : index
      %get3A_337 = arith.constant 0 : index
      %get3A_338 = vector.load %arg9[%get3A_336, %get3A_337] : memref<4096x8xf32, #tpu.memory_space<vmem>>, vector<256x8xf32>
      %slice3A_339 = vector.extract_strided_slice %dot_general3A_230 {offsets = [5, 0], sizes = [1, 8], strides = [1, 1]} : vector<16x8xf32> to vector<1x8xf32>
      %add3A_340 = vector.broadcast %slice3A_339 : vector<1x8xf32> to vector<256x8xf32>
      %add3A_341 = arith.addf %dot_general3A_139, %add3A_340 : vector<256x8xf32>
      %add3A_342 = vector.broadcast %dot_general3A_275 : vector<1x8xf32> to vector<256x8xf32>
      %add3A_343 = arith.addf %add3A_341, %add3A_342 : vector<256x8xf32>
      %mul3A_344 = arith.mulf %add3A_343, %get3A_338 : vector<256x8xf32>
      %reduce_sum3A_345 = arith.constant dense<0.000000e+00> : vector<256xf32>
      %reduce_sum3A_346 = vector.multi_reduction <add>, %mul3A_344, %reduce_sum3A_345 [1] : vector<256x8xf32> to vector<256xf32>
      %broadcast_in_dim3A_347 = vector.shape_cast %reduce_sum3A_346 : vector<256xf32> to vector<256x1xf32>
      %get3A_348 = arith.constant 1536 : index
      %get3A_349 = arith.constant 0 : index
      %get3A_350 = vector.load %arg9[%get3A_348, %get3A_349] : memref<4096x8xf32, #tpu.memory_space<vmem>>, vector<256x8xf32>
      %slice3A_351 = vector.extract_strided_slice %dot_general3A_230 {offsets = [6, 0], sizes = [1, 8], strides = [1, 1]} : vector<16x8xf32> to vector<1x8xf32>
      %add3A_352 = vector.broadcast %slice3A_351 : vector<1x8xf32> to vector<256x8xf32>
      %add3A_353 = arith.addf %dot_general3A_147, %add3A_352 : vector<256x8xf32>
      %add3A_354 = vector.broadcast %dot_general3A_275 : vector<1x8xf32> to vector<256x8xf32>
      %add3A_355 = arith.addf %add3A_353, %add3A_354 : vector<256x8xf32>
      %mul3A_356 = arith.mulf %add3A_355, %get3A_350 : vector<256x8xf32>
      %reduce_sum3A_357 = arith.constant dense<0.000000e+00> : vector<256xf32>
      %reduce_sum3A_358 = vector.multi_reduction <add>, %mul3A_356, %reduce_sum3A_357 [1] : vector<256x8xf32> to vector<256xf32>
      %broadcast_in_dim3A_359 = vector.shape_cast %reduce_sum3A_358 : vector<256xf32> to vector<256x1xf32>
      %get3A_360 = arith.constant 1792 : index
      %get3A_361 = arith.constant 0 : index
      %get3A_362 = vector.load %arg9[%get3A_360, %get3A_361] : memref<4096x8xf32, #tpu.memory_space<vmem>>, vector<256x8xf32>
      %slice3A_363 = vector.extract_strided_slice %dot_general3A_230 {offsets = [7, 0], sizes = [1, 8], strides = [1, 1]} : vector<16x8xf32> to vector<1x8xf32>
      %add3A_364 = vector.broadcast %slice3A_363 : vector<1x8xf32> to vector<256x8xf32>
      %add3A_365 = arith.addf %dot_general3A_155, %add3A_364 : vector<256x8xf32>
      %add3A_366 = vector.broadcast %dot_general3A_275 : vector<1x8xf32> to vector<256x8xf32>
      %add3A_367 = arith.addf %add3A_365, %add3A_366 : vector<256x8xf32>
      %mul3A_368 = arith.mulf %add3A_367, %get3A_362 : vector<256x8xf32>
      %reduce_sum3A_369 = arith.constant dense<0.000000e+00> : vector<256xf32>
      %reduce_sum3A_370 = vector.multi_reduction <add>, %mul3A_368, %reduce_sum3A_369 [1] : vector<256x8xf32> to vector<256xf32>
      %broadcast_in_dim3A_371 = vector.shape_cast %reduce_sum3A_370 : vector<256xf32> to vector<256x1xf32>
      %get3A_372 = arith.constant 2048 : index
      %get3A_373 = arith.constant 0 : index
      %get3A_374 = vector.load %arg9[%get3A_372, %get3A_373] : memref<4096x8xf32, #tpu.memory_space<vmem>>, vector<256x8xf32>
      %slice3A_375 = vector.extract_strided_slice %dot_general3A_230 {offsets = [8, 0], sizes = [1, 8], strides = [1, 1]} : vector<16x8xf32> to vector<1x8xf32>
      %add3A_376 = vector.broadcast %slice3A_375 : vector<1x8xf32> to vector<256x8xf32>
      %add3A_377 = arith.addf %dot_general3A_163, %add3A_376 : vector<256x8xf32>
      %add3A_378 = vector.broadcast %dot_general3A_275 : vector<1x8xf32> to vector<256x8xf32>
      %add3A_379 = arith.addf %add3A_377, %add3A_378 : vector<256x8xf32>
      %mul3A_380 = arith.mulf %add3A_379, %get3A_374 : vector<256x8xf32>
      %reduce_sum3A_381 = arith.constant dense<0.000000e+00> : vector<256xf32>
      %reduce_sum3A_382 = vector.multi_reduction <add>, %mul3A_380, %reduce_sum3A_381 [1] : vector<256x8xf32> to vector<256xf32>
      %broadcast_in_dim3A_383 = vector.shape_cast %reduce_sum3A_382 : vector<256xf32> to vector<256x1xf32>
      %get3A_384 = arith.constant 2304 : index
      %get3A_385 = arith.constant 0 : index
      %get3A_386 = vector.load %arg9[%get3A_384, %get3A_385] : memref<4096x8xf32, #tpu.memory_space<vmem>>, vector<256x8xf32>
      %slice3A_387 = vector.extract_strided_slice %dot_general3A_230 {offsets = [9, 0], sizes = [1, 8], strides = [1, 1]} : vector<16x8xf32> to vector<1x8xf32>
      %add3A_388 = vector.broadcast %slice3A_387 : vector<1x8xf32> to vector<256x8xf32>
      %add3A_389 = arith.addf %dot_general3A_171, %add3A_388 : vector<256x8xf32>
      %add3A_390 = vector.broadcast %dot_general3A_275 : vector<1x8xf32> to vector<256x8xf32>
      %add3A_391 = arith.addf %add3A_389, %add3A_390 : vector<256x8xf32>
      %mul3A_392 = arith.mulf %add3A_391, %get3A_386 : vector<256x8xf32>
      %reduce_sum3A_393 = arith.constant dense<0.000000e+00> : vector<256xf32>
      %reduce_sum3A_394 = vector.multi_reduction <add>, %mul3A_392, %reduce_sum3A_393 [1] : vector<256x8xf32> to vector<256xf32>
      %broadcast_in_dim3A_395 = vector.shape_cast %reduce_sum3A_394 : vector<256xf32> to vector<256x1xf32>
      %get3A_396 = arith.constant 2560 : index
      %get3A_397 = arith.constant 0 : index
      %get3A_398 = vector.load %arg9[%get3A_396, %get3A_397] : memref<4096x8xf32, #tpu.memory_space<vmem>>, vector<256x8xf32>
      %slice3A_399 = vector.extract_strided_slice %dot_general3A_230 {offsets = [10, 0], sizes = [1, 8], strides = [1, 1]} : vector<16x8xf32> to vector<1x8xf32>
      %add3A_400 = vector.broadcast %slice3A_399 : vector<1x8xf32> to vector<256x8xf32>
      %add3A_401 = arith.addf %dot_general3A_179, %add3A_400 : vector<256x8xf32>
      %add3A_402 = vector.broadcast %dot_general3A_275 : vector<1x8xf32> to vector<256x8xf32>
      %add3A_403 = arith.addf %add3A_401, %add3A_402 : vector<256x8xf32>
      %mul3A_404 = arith.mulf %add3A_403, %get3A_398 : vector<256x8xf32>
      %reduce_sum3A_405 = arith.constant dense<0.000000e+00> : vector<256xf32>
      %reduce_sum3A_406 = vector.multi_reduction <add>, %mul3A_404, %reduce_sum3A_405 [1] : vector<256x8xf32> to vector<256xf32>
      %broadcast_in_dim3A_407 = vector.shape_cast %reduce_sum3A_406 : vector<256xf32> to vector<256x1xf32>
      %get3A_408 = arith.constant 2816 : index
      %get3A_409 = arith.constant 0 : index
      %get3A_410 = vector.load %arg9[%get3A_408, %get3A_409] : memref<4096x8xf32, #tpu.memory_space<vmem>>, vector<256x8xf32>
      %slice3A_411 = vector.extract_strided_slice %dot_general3A_230 {offsets = [11, 0], sizes = [1, 8], strides = [1, 1]} : vector<16x8xf32> to vector<1x8xf32>
      %add3A_412 = vector.broadcast %slice3A_411 : vector<1x8xf32> to vector<256x8xf32>
      %add3A_413 = arith.addf %dot_general3A_187, %add3A_412 : vector<256x8xf32>
      %add3A_414 = vector.broadcast %dot_general3A_275 : vector<1x8xf32> to vector<256x8xf32>
      %add3A_415 = arith.addf %add3A_413, %add3A_414 : vector<256x8xf32>
      %mul3A_416 = arith.mulf %add3A_415, %get3A_410 : vector<256x8xf32>
      %reduce_sum3A_417 = arith.constant dense<0.000000e+00> : vector<256xf32>
      %reduce_sum3A_418 = vector.multi_reduction <add>, %mul3A_416, %reduce_sum3A_417 [1] : vector<256x8xf32> to vector<256xf32>
      %broadcast_in_dim3A_419 = vector.shape_cast %reduce_sum3A_418 : vector<256xf32> to vector<256x1xf32>
      %get3A_420 = arith.constant 3072 : index
      %get3A_421 = arith.constant 0 : index
      %get3A_422 = vector.load %arg9[%get3A_420, %get3A_421] : memref<4096x8xf32, #tpu.memory_space<vmem>>, vector<256x8xf32>
      %slice3A_423 = vector.extract_strided_slice %dot_general3A_230 {offsets = [12, 0], sizes = [1, 8], strides = [1, 1]} : vector<16x8xf32> to vector<1x8xf32>
      %add3A_424 = vector.broadcast %slice3A_423 : vector<1x8xf32> to vector<256x8xf32>
      %add3A_425 = arith.addf %dot_general3A_195, %add3A_424 : vector<256x8xf32>
      %add3A_426 = vector.broadcast %dot_general3A_275 : vector<1x8xf32> to vector<256x8xf32>
      %add3A_427 = arith.addf %add3A_425, %add3A_426 : vector<256x8xf32>
      %mul3A_428 = arith.mulf %add3A_427, %get3A_422 : vector<256x8xf32>
      %reduce_sum3A_429 = arith.constant dense<0.000000e+00> : vector<256xf32>
      %reduce_sum3A_430 = vector.multi_reduction <add>, %mul3A_428, %reduce_sum3A_429 [1] : vector<256x8xf32> to vector<256xf32>
      %broadcast_in_dim3A_431 = vector.shape_cast %reduce_sum3A_430 : vector<256xf32> to vector<256x1xf32>
      %get3A_432 = arith.constant 3328 : index
      %get3A_433 = arith.constant 0 : index
      %get3A_434 = vector.load %arg9[%get3A_432, %get3A_433] : memref<4096x8xf32, #tpu.memory_space<vmem>>, vector<256x8xf32>
      %slice3A_435 = vector.extract_strided_slice %dot_general3A_230 {offsets = [13, 0], sizes = [1, 8], strides = [1, 1]} : vector<16x8xf32> to vector<1x8xf32>
      %add3A_436 = vector.broadcast %slice3A_435 : vector<1x8xf32> to vector<256x8xf32>
      %add3A_437 = arith.addf %dot_general3A_203, %add3A_436 : vector<256x8xf32>
      %add3A_438 = vector.broadcast %dot_general3A_275 : vector<1x8xf32> to vector<256x8xf32>
      %add3A_439 = arith.addf %add3A_437, %add3A_438 : vector<256x8xf32>
      %mul3A_440 = arith.mulf %add3A_439, %get3A_434 : vector<256x8xf32>
      %reduce_sum3A_441 = arith.constant dense<0.000000e+00> : vector<256xf32>
      %reduce_sum3A_442 = vector.multi_reduction <add>, %mul3A_440, %reduce_sum3A_441 [1] : vector<256x8xf32> to vector<256xf32>
      %broadcast_in_dim3A_443 = vector.shape_cast %reduce_sum3A_442 : vector<256xf32> to vector<256x1xf32>
      %get3A_444 = arith.constant 3584 : index
      %get3A_445 = arith.constant 0 : index
      %get3A_446 = vector.load %arg9[%get3A_444, %get3A_445] : memref<4096x8xf32, #tpu.memory_space<vmem>>, vector<256x8xf32>
      %slice3A_447 = vector.extract_strided_slice %dot_general3A_230 {offsets = [14, 0], sizes = [1, 8], strides = [1, 1]} : vector<16x8xf32> to vector<1x8xf32>
      %add3A_448 = vector.broadcast %slice3A_447 : vector<1x8xf32> to vector<256x8xf32>
      %add3A_449 = arith.addf %dot_general3A_211, %add3A_448 : vector<256x8xf32>
      %add3A_450 = vector.broadcast %dot_general3A_275 : vector<1x8xf32> to vector<256x8xf32>
      %add3A_451 = arith.addf %add3A_449, %add3A_450 : vector<256x8xf32>
      %mul3A_452 = arith.mulf %add3A_451, %get3A_446 : vector<256x8xf32>
      %reduce_sum3A_453 = arith.constant dense<0.000000e+00> : vector<256xf32>
      %reduce_sum3A_454 = vector.multi_reduction <add>, %mul3A_452, %reduce_sum3A_453 [1] : vector<256x8xf32> to vector<256xf32>
      %broadcast_in_dim3A_455 = vector.shape_cast %reduce_sum3A_454 : vector<256xf32> to vector<256x1xf32>
      %get3A_456 = arith.constant 3840 : index
      %get3A_457 = arith.constant 0 : index
      %get3A_458 = vector.load %arg9[%get3A_456, %get3A_457] : memref<4096x8xf32, #tpu.memory_space<vmem>>, vector<256x8xf32>
      %slice3A_459 = vector.extract_strided_slice %dot_general3A_230 {offsets = [15, 0], sizes = [1, 8], strides = [1, 1]} : vector<16x8xf32> to vector<1x8xf32>
      %add3A_460 = vector.broadcast %slice3A_459 : vector<1x8xf32> to vector<256x8xf32>
      %add3A_461 = arith.addf %dot_general3A_219, %add3A_460 : vector<256x8xf32>
      %add3A_462 = vector.broadcast %dot_general3A_275 : vector<1x8xf32> to vector<256x8xf32>
      %add3A_463 = arith.addf %add3A_461, %add3A_462 : vector<256x8xf32>
      %mul3A_464 = arith.mulf %add3A_463, %get3A_458 : vector<256x8xf32>
      %reduce_sum3A_465 = arith.constant dense<0.000000e+00> : vector<256xf32>
      %reduce_sum3A_466 = vector.multi_reduction <add>, %mul3A_464, %reduce_sum3A_465 [1] : vector<256x8xf32> to vector<256xf32>
      %broadcast_in_dim3A_467 = vector.shape_cast %reduce_sum3A_466 : vector<256xf32> to vector<256x1xf32>
      %concatenate3A_468 = tpu.concatenate %broadcast_in_dim3A_287, %broadcast_in_dim3A_299, %broadcast_in_dim3A_311, %broadcast_in_dim3A_323, %broadcast_in_dim3A_335, %broadcast_in_dim3A_347, %broadcast_in_dim3A_359, %broadcast_in_dim3A_371, %broadcast_in_dim3A_383, %broadcast_in_dim3A_395, %broadcast_in_dim3A_407, %broadcast_in_dim3A_419, %broadcast_in_dim3A_431, %broadcast_in_dim3A_443, %broadcast_in_dim3A_455, %broadcast_in_dim3A_467 in 0 : vector<256x1xf32>, vector<256x1xf32>, vector<256x1xf32>, vector<256x1xf32>, vector<256x1xf32>, vector<256x1xf32>, vector<256x1xf32>, vector<256x1xf32>, vector<256x1xf32>, vector<256x1xf32>, vector<256x1xf32>, vector<256x1xf32>, vector<256x1xf32>, vector<256x1xf32>, vector<256x1xf32>, vector<256x1xf32> -> vector<4096x1xf32>
      %convert_element_type3A_469 = arith.fptosi %concatenate3A_468 : vector<4096x1xf32> to vector<4096x1xi32>
      %swap3A_470 = arith.constant 0 : index
      %swap3A_471 = arith.constant 0 : index
      %swap3A_472 = vector.load %arg7[%swap3A_470, %swap3A_471] : memref<4096x1xi32, #tpu.memory_space<vmem>>, vector<4096x1xi32>
      tpu.vector_store %arg7[%swap3A_470, %swap3A_471], %convert_element_type3A_469 {strides = array<i32>} : memref<4096x1xi32, #tpu.memory_space<vmem>>, vector<4096x1xi32>,
      %mul3A_473 = arith.constant 3.906250e-03 : f32
      %mul3A_474 = vector.broadcast %mul3A_473 : f32 to vector<1x8xf32>
      %mul3A_475 = arith.mulf %dot_general3A_275, %mul3A_474 : vector<1x8xf32>
      %transpose3A_476 = tpu.transpose %mul3A_475, [1, 0] : vector<1x8xf32> -> vector<8x1xf32>
      %iota3A_477 = tpu.iota {dimensions = array<i32: 1>} : vector<8x24xi32>
      %convert_element_type3A_478 = arith.sitofp %iota3A_477 : vector<8x24xi32> to vector<8x24xf32>
      %ge3A = vector.broadcast %transpose3A_476 : vector<8x1xf32> to vector<8x24xf32>
      %ge3A_479 = arith.cmpf oge, %convert_element_type3A_478, %ge3A : vector<8x24xf32>
      %convert_element_type3A_480 = arith.extui %ge3A_479 : vector<8x24xi1> to vector<8x24xi32>
      %reduce_sum3A_481 = arith.constant dense<0> : vector<24xi32>
      %reduce_sum3A_482 = vector.multi_reduction <add>, %convert_element_type3A_480, %reduce_sum3A_481 [0] : vector<8x24xi32> to vector<24xi32>
      %broadcast_in_dim3A_483 = vector.shape_cast %reduce_sum3A_482 : vector<24xi32> to vector<1x24xi32>
      %sub3A_484 = arith.constant 1 : i32
      %sub3A_485 = vector.broadcast %sub3A_484 : i32 to vector<1x24xi32>
      %sub3A_486 = arith.subi %broadcast_in_dim3A_483, %sub3A_485 : vector<1x24xi32>
      %swap3A_487 = arith.constant 0 : index
      %swap3A_488 = arith.constant 0 : index
      %swap3A_489 = vector.load %arg8[%swap3A_487, %swap3A_488] : memref<1x24xi32, #tpu.memory_space<vmem>>, vector<1x24xi32>
      tpu.vector_store %arg8[%swap3A_487, %swap3A_488], %sub3A_486 {strides = array<i32>} : memref<1x24xi32, #tpu.memory_space<vmem>>, vector<1x24xi32>,
    } else {
    }
    return
  }
  func.func @transform_0(%arg0: i32) -> (i32, i32) {
    %c0_i32 = arith.constant 0 : i32
    %c0_i32_0 = arith.constant 0 : i32
    return %arg0, %c0_i32 : i32, i32
  }
  func.func @transform_1(%arg0: i32) -> (i32, i32) {
    %c0_i32 = arith.constant 0 : i32
    %c0_i32_0 = arith.constant 0 : i32
    %c0_i32_1 = arith.constant 0 : i32
    return %c0_i32, %c0_i32_0 : i32, i32
  }
  func.func @transform_2(%arg0: i32) -> (i32, i32) {
    %c0_i32 = arith.constant 0 : i32
    %c0_i32_0 = arith.constant 0 : i32
    %c0_i32_1 = arith.constant 0 : i32
    return %c0_i32, %c0_i32_0 : i32, i32
  }
  func.func @transform_3(%arg0: i32) -> (i32, i32) {
    %c0_i32 = arith.constant 0 : i32
    %c0_i32_0 = arith.constant 0 : i32
    %c0_i32_1 = arith.constant 0 : i32
    return %c0_i32, %c0_i32_0 : i32, i32
  }
  func.func @transform_4(%arg0: i32) -> (i32, i32) {
    %c0_i32 = arith.constant 0 : i32
    %c0_i32_0 = arith.constant 0 : i32
    return %arg0, %c0_i32 : i32, i32
  }
  func.func @transform_5(%arg0: i32) -> (i32, i32) {
    %c0_i32 = arith.constant 0 : i32
    %c0_i32_0 = arith.constant 0 : i32
    return %arg0, %c0_i32 : i32, i32
  }
  func.func @transform_6(%arg0: i32) -> (i32, i32) {
    %c0_i32 = arith.constant 0 : i32
    %c0_i32_0 = arith.constant 0 : i32
    %c0_i32_1 = arith.constant 0 : i32
    return %c0_i32, %c0_i32_0 : i32, i32
  }
  func.func @transform_7(%arg0: i32) -> (i32, i32) {
    %c0_i32 = arith.constant 0 : i32
    %c0_i32_0 = arith.constant 0 : i32
    %c0_i32_1 = arith.constant 0 : i32
    return %c0_i32, %c0_i32_0 : i32, i32
  }
}

</mosaic_0001>

<sc_bundles>
// kernel: kernel.6.cloned.1.call-start
scs
__scs_entry_jumppad:
0x0: {  	(pc) =	sbr.rel $0x88, $3  }
0x1: {  	(tag) =	ssettag $0x0;
	lr =	simm.s32 $0x1  }
0x2: {  	[smem:$0x3F9B] =	sst lr;
	_ =	strace $0xD0000000  }
0x3: {  	_ = 	snop  }
0x4: {  	_ = 	snop  }
0x5: {  	_ = 	snop  }
0x6: {  	_ = 	snop  }
0x7: {  	_ = 	snop  }
__scs_overlays_trampoline_lowered:
0x8: {  	[smem:$0x3FAA] =	sst s0  }
0x9: {  	[smem:$0x3FAB] =	sst s1  }
0xa: {  	[smem:$0x3FAC] =	sst s2  }
0xb: {  	[smem:$0x3FAD] =	sst s3  }
0xc: {  	[smem:$0x3FAE] =	sst s4  }
0xd: {  	[smem:$0x3FAF] =	sst s5  }
0xe: {  	[smem:$0x3FB0] =	sst s6  }
0xf: {  	[smem:$0x3FB1] =	sst s7  }
0x10: {  	[smem:$0x3FB2] =	sst s8  }
0x11: {  	[smem:$0x3FB3] =	sst s9;
	s0 =	simm.s32 @!p0 $0x0  }
0x12: {  	s1 =	sld [smem:$0x3F99];
	s0 =	simm.s32 @p0 $0x1  }
0x13: {  	[smem:$0x3FB4] =	sst s0;
	s0 =	simm.s32 @!p1 $0x0  }
0x14: {  	s2 =	sld [smem:$0x3F98];
	s0 =	simm.s32 @p1 $0x1  }
0x15: {  	[smem:$0x3FB5] =	sst s0;
	s0 =	simm.s32 @!p2 $0x0  }
0x16: {  	s3 =	sld [smem:$0x3FDB];
	s0 =	simm.s32 @p2 $0x1  }
0x17: {  	s4 =	simm.s32 $0x1BF5;
	[smem:$0x3FB7] =	sst s0  }
0x18: {  	s0 =	sld [smem:$0x3F9A];
	_ =	swait.ge [sflag:s4], $0x0  }
0x19: {  	s7 =	sld [smem:$0x3F9B]  }
0x1a: {  	s8 =	sadd.s32 $0xFFFFE003, lr  }
0x1b: {  	s9 =	sadd.s32 $0xFFFFFEF7, lr;
	s5 =	simm.s32 $0xFFFFFFFF;
	p2 =	slt.u32 s8, $0xFFFFF086  }
0x1c: {  	p1 =	slt.u32 s9, $0xF7A;
	s5 =	simm.s32 @!p2 $0x0  }
0x1d: {  	s5 =	simm.s32 @p1 $0x1;
	p0 =	seq.s32 s7, s2  }
0x1e: {  	s7 =	smul.u32 @!p0 $0xF7A, s2;
	p2 =	seq.s32 @!p0 s5, $0x0  }
0x1f: {  	s9 =	smul.u32 $0xF7A, s1;
	s8 =	simm.s32 @!p0 $0x1BF5;
	p2 =	por !p2, p0  }
0x20: {  	[sflag:s8] =	ssyncset.s32 @!p0 $0xFFFFF086;
	s6 =	sadd.s32 @!p0 s3, s7;
	s7 =	simm.s32 @!p0 $0x108  }
0x21: {  	s3 =	sadd.s32 s3, s9;
	s6 =	sadd.s32 @!p0 $0x88, s6;
	s7 =	simm.s32 @p2 $0x1082  }
0x22: {  	[simem:s7], [sflag:s8] =	dma.local @!p0 [hbm:s6], $0xF7A  }
0x23: {  	s9 =	sor.u32 $0xD0000000, s2;
	s6 =	simm.s32 $0x108;
	_ =	swait.ge @!p0 [sflag:s8], $0x0  }
0x24: {  	s3 =	sadd.s32 $0x88, s3;
	s6 =	simm.s32 @!p1 $0x1082;
	[sflag:s4] =	ssyncset.s32 $0xFFFFF086  }
0x25: {  	[simem:s6], [sflag:s4] =	dma.local [hbm:s3], $0xF7A  }
0x26: {  	[smem:$0x3F9B] =	sst s1;
	(tag) =	ssettag s2;
	_ =	strace s9  }
0x27: {  	s1 =	sld [smem:$0x3FAB]  }
0x28: {  	s2 =	sld [smem:$0x3FAC]  }
0x29: {  	s4 =	sld [smem:$0x3FAE]  }
0x2a: {  	p0 =	seq.s32 s5, $0x0;
	s5 =	sld [smem:$0x3FAF]  }
0x2b: {  	s6 =	sld [smem:$0x3FB0]  }
0x2c: {  	s7 =	sld [smem:$0x3FB1]  }
0x2d: {  	s3 =	simm.s32 $0x108;
	s8 =	sld [smem:$0x3FB2]  }
0x2e: {  	s3 =	simm.s32 @!p0 $0x1082;
	s9 =	sld [smem:$0x3FB3]  }
0x2f: {  	lr =	sadd.s32 s0, s3;
	s0 =	sld [smem:$0x3FAA]  }
0x30: {  	s3 =	sld [smem:$0x3FAD]  }
0x31: {  	[smem:$0x3FB6] =	sst s10  }
0x32: {  	s10 =	sld [smem:$0x3FB4];
	_ =	sdelay $0x3  }
0x33: {  	p0 =	seq.s32 s10, $0x1;
	s10 =	sld [smem:$0x3FB6];
	_ =	sdelay $0x3  }
0x34: {  	[smem:$0x3FB6] =	sst s10  }
0x35: {  	s10 =	sld [smem:$0x3FB5];
	_ =	sdelay $0x3  }
0x36: {  	p1 =	seq.s32 s10, $0x1;
	s10 =	sld [smem:$0x3FB6];
	_ =	sdelay $0x3  }
0x37: {  	[smem:$0x3FB6] =	sst s10  }
0x38: {  	s10 =	sld [smem:$0x3FB7]  }
0x39: {  	_ = 	snop;
	(pc) =	sbr.ind lr, $3  }
0x3a: {  	_ = 	snop  }
0x3b: {  	_ = 	snop  }
0x3c: {  	p2 =	seq.s32 s10, $0x1;
	s10 =	sld [smem:$0x3FB6]  }
0x3d: {  	_ =	shalt  }
0x3e: {  	_ =	shalt  }
0x3f: {  	_ =	shalt  }
0x40: {  	_ =	shalt  }
0x41: {  	_ =	shalt  }
0x42: {  	_ =	shalt  }
0x43: {  	_ =	shalt  }
0x44: {  	_ =	shalt  }
0x45: {  	_ =	shalt  }
0x46: {  	_ =	shalt  }
0x47: {  	_ =	shalt  }
0x48: {  	_ =	shalt  }
0x49: {  	_ =	shalt  }
0x4a: {  	_ =	shalt  }
0x4b: {  	_ =	shalt  }
0x4c: {  	_ =	shalt  }
0x4d: {  	_ =	shalt  }
0x4e: {  	_ =	shalt  }
0x4f: {  	_ =	shalt  }
0x50: {  	_ =	shalt  }
0x51: {  	_ =	shalt  }
0x52: {  	_ =	shalt  }
0x53: {  	_ =	shalt  }
0x54: {  	_ =	shalt  }
0x55: {  	_ =	shalt  }
0x56: {  	_ =	shalt  }
0x57: {  	_ =	shalt  }
0x58: {  	_ =	shalt  }
0x59: {  	_ =	shalt  }
0x5a: {  	_ =	shalt  }
0x5b: {  	_ =	shalt  }
0x5c: {  	_ =	shalt  }
0x5d: {  	_ =	shalt  }
0x5e: {  	_ =	shalt  }
0x5f: {  	_ =	shalt  }
0x60: {  	_ =	shalt  }
0x61: {  	_ =	shalt  }
0x62: {  	_ =	shalt  }
0x63: {  	_ =	shalt  }
0x64: {  	_ =	shalt  }
0x65: {  	_ =	shalt  }
0x66: {  	_ =	shalt  }
0x67: {  	_ =	shalt  }
0x68: {  	_ =	shalt  }
0x69: {  	_ =	shalt  }
0x6a: {  	_ =	shalt  }
0x6b: {  	_ =	shalt  }
0x6c: {  	_ =	shalt  }
0x6d: {  	_ =	shalt  }
0x6e: {  	_ =	shalt  }
0x6f: {  	_ =	shalt  }
0x70: {  	_ =	shalt  }
0x71: {  	_ =	shalt  }
0x72: {  	_ =	shalt  }
0x73: {  	_ =	shalt  }
0x74: {  	_ =	shalt  }
0x75: {  	_ =	shalt  }
0x76: {  	_ =	shalt  }
0x77: {  	_ =	shalt  }
0x78: {  	_ =	shalt  }
0x79: {  	_ =	shalt  }
0x7a: {  	_ =	shalt  }
0x7b: {  	_ =	shalt  }
0x7c: {  	_ =	shalt  }
0x7d: {  	_ =	shalt  }
0x7e: {  	_ =	shalt  }
0x7f: {  	_ =	shalt  }
0x80: {  	_ =	shalt  }
0x81: {  	_ =	shalt  }
0x82: {  	_ =	shalt  }
0x83: {  	_ =	shalt  }
0x84: {  	_ =	shalt  }
0x85: {  	_ =	shalt  }
0x86: {  	_ =	shalt  }
0x87: {  	_ =	shalt  }
.Lfunc_end0:
.L_simem_size_0:
called_computation_lowered:
.L_overlay_start_0:
0x88: {  	s2 =	sld [smem:$0x3FD9]  }
0x89: {  	s3 =	sld [smem:$0x3FFE];
	_ =	sdelay $0x1  }
0x8a: {  	s1 =	srdreg.scid  }
0x8b: {  	s0 =	sand.u32 $0x1, s1  }
0x8c: {  	s14 =	sshll.u32 s0, $0xA;
	s2 =	sadd.s32 s3, s2  }
0x8d: {  	s2 =	sadd.s32 s2, s14  }
0x8e: {  	[smem:$0x3FC2] =	sst s2  }
0x8f: {  	_ = 	snop  }
0x90: {  	s2 =	sld [smem:$0x3FD0];
	_ =	sdelay $0x2  }
0x91: {  	s4 =	simm.s32 $0xA;
	s5 =	simm.s32 $0x10;
	s15 =	sld [smem:$0x3FC9]  }
0x92: {  	[smem:s5], [sflag:s4] =	dma.local [hbm:s2], $0x1  }
0x93: {  	_ =	swait.eq [sflag:s4], $0x1  }
0x94: {  	[sflag:s4] =	ssyncset.done $0x0  }
0x95: {  	[sflag:s4] =	ssyncadd.s32 $0xFFFFFFFF  }
0x96: {  	s16 =	sld [smem:$0x10];
	(tm) =	ssettm $0x1  }
0x97: {  	s17 =	sld [smem:$0x3FFB];
	_ =	sdelay $0x3  }
0x98: {  	_ =	strace s17  }
0x99: {  	s4 =	sld [smem:$0x3FFC];
	_ =	sdelay $0x3  }
0x9a: {  	_ =	strace s4  }
0x9b: {  	s4 =	sld [smem:$0x3FFD];
	_ =	sdelay $0x3  }
0x9c: {  	_ =	strace s4  }
0x9d: {  	_ =	strace $0x8FFFFFFF  }
0x9e: {  	s18 =	sld [smem:$0x3FDB];
	_ =	sdelay $0x1  }
0x9f: {  	s19 =	simm.s32 $_scs_section_size  }
0xa0: {  	s6 =	simm.s32 $_size__tile_overlayer_lowered;
	s7 =	simm.s32 $_tile_overlayer_lowered  }
0xa1: {  	s22 =	simm.s32 $0x1BFF;
	s21 =	sshll.u32 s7, $0x1;
	s4 =	sadd.s32 s19, s18  }
0xa2: {  	s8 =	simm.s32 $0x0;
	s20 =	sshll.u32 s6, $0x1;
	s6 =	sadd.s32 s21, s4  }
0xa3: {  	[timem:s8], [sflag:s22] =	dma.local [hbm:s6], s20  }
0xa4: {  	_ =	swait.ge [sflag:s22], s20  }
0xa5: {  	s5 =	ssub.s32 $0x0, s20;
	[sflag:s22] =	ssyncset.done $0x0  }
0xa6: {  	[sflag:s22] =	ssyncadd.s32 s5;
	_ =	sdelay $0x1  }
0xa7: {  	s23 =	simm.s32 $0x1B8B  }
0xa8: {  	_ =	swait.ge [sflag:s23], $0x1  }
0xa9: {  	[sflag:s23] =	ssyncset.done $0x0  }
0xaa: {  	s25 =	simm.s32 $0x1B8E;
	s24 =	sld [smem:$0x3FFE];
	[sflag:s23] =	ssyncadd.s32 $0xFFFFFFFF  }
0xab: {  	s26 =	simm.s32 $execute0_lowered;
	[smem:$0x3FD2] =	sst s25  }
0xac: {  	s6 =	sshll.u32 s26, $0x1;
	_ =	strace $0x80000046;
	[dreg:$0x1] =	wrdreg $0xFFFFFFFF  }
0xad: {  	s28 =	simm.s32 $_size_execute0_lowered;
	s4 =	sadd.s32 s4, s6;
	[dreg:$0x0] =	wrdreg $0x0  }
0xae: {  	s6 =	sshll.u32 s28, $0x1;
	[dreg:$0x2] =	wrdreg s4  }
0xaf: {  	[dreg:$0x3] =	wrdreg s6  }
0xb0: {  	[dreg:$0x4] =	wrdreg $0xC0  }
0xb1: {  	_ =	task [dreg:s8], $0x5FFFF  }
0xb2: {  	[dreg:$0x1] =	wrdreg $0xFFFFFFFF  }
0xb3: {  	[dreg:$0x0] =	wrdreg $0x60  }
0xb4: {  	[dreg:$0x2] =	wrdreg s24  }
0xb5: {  	[dreg:$0x3] =	wrdreg s15  }
0xb6: {  	[dreg:$0x4] =	wrdreg s16  }
0xb7: {  	[dreg:$0x5] =	wrdreg $0x9  }
0xb8: {  	_ =	task.clear_ibuf [dreg:s8], $0x6FFFF;
	_ =	strace $0x90000046  }
0xb9: {  	s29 =	simm.s32 $0x9;
	_ =	strace $0x80000048  }
0xba: {  	_ =	swait.ge [sflag:s29], $0x1  }
0xbb: {  	[sflag:s29] =	ssyncadd.s32 $0xFFFFFFFF  }
0xbc: {  	_ =	strace $0x90000048  }
0xbd: {  	_ =	sfence  }
0xbe: {  	s30 =	sld [smem:$0x0];
	_ =	sdelay $0x2  }
0xbf: {  	s31 =	sshll.u32 s1, $0xD;
	s1 =	sshrl.u32 s1, $0x2  }
0xc0: {  	s3 =	sand.u32 $0x4000, s31;
	s1 =	sadd.s32 s1, s30  }
0xc1: {  	s0 =	sor.u32 s3, s0;
	s1 =	sshll.u32 s1, $0x11  }
0xc2: {  	s0 =	sor.u32 s1, s0  }
0xc3: {  	s0 =	sadd.s32 $0x8F2B, s0  }
0xc4: {  	[sflag:s0] =	ssyncadd.remote.s32 $0x1  }
0xc5: {  	_ =	sfence.sel $0xFFFF  }
0xc6: {  	[dreg:$0x0] =	wrdreg $0xFFFFFFFF;
	(pc) =	sbr.abs _section_cstart, $3  }
0xc7: {  	[dreg:$0x1] =	wrdreg $0xFFFFFFFF  }
0xc8: {  	_ =	task.clear_ibuf [dreg:s8], $0x2FFFF;
	_ =	strace $0x9FFFFFFF  }
0xc9: {  	(tm) =	ssettm $0x7FFFFFFF  }
tec
execute0_lowered:
.L_overlay_start_1:
0x0: {  	(tag) =	ssettag $0x1  }
0x1: {  	s0 =	rddreg [dreg:$0x0];
	s1 =	srdreg.scid  }
0x2: {  	s2 =	rddreg [dreg:$0x1];
	s3 =	stileid.u32  }
0x3: {  	s14 =	simm.s32 $0x2;
	s13 =	simm.s32 $0x100;
	s19 =	simm.s32 $0x1100  }
0x4: {  	s20 =	simm.s32 $0x1900;
	s21 =	simm.s32 $0x2100;
	s22 =	simm.s32 $0x2900  }
0x5: {  	s23 =	simm.s32 $0x3100;
	s28 =	simm.s32 $0x5100;
	s29 =	simm.s32 $0x5900  }
0x6: {  	s30 =	simm.s32 $0x6100;
	s31 =	simm.s32 $0x6900;
	s9 =	simm.s32 $0x8900  }
0x7: {  	s11 =	simm.s32 $0x9100;
	s12 =	simm.s32 $0x9900;
	s10 =	simm.s32 $0xA100  }
0x8: {  	s16 =	simm.s32 $0xA900;
	s17 =	simm.s32 $0xB100;
	s1 =	sand.u32 $0x1, s1  }
0x9: {  	s4 =	sshll.u32 s3, $0x7;
	s3 =	simm.s32 $0x0;
	s5 =	sshll.u32 s1, $0x6  }
0xa: {  	s18 =	simm.s32 $0xB900;
	[smem:$0x7FF] =	sst s3;
	s4 =	sor.u32 s5, s4  }
0xb: {  	s1 =	ssub.s32 $0x2, s1;
	_ =	strace $0x80000047;
	s5 =	sshrl.u32 s4, $0x3  }
0xc: {  	s25 =	sshrl.u32 s1, $0x1;
	s4 =	sshll.u32 s4, $0x4;
	s6 =	sadd.s32 s5, s0  }
0xd: {  	s1 =	ssub.s32 s1, s25;
	s25 =	simm.s32 $0x4100;
	s7 =	sadd.s32 $0x10C00, s6  }
0xe: {  	s8 =	sadd.s32 s4, s0;
	s6 =	sadd.s32 $0x10D00, s6;
	[dreg:$0x4] =	wrdreg s7  }
0xf: {  	s5 =	smul.u32 $0x300, s5;
	s24 =	sadd.s32 $0xC00, s8;
	[dreg:$0x5] =	wrdreg s6  }
0x10: {  	s4 =	sadd.s32 $0x10E00, s0;
	s26 =	sadd.s32 $0x8C00, s8;
	[dreg:$0x7] =	wrdreg s24  }
0x11: {  	v2 =	vlaneseq.u32;
	s8 =	simm.s32 $0x3;
	s2 =	sadd.s32 s2, s5;
	[dreg:$0x8] =	wrdreg s26  }
0x12: {  	vm0 =	vmmov $0xffff;
	v1 =	vshrl.u32 v2, $0x3;
	s5 =	sadd.s32 $0x10F00, s0;
	s6 =	sadd.s32 $0x11000, s0;
	s7 =	smax.u32 s1, $0x1  }
0x13: {  	v0 =	vand.u32 $0x7, v2;
	v2 =	vor.u32 $0x8, v2;
	v1 =	vmul.u32 $0x8, v1;
	s24 =	simm.s32 $0x3900;
	s26 =	simm.s32 $0x4900;
	[dreg:$0x6] =	wrdreg s2  }
.LBB2_1:
0x14: {  	s15 =	rddreg [dreg:$0x4]  }
0x15: {  	[tilespmem:s3], [sflag:$0x3] =	stream.linear.gather [hbm4b:s15+s3], $0x40, $0x38;
	[tilespmem:$0x10100] =	vst v63  }
0x16: {  	_ =	swait.ge [sflag:s8], $0x40  }
0x17: {  	[sflag:s8] =	ssyncset.done $0x0  }
0x18: {  	s0 =	simm.s32 $0x80;
	s2 =	rddreg [dreg:$0x5];
	[sflag:s8] =	ssyncadd.s32 $0xFFFFFFC0  }
0x19: {  	[tilespmem:s0], [sflag:$0x3] =	stream.linear.gather [hbm4b:s2+s3], $0x40, $0x38;
	[tilespmem:$0x10100] =	vst v63  }
0x1a: {  	_ =	swait.ge [sflag:s8], $0x40  }
0x1b: {  	[sflag:s8] =	ssyncset.done $0x0  }
0x1c: {  	s0 =	rddreg [dreg:$0x6];
	[sflag:s8] =	ssyncadd.s32 $0xFFFFFFC0  }
0x1d: {  	[tilespmem:s13], [sflag:$0x3] =	stream.linear.gather [hbm4b:s0+s3], $0xC000, $0x38;
	[tilespmem:$0x10100] =	vst v63  }
0x1e: {  	_ =	swait.ge [sflag:s8], $0xC000  }
0x1f: {  	[sflag:s8] =	ssyncset.done $0x0  }
0x20: {  	s2 =	simm.s32 $0xC100;
	s1 =	rddreg [dreg:$0x7];
	[sflag:s8] =	ssyncadd.s32 $0xFFFF4000  }
0x21: {  	[tilespmem:s2], [sflag:$0x3] =	stream.linear.gather [hbm4b:s1+s3], $0x2000, $0x38;
	[tilespmem:$0x10100] =	vst v63  }
0x22: {  	_ =	swait.ge [sflag:s8], $0x2000  }
0x23: {  	[sflag:s8] =	ssyncset.done $0x0  }
0x24: {  	s1 =	simm.s32 $0xE100;
	s0 =	rddreg [dreg:$0x8];
	[sflag:s8] =	ssyncadd.s32 $0xFFFFE000  }
0x25: {  	[tilespmem:s1], [sflag:$0x3] =	stream.linear.gather [hbm4b:s0+s3], $0x2000, $0x38;
	[tilespmem:$0x10100] =	vst v63  }
0x26: {  	_ =	swait.ge [sflag:s8], $0x2000  }
0x27: {  	[sflag:s8] =	ssyncset.done $0x0  }
0x28: {  	[sflag:s8] =	ssyncadd.s32 $0xFFFFE000  }
0x29: {  	v3 =	vld [tilespmem:$0x0];
	_ =	sdelay $0x4  }
0x2a: {  	v4 =	vshrl.u32 v3, $0x3  }
0x2b: {  	v4 =	vmul.u32 $0x30, v4  }
0x2c: {  	v3 =	vand.u32 $0x7, v3  }
0x2d: {  	v3 =	vor.u32 v3, v4  }
0x2e: {  	v4 =	vperm.xlane v3, v0;
	_ =	sdelay $0x1  }
0x2f: {  	v4 =	vadd.s32 v1, v4;
	_ =	sdelay $0x3  }
0x30: {  	v3 =	vperm.xlane v3, v2  }
0x31: {  	[hbm4b:s4+s3] =	stream.indirect_vreg.scatter [tilespmem:s13], [sflag:$0x1], $0x80, v4, vm0, $0xb8;
	[tilespmem:$0x10100] =	vst v63  }
0x32: {  	s15 =	simm.s32 $0x900;
	v3 =	vadd.s32 v1, v3  }
0x33: {  	[hbm4b:s5+s3] =	stream.indirect_vreg.scatter [tilespmem:s15], [sflag:$0x1], $0x80, v4, vm0, $0xb8;
	[tilespmem:$0x10100] =	vst v63  }
0x34: {  	_ = 	snop  }
0x35: {  	[hbm4b:s6+s3] =	stream.indirect_vreg.scatter [tilespmem:s19], [sflag:$0x1], $0x80, v4, vm0, $0xb8;
	[tilespmem:$0x10100] =	vst v63  }
0x36: {  	_ = 	snop  }
0x37: {  	[hbm4b:s4+s3] =	stream.indirect_vreg.scatter [tilespmem:s20], [sflag:$0x1], $0x80, v3, vm0, $0xb8;
	[tilespmem:$0x10100] =	vst v63  }
0x38: {  	_ = 	snop  }
0x39: {  	[hbm4b:s5+s3] =	stream.indirect_vreg.scatter [tilespmem:s21], [sflag:$0x1], $0x80, v3, vm0, $0xb8;
	[tilespmem:$0x10100] =	vst v63  }
0x3a: {  	_ = 	snop  }
0x3b: {  	[hbm4b:s6+s3] =	stream.indirect_vreg.scatter [tilespmem:s22], [sflag:$0x1], $0x80, v3, vm0, $0xb8;
	[tilespmem:$0x10100] =	vst v63  }
0x3c: {  	v3 =	vld [tilespmem:$0x10];
	_ =	sdelay $0x4  }
0x3d: {  	v57 =	vshrl.u32 v3, $0x3  }
0x3e: {  	v4 =	vmul.u32 $0x30, v57  }
0x3f: {  	v3 =	vand.u32 $0x7, v3  }
0x40: {  	v3 =	vor.u32 v3, v4  }
0x41: {  	v4 =	vperm.xlane v3, v0;
	_ =	sdelay $0x1  }
0x42: {  	v4 =	vadd.s32 v1, v4;
	_ =	sdelay $0x3  }
0x43: {  	v3 =	vperm.xlane v3, v2  }
0x44: {  	[hbm4b:s4+s3] =	stream.indirect_vreg.scatter [tilespmem:s23], [sflag:$0x1], $0x80, v4, vm0, $0xb8;
	[tilespmem:$0x10100] =	vst v63  }
0x45: {  	v3 =	vadd.s32 v1, v3  }
0x46: {  	[hbm4b:s5+s3] =	stream.indirect_vreg.scatter [tilespmem:s24], [sflag:$0x1], $0x80, v4, vm0, $0xb8;
	[tilespmem:$0x10100] =	vst v63  }
0x47: {  	_ = 	snop  }
0x48: {  	[hbm4b:s6+s3] =	stream.indirect_vreg.scatter [tilespmem:s25], [sflag:$0x1], $0x80, v4, vm0, $0xb8;
	[tilespmem:$0x10100] =	vst v63  }
0x49: {  	_ = 	snop  }
0x4a: {  	[hbm4b:s4+s3] =	stream.indirect_vreg.scatter [tilespmem:s26], [sflag:$0x1], $0x80, v3, vm0, $0xb8;
	[tilespmem:$0x10100] =	vst v63  }
0x4b: {  	_ = 	snop  }
0x4c: {  	[hbm4b:s5+s3] =	stream.indirect_vreg.scatter [tilespmem:s28], [sflag:$0x1], $0x80, v3, vm0, $0xb8;
	[tilespmem:$0x10100] =	vst v63  }
0x4d: {  	_ = 	snop  }
0x4e: {  	[hbm4b:s6+s3] =	stream.indirect_vreg.scatter [tilespmem:s29], [sflag:$0x1], $0x80, v3, vm0, $0xb8;
	[tilespmem:$0x10100] =	vst v63  }
0x4f: {  	v3 =	vld [tilespmem:$0x20];
	_ =	sdelay $0x4  }
0x50: {  	v58 =	vshrl.u32 v3, $0x3  }
0x51: {  	v4 =	vmul.u32 $0x30, v58  }
0x52: {  	v3 =	vand.u32 $0x7, v3  }
0x53: {  	v3 =	vor.u32 v3, v4  }
0x54: {  	v4 =	vperm.xlane v3, v0;
	_ =	sdelay $0x1  }
0x55: {  	v4 =	vadd.s32 v1, v4;
	_ =	sdelay $0x3  }
0x56: {  	v3 =	vperm.xlane v3, v2  }
0x57: {  	[hbm4b:s4+s3] =	stream.indirect_vreg.scatter [tilespmem:s30], [sflag:$0x1], $0x80, v4, vm0, $0xb8;
	[tilespmem:$0x10100] =	vst v63  }
0x58: {  	v3 =	vadd.s32 v1, v3  }
0x59: {  	[hbm4b:s5+s3] =	stream.indirect_vreg.scatter [tilespmem:s31], [sflag:$0x1], $0x80, v4, vm0, $0xb8;
	[tilespmem:$0x10100] =	vst v63  }
0x5a: {  	s1 =	simm.s32 $0x7100  }
0x5b: {  	[hbm4b:s6+s3] =	stream.indirect_vreg.scatter [tilespmem:s1], [sflag:$0x1], $0x80, v4, vm0, $0xb8;
	[tilespmem:$0x10100] =	vst v63  }
0x5c: {  	s0 =	simm.s32 $0x7900  }
0x5d: {  	[hbm4b:s4+s3] =	stream.indirect_vreg.scatter [tilespmem:s0], [sflag:$0x1], $0x80, v3, vm0, $0xb8;
	[tilespmem:$0x10100] =	vst v63  }
0x5e: {  	s2 =	simm.s32 $0x8100  }
0x5f: {  	[hbm4b:s5+s3] =	stream.indirect_vreg.scatter [tilespmem:s2], [sflag:$0x1], $0x80, v3, vm0, $0xb8;
	[tilespmem:$0x10100] =	vst v63  }
0x60: {  	_ = 	snop  }
0x61: {  	[hbm4b:s6+s3] =	stream.indirect_vreg.scatter [tilespmem:s9], [sflag:$0x1], $0x80, v3, vm0, $0xb8;
	[tilespmem:$0x10100] =	vst v63  }
0x62: {  	v3 =	vld [tilespmem:$0x30];
	_ =	sdelay $0x4  }
0x63: {  	v59 =	vshrl.u32 v3, $0x3  }
0x64: {  	v4 =	vmul.u32 $0x30, v59  }
0x65: {  	v3 =	vand.u32 $0x7, v3  }
0x66: {  	v3 =	vor.u32 v3, v4  }
0x67: {  	v4 =	vperm.xlane v3, v0;
	_ =	sdelay $0x1  }
0x68: {  	v4 =	vadd.s32 v1, v4;
	_ =	sdelay $0x3  }
0x69: {  	v3 =	vperm.xlane v3, v2  }
0x6a: {  	[hbm4b:s4+s3] =	stream.indirect_vreg.scatter [tilespmem:s11], [sflag:$0x1], $0x80, v4, vm0, $0xb8;
	[tilespmem:$0x10100] =	vst v63  }
0x6b: {  	v3 =	vadd.s32 v1, v3  }
0x6c: {  	[hbm4b:s5+s3] =	stream.indirect_vreg.scatter [tilespmem:s12], [sflag:$0x1], $0x80, v4, vm0, $0xb8;
	[tilespmem:$0x10100] =	vst v63  }
0x6d: {  	_ = 	snop  }
0x6e: {  	[hbm4b:s6+s3] =	stream.indirect_vreg.scatter [tilespmem:s10], [sflag:$0x1], $0x80, v4, vm0, $0xb8;
	[tilespmem:$0x10100] =	vst v63  }
0x6f: {  	_ = 	snop  }
0x70: {  	[hbm4b:s4+s3] =	stream.indirect_vreg.scatter [tilespmem:s16], [sflag:$0x1], $0x80, v3, vm0, $0xb8;
	[tilespmem:$0x10100] =	vst v63  }
0x71: {  	_ = 	snop  }
0x72: {  	[hbm4b:s5+s3] =	stream.indirect_vreg.scatter [tilespmem:s17], [sflag:$0x1], $0x80, v3, vm0, $0xb8;
	[tilespmem:$0x10100] =	vst v63  }
0x73: {  	_ = 	snop  }
0x74: {  	[hbm4b:s6+s3] =	stream.indirect_vreg.scatter [tilespmem:s18], [sflag:$0x1], $0x80, v3, vm0, $0xb8;
	[tilespmem:$0x10100] =	vst v63  }
0x75: {  	v3 =	vld [tilespmem:$0x80];
	_ =	sdelay $0x4  }
0x76: {  	v60 =	vshrl.u32 v3, $0x3  }
0x77: {  	v4 =	vmul.u32 $0x30, v60  }
0x78: {  	v3 =	vand.u32 $0x7, v3  }
0x79: {  	v3 =	vor.u32 v3, v4  }
0x7a: {  	v4 =	vperm.xlane v3, v0;
	_ =	sdelay $0x1  }
0x7b: {  	v4 =	vadd.s32 v1, v4;
	_ =	sdelay $0x3  }
0x7c: {  	v3 =	vperm.xlane v3, v2  }
0x7d: {  	[hbm4b:s4+s3] =	stream.indirect_vreg.scatter [tilespmem:s13], [sflag:$0x1], $0x80, v4, vm0, $0xb8;
	[tilespmem:$0x10100] =	vst v63  }
0x7e: {  	v3 =	vadd.s32 v1, v3  }
0x7f: {  	[hbm4b:s5+s3] =	stream.indirect_vreg.scatter [tilespmem:s15], [sflag:$0x1], $0x80, v4, vm0, $0xb8;
	[tilespmem:$0x10100] =	vst v63  }
0x80: {  	_ = 	snop  }
0x81: {  	[hbm4b:s6+s3] =	stream.indirect_vreg.scatter [tilespmem:s19], [sflag:$0x1], $0x80, v4, vm0, $0xb8;
	[tilespmem:$0x10100] =	vst v63  }
0x82: {  	_ = 	snop  }
0x83: {  	[hbm4b:s4+s3] =	stream.indirect_vreg.scatter [tilespmem:s20], [sflag:$0x1], $0x80, v3, vm0, $0xb8;
	[tilespmem:$0x10100] =	vst v63  }
0x84: {  	_ = 	snop  }
0x85: {  	[hbm4b:s5+s3] =	stream.indirect_vreg.scatter [tilespmem:s21], [sflag:$0x1], $0x80, v3, vm0, $0xb8;
	[tilespmem:$0x10100] =	vst v63  }
0x86: {  	_ = 	snop  }
0x87: {  	[hbm4b:s6+s3] =	stream.indirect_vreg.scatter [tilespmem:s22], [sflag:$0x1], $0x80, v3, vm0, $0xb8;
	[tilespmem:$0x10100] =	vst v63  }
0x88: {  	v3 =	vld [tilespmem:$0x90];
	_ =	sdelay $0x4  }
0x89: {  	v61 =	vshrl.u32 v3, $0x3  }
0x8a: {  	v4 =	vmul.u32 $0x30, v61  }
0x8b: {  	v3 =	vand.u32 $0x7, v3  }
0x8c: {  	v3 =	vor.u32 v3, v4  }
0x8d: {  	v4 =	vperm.xlane v3, v0;
	_ =	sdelay $0x1  }
0x8e: {  	v4 =	vadd.s32 v1, v4;
	_ =	sdelay $0x3  }
0x8f: {  	v3 =	vperm.xlane v3, v2  }
0x90: {  	[hbm4b:s4+s3] =	stream.indirect_vreg.scatter [tilespmem:s23], [sflag:$0x1], $0x80, v4, vm0, $0xb8;
	[tilespmem:$0x10100] =	vst v63  }
0x91: {  	v3 =	vadd.s32 v1, v3  }
0x92: {  	[hbm4b:s5+s3] =	stream.indirect_vreg.scatter [tilespmem:s24], [sflag:$0x1], $0x80, v4, vm0, $0xb8;
	[tilespmem:$0x10100] =	vst v63  }
0x93: {  	_ = 	snop  }
0x94: {  	[hbm4b:s6+s3] =	stream.indirect_vreg.scatter [tilespmem:s25], [sflag:$0x1], $0x80, v4, vm0, $0xb8;
	[tilespmem:$0x10100] =	vst v63  }
0x95: {  	_ = 	snop  }
0x96: {  	[hbm4b:s4+s3] =	stream.indirect_vreg.scatter [tilespmem:s26], [sflag:$0x1], $0x80, v3, vm0, $0xb8;
	[tilespmem:$0x10100] =	vst v63  }
0x97: {  	_ = 	snop  }
0x98: {  	[hbm4b:s5+s3] =	stream.indirect_vreg.scatter [tilespmem:s28], [sflag:$0x1], $0x80, v3, vm0, $0xb8;
	[tilespmem:$0x10100] =	vst v63  }
0x99: {  	_ = 	snop  }
0x9a: {  	[hbm4b:s6+s3] =	stream.indirect_vreg.scatter [tilespmem:s29], [sflag:$0x1], $0x80, v3, vm0, $0xb8;
	[tilespmem:$0x10100] =	vst v63  }
0x9b: {  	v3 =	vld [tilespmem:$0xA0];
	_ =	sdelay $0x4  }
0x9c: {  	v62 =	vshrl.u32 v3, $0x3  }
0x9d: {  	v4 =	vmul.u32 $0x30, v62  }
0x9e: {  	v3 =	vand.u32 $0x7, v3  }
0x9f: {  	v3 =	vor.u32 v3, v4  }
0xa0: {  	v4 =	vperm.xlane v3, v0;
	_ =	sdelay $0x1  }
0xa1: {  	v4 =	vadd.s32 v1, v4;
	_ =	sdelay $0x3  }
0xa2: {  	v3 =	vperm.xlane v3, v2  }
0xa3: {  	[hbm4b:s4+s3] =	stream.indirect_vreg.scatter [tilespmem:s30], [sflag:$0x1], $0x80, v4, vm0, $0xb8;
	[tilespmem:$0x10100] =	vst v63  }
0xa4: {  	v3 =	vadd.s32 v1, v3  }
0xa5: {  	[hbm4b:s5+s3] =	stream.indirect_vreg.scatter [tilespmem:s31], [sflag:$0x1], $0x80, v4, vm0, $0xb8;
	[tilespmem:$0x10100] =	vst v63  }
0xa6: {  	_ = 	snop  }
0xa7: {  	[hbm4b:s6+s3] =	stream.indirect_vreg.scatter [tilespmem:s1], [sflag:$0x1], $0x80, v4, vm0, $0xb8;
	[tilespmem:$0x10100] =	vst v63  }
0xa8: {  	_ = 	snop  }
0xa9: {  	[hbm4b:s4+s3] =	stream.indirect_vreg.scatter [tilespmem:s0], [sflag:$0x1], $0x80, v3, vm0, $0xb8;
	[tilespmem:$0x10100] =	vst v63  }
0xaa: {  	_ = 	snop  }
0xab: {  	[hbm4b:s5+s3] =	stream.indirect_vreg.scatter [tilespmem:s2], [sflag:$0x1], $0x80, v3, vm0, $0xb8;
	[tilespmem:$0x10100] =	vst v63  }
0xac: {  	_ = 	snop  }
0xad: {  	[hbm4b:s6+s3] =	stream.indirect_vreg.scatter [tilespmem:s9], [sflag:$0x1], $0x80, v3, vm0, $0xb8;
	[tilespmem:$0x10100] =	vst v63  }
0xae: {  	v3 =	vld [tilespmem:$0xB0];
	_ =	sdelay $0x4  }
0xaf: {  	v63 =	vshrl.u32 v3, $0x3  }
0xb0: {  	v4 =	vmul.u32 $0x30, v63  }
0xb1: {  	v3 =	vand.u32 $0x7, v3  }
0xb2: {  	v3 =	vor.u32 v3, v4  }
0xb3: {  	v4 =	vperm.xlane v3, v0;
	_ =	sdelay $0x1  }
0xb4: {  	v4 =	vadd.s32 v1, v4;
	_ =	sdelay $0x3  }
0xb5: {  	v3 =	vperm.xlane v3, v2  }
0xb6: {  	[hbm4b:s4+s3] =	stream.indirect_vreg.scatter [tilespmem:s11], [sflag:$0x1], $0x80, v4, vm0, $0xb8;
	[tilespmem:$0x10100] =	vst v63  }
0xb7: {  	v3 =	vadd.s32 v1, v3  }
0xb8: {  	[hbm4b:s5+s3] =	stream.indirect_vreg.scatter [tilespmem:s12], [sflag:$0x1], $0x80, v4, vm0, $0xb8;
	[tilespmem:$0x10100] =	vst v63  }
0xb9: {  	_ = 	snop  }
0xba: {  	[hbm4b:s6+s3] =	stream.indirect_vreg.scatter [tilespmem:s10], [sflag:$0x1], $0x80, v4, vm0, $0xb8;
	[tilespmem:$0x10100] =	vst v63  }
0xbb: {  	_ = 	snop  }
0xbc: {  	[hbm4b:s4+s3] =	stream.indirect_vreg.scatter [tilespmem:s16], [sflag:$0x1], $0x80, v3, vm0, $0xb8;
	[tilespmem:$0x10100] =	vst v63  }
0xbd: {  	_ = 	snop  }
0xbe: {  	[hbm4b:s5+s3] =	stream.indirect_vreg.scatter [tilespmem:s17], [sflag:$0x1], $0x80, v3, vm0, $0xb8;
	[tilespmem:$0x10100] =	vst v63  }
0xbf: {  	_ = 	snop  }
0xc0: {  	[hbm4b:s6+s3] =	stream.indirect_vreg.scatter [tilespmem:s18], [sflag:$0x1], $0x80, v3, vm0, $0xb8;
	[tilespmem:$0x10100] =	vst v63  }
0xc1: {  	s15 =	rddreg [dreg:$0x2];
	s0 =	simm.s32 $0x40;
	s2 =	simm.s32 $0xC100  }
0xc2: {  	[hbm4b:s15+s0] =	stream.indirect.scatter [tilespmem:s2], [sflag:$0x2], $0x80, s3, s0, $0xb8;
	[tilespmem:$0x10100] =	vst v63  }
0xc3: {  	s1 =	simm.s32 $0x80;
	s2 =	simm.s32 $0xE100  }
0xc4: {  	[hbm4b:s15+s0] =	stream.indirect.scatter [tilespmem:s2], [sflag:$0x2], $0x80, s1, s0, $0xb8;
	[tilespmem:$0x10100] =	vst v63  }
0xc5: {  	s15 =	simm.s32 $0x1  }
0xc6: {  	_ =	swait.ge [sflag:s15], $0xC000  }
0xc7: {  	[sflag:s15] =	ssyncset.done $0x0  }
0xc8: {  	[sflag:s15] =	ssyncadd.s32 $0xFFFF4000  }
0xc9: {  	_ =	swait.ge [sflag:s15], $0xC000  }
0xca: {  	[sflag:s15] =	ssyncset.done $0x0  }
0xcb: {  	[sflag:s15] =	ssyncadd.s32 $0xFFFF4000  }
0xcc: {  	p0 =	sne.s32 s7, $0x1;
	_ =	swait.ge [sflag:s14], $0x2000  }
.Ltmp0:
0xcd: {  	[sflag:s14] =	ssyncset.done $0x0;
	(pc) =	sbr.rel @p0 .LBB2_1-.Ltmp0, $4  }
0xce: {  	[sflag:s14] =	ssyncadd.s32 $0xFFFFE000  }
0xcf: {  	_ =	swait.ge [sflag:s14], $0x2000  }
0xd0: {  	[sflag:s14] =	ssyncset.done $0x0  }
0xd1: {  	s7 =	sadd.s32 $0xFFFFFFFF, s7;
	[sflag:s14] =	ssyncadd.s32 $0xFFFFE000  }
0xd2: {  	_ =	sfence.sel $0x180000  }
0xd3: {  	[bflag:$0x0] =	sbarrier.arrive $0xFFFF  }
0xd4: {  	_ =	strace $0x90000047  }
0xd5: {  	s0 =	stileid.u32;
	[bflag:$0x2] =	sbarrier.arrive $0xFFFF  }
0xd6: {  	p0 =	sne.s32 s0, $0x0;
	s0 =	rddreg [dreg:$0x3]  }
0xd7: {  	s0 =	sadd.s32 @!p0 $0x100000, s0  }
0xd8: {  	[sflag:s0] =	ssyncadd.tile.s32 @!p0 $0x1;
	_ =	shalt  }
.Lfunc_end2:
_tile_overlayer_lowered:
.L_overlay_start_2:
0xd9: {  	(tag) =	ssettag $0x2  }
0xda: {  	s0 =	rddreg [dreg:$0x0];
	s2 =	stileid.u32  }
0xdb: {  	s1 =	rddreg [dreg:$0x1];
	p0 =	sne.s32 s2, $0x0  }
0xdc: {  	s3 =	rddreg [dreg:$0x2];
	[bflag:$0x3] =	sbarrier.arrive $0xFFFF;
	s2 =	simm.s32 @!p0 $0x1C03  }
0xdd: {  	[timem:s3], [sflag:s2] =	dma.local @!p0 [hbm:s0], s1  }
0xde: {  	s0 =	simm.s32 @!p0 $0x3  }
0xdf: {  	_ =	swait.ge @!p0 [sflag:s0], s1  }
0xe0: {  	s1 =	ssub.s32 @!p0 $0x0, s1;
	[sflag:s0] =	ssyncset.done @!p0 $0x0  }
0xe1: {  	[sflag:s0] =	ssyncadd.s32 @!p0 s1  }
0xe2: {  	[bflag:$0x3] =	sbarrier.arrive $0xFFFF  }
0xe3: {  	_ =	shalt  }

// kernel: kernel.9.cloned.1.call-start
scs
__scs_entry_jumppad:
0x0: {  	(pc) =	sbr.rel $0x88, $3  }
0x1: {  	(tag) =	ssettag $0x0;
	lr =	simm.s32 $0x1  }
0x2: {  	[smem:$0x3F9B] =	sst lr;
	_ =	strace $0xD0000000  }
0x3: {  	_ = 	snop  }
0x4: {  	_ = 	snop  }
0x5: {  	_ = 	snop  }
0x6: {  	_ = 	snop  }
0x7: {  	_ = 	snop  }
__scs_overlays_trampoline_lowered:
0x8: {  	[smem:$0x3FAA] =	sst s0  }
0x9: {  	[smem:$0x3FAB] =	sst s1  }
0xa: {  	[smem:$0x3FAC] =	sst s2  }
0xb: {  	[smem:$0x3FAD] =	sst s3  }
0xc: {  	[smem:$0x3FAE] =	sst s4  }
0xd: {  	[smem:$0x3FAF] =	sst s5  }
0xe: {  	[smem:$0x3FB0] =	sst s6  }
0xf: {  	[smem:$0x3FB1] =	sst s7  }
0x10: {  	[smem:$0x3FB2] =	sst s8  }
0x11: {  	[smem:$0x3FB3] =	sst s9;
	s0 =	simm.s32 @!p0 $0x0  }
0x12: {  	s1 =	sld [smem:$0x3F99];
	s0 =	simm.s32 @p0 $0x1  }
0x13: {  	[smem:$0x3FB4] =	sst s0;
	s0 =	simm.s32 @!p1 $0x0  }
0x14: {  	s2 =	sld [smem:$0x3F98];
	s0 =	simm.s32 @p1 $0x1  }
0x15: {  	[smem:$0x3FB5] =	sst s0;
	s0 =	simm.s32 @!p2 $0x0  }
0x16: {  	s3 =	sld [smem:$0x3FDB];
	s0 =	simm.s32 @p2 $0x1  }
0x17: {  	s4 =	simm.s32 $0x1BF5;
	[smem:$0x3FB7] =	sst s0  }
0x18: {  	s0 =	sld [smem:$0x3F9A];
	_ =	swait.ge [sflag:s4], $0x0  }
0x19: {  	s7 =	sld [smem:$0x3F9B]  }
0x1a: {  	s8 =	sadd.s32 $0xFFFFE003, lr  }
0x1b: {  	s9 =	sadd.s32 $0xFFFFFEF7, lr;
	s5 =	simm.s32 $0xFFFFFFFF;
	p2 =	slt.u32 s8, $0xFFFFF086  }
0x1c: {  	p1 =	slt.u32 s9, $0xF7A;
	s5 =	simm.s32 @!p2 $0x0  }
0x1d: {  	s5 =	simm.s32 @p1 $0x1;
	p0 =	seq.s32 s7, s2  }
0x1e: {  	s7 =	smul.u32 @!p0 $0xF7A, s2;
	p2 =	seq.s32 @!p0 s5, $0x0  }
0x1f: {  	s9 =	smul.u32 $0xF7A, s1;
	s8 =	simm.s32 @!p0 $0x1BF5;
	p2 =	por !p2, p0  }
0x20: {  	[sflag:s8] =	ssyncset.s32 @!p0 $0xFFFFF086;
	s6 =	sadd.s32 @!p0 s3, s7;
	s7 =	simm.s32 @!p0 $0x108  }
0x21: {  	s3 =	sadd.s32 s3, s9;
	s6 =	sadd.s32 @!p0 $0x88, s6;
	s7 =	simm.s32 @p2 $0x1082  }
0x22: {  	[simem:s7], [sflag:s8] =	dma.local @!p0 [hbm:s6], $0xF7A  }
0x23: {  	s9 =	sor.u32 $0xD0000000, s2;
	s6 =	simm.s32 $0x108;
	_ =	swait.ge @!p0 [sflag:s8], $0x0  }
0x24: {  	s3 =	sadd.s32 $0x88, s3;
	s6 =	simm.s32 @!p1 $0x1082;
	[sflag:s4] =	ssyncset.s32 $0xFFFFF086  }
0x25: {  	[simem:s6], [sflag:s4] =	dma.local [hbm:s3], $0xF7A  }
0x26: {  	[smem:$0x3F9B] =	sst s1;
	(tag) =	ssettag s2;
	_ =	strace s9  }
0x27: {  	s1 =	sld [smem:$0x3FAB]  }
0x28: {  	s2 =	sld [smem:$0x3FAC]  }
0x29: {  	s4 =	sld [smem:$0x3FAE]  }
0x2a: {  	p0 =	seq.s32 s5, $0x0;
	s5 =	sld [smem:$0x3FAF]  }
0x2b: {  	s6 =	sld [smem:$0x3FB0]  }
0x2c: {  	s7 =	sld [smem:$0x3FB1]  }
0x2d: {  	s3 =	simm.s32 $0x108;
	s8 =	sld [smem:$0x3FB2]  }
0x2e: {  	s3 =	simm.s32 @!p0 $0x1082;
	s9 =	sld [smem:$0x3FB3]  }
0x2f: {  	lr =	sadd.s32 s0, s3;
	s0 =	sld [smem:$0x3FAA]  }
0x30: {  	s3 =	sld [smem:$0x3FAD]  }
0x31: {  	[smem:$0x3FB6] =	sst s10  }
0x32: {  	s10 =	sld [smem:$0x3FB4];
	_ =	sdelay $0x3  }
0x33: {  	p0 =	seq.s32 s10, $0x1;
	s10 =	sld [smem:$0x3FB6];
	_ =	sdelay $0x3  }
0x34: {  	[smem:$0x3FB6] =	sst s10  }
0x35: {  	s10 =	sld [smem:$0x3FB5];
	_ =	sdelay $0x3  }
0x36: {  	p1 =	seq.s32 s10, $0x1;
	s10 =	sld [smem:$0x3FB6];
	_ =	sdelay $0x3  }
0x37: {  	[smem:$0x3FB6] =	sst s10  }
0x38: {  	s10 =	sld [smem:$0x3FB7]  }
0x39: {  	_ = 	snop;
	(pc) =	sbr.ind lr, $3  }
0x3a: {  	_ = 	snop  }
0x3b: {  	_ = 	snop  }
0x3c: {  	p2 =	seq.s32 s10, $0x1;
	s10 =	sld [smem:$0x3FB6]  }
0x3d: {  	_ =	shalt  }
0x3e: {  	_ =	shalt  }
0x3f: {  	_ =	shalt  }
0x40: {  	_ =	shalt  }
0x41: {  	_ =	shalt  }
0x42: {  	_ =	shalt  }
0x43: {  	_ =	shalt  }
0x44: {  	_ =	shalt  }
0x45: {  	_ =	shalt  }
0x46: {  	_ =	shalt  }
0x47: {  	_ =	shalt  }
0x48: {  	_ =	shalt  }
0x49: {  	_ =	shalt  }
0x4a: {  	_ =	shalt  }
0x4b: {  	_ =	shalt  }
0x4c: {  	_ =	shalt  }
0x4d: {  	_ =	shalt  }
0x4e: {  	_ =	shalt  }
0x4f: {  	_ =	shalt  }
0x50: {  	_ =	shalt  }
0x51: {  	_ =	shalt  }
0x52: {  	_ =	shalt  }
0x53: {  	_ =	shalt  }
0x54: {  	_ =	shalt  }
0x55: {  	_ =	shalt  }
0x56: {  	_ =	shalt  }
0x57: {  	_ =	shalt  }
0x58: {  	_ =	shalt  }
0x59: {  	_ =	shalt  }
0x5a: {  	_ =	shalt  }
0x5b: {  	_ =	shalt  }
0x5c: {  	_ =	shalt  }
0x5d: {  	_ =	shalt  }
0x5e: {  	_ =	shalt  }
0x5f: {  	_ =	shalt  }
0x60: {  	_ =	shalt  }
0x61: {  	_ =	shalt  }
0x62: {  	_ =	shalt  }
0x63: {  	_ =	shalt  }
0x64: {  	_ =	shalt  }
0x65: {  	_ =	shalt  }
0x66: {  	_ =	shalt  }
0x67: {  	_ =	shalt  }
0x68: {  	_ =	shalt  }
0x69: {  	_ =	shalt  }
0x6a: {  	_ =	shalt  }
0x6b: {  	_ =	shalt  }
0x6c: {  	_ =	shalt  }
0x6d: {  	_ =	shalt  }
0x6e: {  	_ =	shalt  }
0x6f: {  	_ =	shalt  }
0x70: {  	_ =	shalt  }
0x71: {  	_ =	shalt  }
0x72: {  	_ =	shalt  }
0x73: {  	_ =	shalt  }
0x74: {  	_ =	shalt  }
0x75: {  	_ =	shalt  }
0x76: {  	_ =	shalt  }
0x77: {  	_ =	shalt  }
0x78: {  	_ =	shalt  }
0x79: {  	_ =	shalt  }
0x7a: {  	_ =	shalt  }
0x7b: {  	_ =	shalt  }
0x7c: {  	_ =	shalt  }
0x7d: {  	_ =	shalt  }
0x7e: {  	_ =	shalt  }
0x7f: {  	_ =	shalt  }
0x80: {  	_ =	shalt  }
0x81: {  	_ =	shalt  }
0x82: {  	_ =	shalt  }
0x83: {  	_ =	shalt  }
0x84: {  	_ =	shalt  }
0x85: {  	_ =	shalt  }
0x86: {  	_ =	shalt  }
0x87: {  	_ =	shalt  }
.Lfunc_end0:
.L_simem_size_0:
called_computation.1_lowered:
.L_overlay_start_0:
0x88: {  	s2 =	sld [smem:$0x3FD9]  }
0x89: {  	s3 =	sld [smem:$0x3FFE];
	_ =	sdelay $0x1  }
0x8a: {  	s1 =	srdreg.scid  }
0x8b: {  	s0 =	sand.u32 $0x1, s1  }
0x8c: {  	s14 =	sshll.u32 s0, $0xA;
	s2 =	sadd.s32 s3, s2  }
0x8d: {  	s2 =	sadd.s32 s2, s14  }
0x8e: {  	[smem:$0x3FC2] =	sst s2  }
0x8f: {  	_ = 	snop  }
0x90: {  	s2 =	sld [smem:$0x3FD0];
	_ =	sdelay $0x2  }
0x91: {  	s15 =	simm.s32 $0xA;
	s4 =	simm.s32 $0x10  }
0x92: {  	[smem:s4], [sflag:s15] =	dma.local [hbm:s2], $0x1  }
0x93: {  	_ =	swait.eq [sflag:s15], $0x1  }
0x94: {  	[sflag:s15] =	ssyncset.done $0x0  }
0x95: {  	[sflag:s15] =	ssyncadd.s32 $0xFFFFFFFF  }
0x96: {  	s16 =	sld [smem:$0x10];
	(tm) =	ssettm $0x1  }
0x97: {  	s17 =	sld [smem:$0x3FFB];
	_ =	sdelay $0x3  }
0x98: {  	_ =	strace s17  }
0x99: {  	s3 =	sld [smem:$0x3FFC];
	_ =	sdelay $0x3  }
0x9a: {  	_ =	strace s3  }
0x9b: {  	s3 =	sld [smem:$0x3FFD];
	_ =	sdelay $0x3  }
0x9c: {  	_ =	strace s3  }
0x9d: {  	_ =	strace $0x8FFFFFFF  }
0x9e: {  	s18 =	sld [smem:$0x3FDB];
	_ =	sdelay $0x1  }
0x9f: {  	s19 =	simm.s32 $_scs_section_size  }
0xa0: {  	s5 =	simm.s32 $_size__tile_overlayer_lowered;
	s6 =	simm.s32 $_tile_overlayer_lowered  }
0xa1: {  	s22 =	simm.s32 $0x1BFF;
	s21 =	sshll.u32 s6, $0x1;
	s3 =	sadd.s32 s19, s18  }
0xa2: {  	s7 =	simm.s32 $0x0;
	s20 =	sshll.u32 s5, $0x1;
	s5 =	sadd.s32 s21, s3  }
0xa3: {  	[timem:s7], [sflag:s22] =	dma.local [hbm:s5], s20  }
0xa4: {  	_ =	swait.ge [sflag:s22], s20  }
0xa5: {  	s4 =	ssub.s32 $0x0, s20;
	[sflag:s22] =	ssyncset.done $0x0  }
0xa6: {  	[sflag:s22] =	ssyncadd.s32 s4;
	_ =	sdelay $0x1  }
0xa7: {  	s23 =	simm.s32 $0x1B8B  }
0xa8: {  	_ =	swait.ge [sflag:s23], $0x1  }
0xa9: {  	[sflag:s23] =	ssyncset.done $0x0  }
0xaa: {  	s25 =	simm.s32 $0x1B8E;
	s24 =	sld [smem:$0x3FFE];
	[sflag:s23] =	ssyncadd.s32 $0xFFFFFFFF  }
0xab: {  	s26 =	simm.s32 $execute0_lowered;
	[smem:$0x3FD2] =	sst s25  }
0xac: {  	s5 =	sshll.u32 s26, $0x1;
	_ =	strace $0x80000049;
	[dreg:$0x1] =	wrdreg $0xFFFFFFFF  }
0xad: {  	s28 =	simm.s32 $_size_execute0_lowered;
	s3 =	sadd.s32 s3, s5;
	[dreg:$0x0] =	wrdreg $0x0  }
0xae: {  	s5 =	sshll.u32 s28, $0x1;
	[dreg:$0x2] =	wrdreg s3  }
0xaf: {  	[dreg:$0x3] =	wrdreg s5  }
0xb0: {  	[dreg:$0x4] =	wrdreg $0xC0  }
0xb1: {  	_ =	task [dreg:s7], $0x5FFFF  }
0xb2: {  	[dreg:$0x1] =	wrdreg $0xFFFFFFFF  }
0xb3: {  	[dreg:$0x0] =	wrdreg $0x60  }
0xb4: {  	[dreg:$0x2] =	wrdreg s24  }
0xb5: {  	[dreg:$0x3] =	wrdreg s16  }
0xb6: {  	[dreg:$0x4] =	wrdreg $0x9  }
0xb7: {  	_ =	task.clear_ibuf [dreg:s7], $0x5FFFF;
	_ =	strace $0x90000049  }
0xb8: {  	s29 =	simm.s32 $0x9;
	_ =	strace $0x8000004B  }
0xb9: {  	_ =	swait.ge [sflag:s29], $0x1  }
0xba: {  	[sflag:s29] =	ssyncadd.s32 $0xFFFFFFFF  }
0xbb: {  	_ =	strace $0x9000004B  }
0xbc: {  	_ =	sfence  }
0xbd: {  	s30 =	sld [smem:$0x0];
	_ =	sdelay $0x2  }
0xbe: {  	s31 =	sshll.u32 s1, $0xD;
	s1 =	sshrl.u32 s1, $0x2  }
0xbf: {  	s3 =	sand.u32 $0x4000, s31;
	s1 =	sadd.s32 s1, s30  }
0xc0: {  	s0 =	sor.u32 s3, s0;
	s1 =	sshll.u32 s1, $0x11  }
0xc1: {  	s0 =	sor.u32 s1, s0  }
0xc2: {  	s0 =	sadd.s32 $0x8F2B, s0  }
0xc3: {  	[sflag:s0] =	ssyncadd.remote.s32 $0x1  }
0xc4: {  	_ =	sfence.sel $0xFFFF  }
0xc5: {  	[dreg:$0x0] =	wrdreg $0xFFFFFFFF;
	(pc) =	sbr.abs _section_cstart, $3  }
0xc6: {  	[dreg:$0x1] =	wrdreg $0xFFFFFFFF  }
0xc7: {  	_ =	task.clear_ibuf [dreg:s7], $0x2FFFF;
	_ =	strace $0x9FFFFFFF  }
0xc8: {  	(tm) =	ssettm $0x7FFFFFFF  }
0xc9: {  	_ =	shalt  }
tec
execute0_lowered:
.L_overlay_start_1:
0x0: {  	(tag) =	ssettag $0x1  }
0x1: {  	s0 =	rddreg [dreg:$0x0]  }
0x2: {  	s2 =	rddreg [dreg:$0x1]  }
0x3: {  	s1 =	simm.s32 $0x0;
	s3 =	srdreg.scid;
	s4 =	stileid.u32  }
0x4: {  	s13 =	simm.s32 $0x3;
	s15 =	simm.s32 $0x100;
	s28 =	simm.s32 $0x6100  }
0x5: {  	s29 =	simm.s32 $0x6900;
	s30 =	simm.s32 $0x7100;
	s31 =	simm.s32 $0x7900  }
0x6: {  	s14 =	simm.s32 $0x9100;
	s16 =	simm.s32 $0x9900;
	s17 =	simm.s32 $0xA100  }
0x7: {  	s18 =	simm.s32 $0xA900;
	s19 =	simm.s32 $0xB100;
	s20 =	simm.s32 $0xB900  }
0x8: {  	s21 =	simm.s32 $0x1;
	s22 =	simm.s32 $0x2;
	[smem:$0x7FF] =	sst s1  }
0x9: {  	s5 =	sadd.s32 $0x10C00, s0;
	s3 =	sand.u32 $0x1, s3;
	s4 =	sshll.u32 s4, $0x4  }
0xa: {  	_ =	strace $0x8000004A;
	s6 =	ssub.s32 $0x2, s3;
	s7 =	sshll.u32 s3, $0x3  }
0xb: {  	s3 =	sadd.s32 $0xA0E00, s0;
	s8 =	sshrl.u32 s6, $0x1;
	s7 =	sor.u32 s7, s4  }
0xc: {  	s4 =	sadd.s32 s5, s7;
	s9 =	smul.u32 $0x300, s7;
	s10 =	sor.u32 $0x4, s7  }
0xd: {  	s12 =	ssub.s32 s6, s8;
	s6 =	sadd.s32 $0xA0F00, s0;
	s7 =	sadd.s32 $0xA1000, s0  }
0xe: {  	s0 =	simm.s32 $0x8100;
	s25 =	sadd.s32 $0x100, s4;
	s11 =	smul.u32 $0x300, s10  }
0xf: {  	v2 =	vlaneseq.u32;
	s12 =	smax.u32 s12, $0x1;
	[dreg:$0x3] =	wrdreg s25;
	s26 =	sadd.s32 s2, s9  }
0x10: {  	vm0 =	vmmov $0xffff;
	v1 =	vshrl.u32 v2, $0x3;
	s9 =	sadd.s32 s5, s10;
	s10 =	sadd.s32 $0x104, s4;
	s5 =	simm.s32 $0x0  }
0x11: {  	v0 =	vand.u32 $0x7, v2;
	v2 =	vor.u32 $0x8, v2;
	v1 =	vmul.u32 $0x8, v1;
	[dreg:$0x4] =	wrdreg s26;
	s11 =	sadd.s32 s2, s11;
	s2 =	simm.s32 $0x8900  }
.LBB2_1:
0x12: {  	[tilespmem:s1], [sflag:$0x3] =	stream.linear.gather [hbm4b:s4+s1], $0x20, $0x38;
	[tilespmem:$0xC100] =	vst v63  }
0x13: {  	_ =	swait.ge [sflag:s13], $0x20  }
0x14: {  	[sflag:s13] =	ssyncset.done $0x0  }
0x15: {  	s23 =	simm.s32 $0x80;
	s8 =	rddreg [dreg:$0x3];
	[sflag:s13] =	ssyncadd.s32 $0xFFFFFFE0  }
0x16: {  	[tilespmem:s23], [sflag:$0x3] =	stream.linear.gather [hbm4b:s8+s1], $0x20, $0x38;
	[tilespmem:$0xC100] =	vst v63  }
0x17: {  	_ =	swait.ge [sflag:s13], $0x20  }
0x18: {  	[sflag:s13] =	ssyncset.done $0x0  }
0x19: {  	[sflag:s13] =	ssyncadd.s32 $0xFFFFFFE0  }
0x1a: {  	v3 =	vld [tilespmem:$0x0];
	_ =	sdelay $0x4  }
0x1b: {  	v4 =	vshrl.u32 v3, $0x3  }
0x1c: {  	v4 =	vmul.u32 $0x30, v4  }
0x1d: {  	v3 =	vand.u32 $0x7, v3  }
0x1e: {  	v3 =	vor.u32 v3, v4  }
0x1f: {  	v4 =	vperm.xlane v3, v0;
	_ =	sdelay $0x1  }
0x20: {  	v4 =	vadd.s32 v1, v4;
	_ =	sdelay $0x3  }
0x21: {  	v3 =	vperm.xlane v3, v2  }
0x22: {  	[tilespmem:s15], [sflag:$0x1] =	stream.indirect_vreg.gather [hbm4b:s3+s1], $0x80, v4, vm0, $0xb8;
	[tilespmem:$0xC100] =	vst v63  }
0x23: {  	s23 =	simm.s32 $0x900;
	v3 =	vadd.s32 v1, v3  }
0x24: {  	[tilespmem:s23], [sflag:$0x1] =	stream.indirect_vreg.gather [hbm4b:s6+s1], $0x80, v4, vm0, $0xb8;
	[tilespmem:$0xC100] =	vst v63  }
0x25: {  	s24 =	simm.s32 $0x1100  }
0x26: {  	[tilespmem:s24], [sflag:$0x1] =	stream.indirect_vreg.gather [hbm4b:s7+s1], $0x80, v4, vm0, $0xb8;
	[tilespmem:$0xC100] =	vst v63  }
0x27: {  	s25 =	simm.s32 $0x1900  }
0x28: {  	[tilespmem:s25], [sflag:$0x1] =	stream.indirect_vreg.gather [hbm4b:s3+s1], $0x80, v3, vm0, $0xb8;
	[tilespmem:$0xC100] =	vst v63  }
0x29: {  	s26 =	simm.s32 $0x2100  }
0x2a: {  	[tilespmem:s26], [sflag:$0x1] =	stream.indirect_vreg.gather [hbm4b:s6+s1], $0x80, v3, vm0, $0xb8;
	[tilespmem:$0xC100] =	vst v63  }
0x2b: {  	s23 =	simm.s32 $0x2900  }
0x2c: {  	[tilespmem:s23], [sflag:$0x1] =	stream.indirect_vreg.gather [hbm4b:s7+s1], $0x80, v3, vm0, $0xb8;
	[tilespmem:$0xC100] =	vst v63  }
0x2d: {  	v3 =	vld [tilespmem:$0x10];
	_ =	sdelay $0x4  }
0x2e: {  	v4 =	vshrl.u32 v3, $0x3  }
0x2f: {  	v4 =	vmul.u32 $0x30, v4  }
0x30: {  	v3 =	vand.u32 $0x7, v3  }
0x31: {  	v3 =	vor.u32 v3, v4  }
0x32: {  	v4 =	vperm.xlane v3, v0;
	_ =	sdelay $0x1  }
0x33: {  	v4 =	vadd.s32 v1, v4;
	_ =	sdelay $0x3  }
0x34: {  	s24 =	simm.s32 $0x3100;
	v3 =	vperm.xlane v3, v2  }
0x35: {  	[tilespmem:s24], [sflag:$0x1] =	stream.indirect_vreg.gather [hbm4b:s3+s1], $0x80, v4, vm0, $0xb8;
	[tilespmem:$0xC100] =	vst v63  }
0x36: {  	s25 =	simm.s32 $0x3900;
	v3 =	vadd.s32 v1, v3  }
0x37: {  	[tilespmem:s25], [sflag:$0x1] =	stream.indirect_vreg.gather [hbm4b:s6+s1], $0x80, v4, vm0, $0xb8;
	[tilespmem:$0xC100] =	vst v63  }
0x38: {  	s26 =	simm.s32 $0x4100  }
0x39: {  	[tilespmem:s26], [sflag:$0x1] =	stream.indirect_vreg.gather [hbm4b:s7+s1], $0x80, v4, vm0, $0xb8;
	[tilespmem:$0xC100] =	vst v63  }
0x3a: {  	s23 =	simm.s32 $0x4900  }
0x3b: {  	[tilespmem:s23], [sflag:$0x1] =	stream.indirect_vreg.gather [hbm4b:s3+s1], $0x80, v3, vm0, $0xb8;
	[tilespmem:$0xC100] =	vst v63  }
0x3c: {  	s24 =	simm.s32 $0x5100  }
0x3d: {  	[tilespmem:s24], [sflag:$0x1] =	stream.indirect_vreg.gather [hbm4b:s6+s1], $0x80, v3, vm0, $0xb8;
	[tilespmem:$0xC100] =	vst v63  }
0x3e: {  	s25 =	simm.s32 $0x5900  }
0x3f: {  	[tilespmem:s25], [sflag:$0x1] =	stream.indirect_vreg.gather [hbm4b:s7+s1], $0x80, v3, vm0, $0xb8;
	[tilespmem:$0xC100] =	vst v63  }
0x40: {  	v3 =	vld [tilespmem:$0x80];
	_ =	sdelay $0x4  }
0x41: {  	v4 =	vshrl.u32 v3, $0x3  }
0x42: {  	v4 =	vmul.u32 $0x30, v4  }
0x43: {  	v3 =	vand.u32 $0x7, v3  }
0x44: {  	v3 =	vor.u32 v3, v4  }
0x45: {  	v4 =	vperm.xlane v3, v0;
	_ =	sdelay $0x1  }
0x46: {  	v4 =	vadd.s32 v1, v4;
	_ =	sdelay $0x3  }
0x47: {  	v3 =	vperm.xlane v3, v2  }
0x48: {  	[tilespmem:s28], [sflag:$0x2] =	stream.indirect_vreg.gather [hbm4b:s3+s1], $0x80, v4, vm0, $0xb8;
	[tilespmem:$0xC100] =	vst v63  }
0x49: {  	v3 =	vadd.s32 v1, v3  }
0x4a: {  	[tilespmem:s29], [sflag:$0x2] =	stream.indirect_vreg.gather [hbm4b:s6+s1], $0x80, v4, vm0, $0xb8;
	[tilespmem:$0xC100] =	vst v63  }
0x4b: {  	_ = 	snop  }
0x4c: {  	[tilespmem:s30], [sflag:$0x2] =	stream.indirect_vreg.gather [hbm4b:s7+s1], $0x80, v4, vm0, $0xb8;
	[tilespmem:$0xC100] =	vst v63  }
0x4d: {  	_ = 	snop  }
0x4e: {  	[tilespmem:s31], [sflag:$0x2] =	stream.indirect_vreg.gather [hbm4b:s3+s1], $0x80, v3, vm0, $0xb8;
	[tilespmem:$0xC100] =	vst v63  }
0x4f: {  	_ = 	snop  }
0x50: {  	[tilespmem:s0], [sflag:$0x2] =	stream.indirect_vreg.gather [hbm4b:s6+s1], $0x80, v3, vm0, $0xb8;
	[tilespmem:$0xC100] =	vst v63  }
0x51: {  	_ = 	snop  }
0x52: {  	[tilespmem:s2], [sflag:$0x2] =	stream.indirect_vreg.gather [hbm4b:s7+s1], $0x80, v3, vm0, $0xb8;
	[tilespmem:$0xC100] =	vst v63  }
0x53: {  	v3 =	vld [tilespmem:$0x90];
	_ =	sdelay $0x4  }
0x54: {  	v4 =	vshrl.u32 v3, $0x3  }
0x55: {  	v4 =	vmul.u32 $0x30, v4  }
0x56: {  	v3 =	vand.u32 $0x7, v3  }
0x57: {  	v3 =	vor.u32 v3, v4  }
0x58: {  	v4 =	vperm.xlane v3, v0;
	_ =	sdelay $0x1  }
0x59: {  	v4 =	vadd.s32 v1, v4;
	_ =	sdelay $0x3  }
0x5a: {  	v3 =	vperm.xlane v3, v2  }
0x5b: {  	[tilespmem:s14], [sflag:$0x2] =	stream.indirect_vreg.gather [hbm4b:s3+s1], $0x80, v4, vm0, $0xb8;
	[tilespmem:$0xC100] =	vst v63  }
0x5c: {  	v3 =	vadd.s32 v1, v3  }
0x5d: {  	[tilespmem:s16], [sflag:$0x2] =	stream.indirect_vreg.gather [hbm4b:s6+s1], $0x80, v4, vm0, $0xb8;
	[tilespmem:$0xC100] =	vst v63  }
0x5e: {  	_ = 	snop  }
0x5f: {  	[tilespmem:s17], [sflag:$0x2] =	stream.indirect_vreg.gather [hbm4b:s7+s1], $0x80, v4, vm0, $0xb8;
	[tilespmem:$0xC100] =	vst v63  }
0x60: {  	_ = 	snop  }
0x61: {  	[tilespmem:s18], [sflag:$0x2] =	stream.indirect_vreg.gather [hbm4b:s3+s1], $0x80, v3, vm0, $0xb8;
	[tilespmem:$0xC100] =	vst v63  }
0x62: {  	_ = 	snop  }
0x63: {  	[tilespmem:s19], [sflag:$0x2] =	stream.indirect_vreg.gather [hbm4b:s6+s1], $0x80, v3, vm0, $0xb8;
	[tilespmem:$0xC100] =	vst v63  }
0x64: {  	_ = 	snop  }
0x65: {  	[tilespmem:s20], [sflag:$0x2] =	stream.indirect_vreg.gather [hbm4b:s7+s1], $0x80, v3, vm0, $0xb8;
	[tilespmem:$0xC100] =	vst v63  }
0x66: {  	_ =	swait.ge [sflag:s21], $0x6000  }
0x67: {  	[sflag:s21] =	ssyncset.done $0x0  }
0x68: {  	s26 =	simm.s32 $0x0;
	[sflag:s21] =	ssyncadd.s32 $0xFFFFA000  }
0x69: {  	s23 =	smul.u32 $0x1800, s26;
	_ =	swait.ge [sflag:s22], $0x6000  }
0x6a: {  	s24 =	sand.u32 $0x380, s1;
	[sflag:s22] =	ssyncset.done $0x0  }
0x6b: {  	s23 =	sor.u32 s24, s23;
	[sflag:s22] =	ssyncadd.s32 $0xFFFFA000  }
0x6c: {  	v12 =	vld [tilespmem:s23+$0x6100]  }
0x6d: {  	v13 =	vld [tilespmem:s23+$0x6110]  }
0x6e: {  	v14 =	vld [tilespmem:s23+$0x6120]  }
0x6f: {  	v15 =	vld [tilespmem:s23+$0x6130]  }
0x70: {  	v16 =	vld [tilespmem:s23+$0x6140]  }
0x71: {  	v17 =	vld [tilespmem:s23+$0x6150]  }
0x72: {  	v18 =	vld [tilespmem:s23+$0x6160]  }
0x73: {  	v19 =	vld [tilespmem:s23+$0x6170]  }
0x74: {  	v20 =	vld [tilespmem:s23+$0x6500]  }
0x75: {  	v21 =	vld [tilespmem:s23+$0x6510]  }
0x76: {  	v22 =	vld [tilespmem:s23+$0x6520]  }
0x77: {  	v23 =	vld [tilespmem:s23+$0x6530]  }
0x78: {  	v24 =	vld [tilespmem:s23+$0x6540]  }
0x79: {  	v25 =	vld [tilespmem:s23+$0x6550]  }
0x7a: {  	v26 =	vld [tilespmem:s23+$0x6560]  }
0x7b: {  	v27 =	vld [tilespmem:s23+$0x6570]  }
0x7c: {  	v28 =	vld [tilespmem:s23+$0x6900]  }
0x7d: {  	v29 =	vld [tilespmem:s23+$0x6910]  }
0x7e: {  	v30 =	vld [tilespmem:s23+$0x6920]  }
0x7f: {  	v31 =	vld [tilespmem:s23+$0x6930]  }
0x80: {  	v32 =	vld [tilespmem:s23+$0x6940]  }
0x81: {  	v33 =	vld [tilespmem:s23+$0x6950]  }
0x82: {  	v34 =	vld [tilespmem:s23+$0x6960]  }
0x83: {  	v35 =	vld [tilespmem:s23+$0x6970]  }
0x84: {  	v36 =	vld [tilespmem:s23+$0x6D00]  }
0x85: {  	v37 =	vld [tilespmem:s23+$0x6D10]  }
0x86: {  	v38 =	vld [tilespmem:s23+$0x6D20]  }
0x87: {  	v39 =	vld [tilespmem:s23+$0x6D30]  }
0x88: {  	v40 =	vld [tilespmem:s23+$0x6D40]  }
0x89: {  	v41 =	vld [tilespmem:s23+$0x6D50]  }
0x8a: {  	v42 =	vld [tilespmem:s23+$0x6D60]  }
0x8b: {  	v43 =	vld [tilespmem:s23+$0x6D70]  }
0x8c: {  	v44 =	vld [tilespmem:s23+$0x7100]  }
0x8d: {  	v45 =	vld [tilespmem:s23+$0x7110]  }
0x8e: {  	v46 =	vld [tilespmem:s23+$0x7120]  }
0x8f: {  	v47 =	vld [tilespmem:s23+$0x7130]  }
0x90: {  	v48 =	vld [tilespmem:s23+$0x7140]  }
0x91: {  	v49 =	vld [tilespmem:s23+$0x7150]  }
0x92: {  	v50 =	vld [tilespmem:s23+$0x7160]  }
0x93: {  	v11 =	vld [tilespmem:s23+$0x7170]  }
0x94: {  	v10 =	vld [tilespmem:s23+$0x7500]  }
0x95: {  	v9 =	vld [tilespmem:s23+$0x7510]  }
0x96: {  	v8 =	vld [tilespmem:s23+$0x7520]  }
0x97: {  	v7 =	vld [tilespmem:s23+$0x7530]  }
0x98: {  	v6 =	vld [tilespmem:s23+$0x7540]  }
0x99: {  	v51 =	vld [tilespmem:s23+$0x100]  }
0x9a: {  	v52 =	vld [tilespmem:s23+$0x110]  }
0x9b: {  	v53 =	vld [tilespmem:s23+$0x120]  }
0x9c: {  	v54 =	vld [tilespmem:s23+$0x130]  }
0x9d: {  	v55 =	vld [tilespmem:s23+$0x140]  }
0x9e: {  	v62 =	vld [tilespmem:s23+$0x150];
	v12 =	vadd.f32 v12, v51  }
0x9f: {  	v63 =	vld [tilespmem:s23+$0x160];
	v13 =	vadd.f32 v13, v52  }
0xa0: {  	[tilespmem:s23+$0x100] =	vst v12;
	v12 =	vadd.f32 v14, v53;
	v14 =	vld [tilespmem:s23+$0x170]  }
0xa1: {  	[tilespmem:s23+$0x110] =	vst v13;
	v13 =	vadd.f32 v15, v54;
	v15 =	vld [tilespmem:s23+$0x500]  }
0xa2: {  	[tilespmem:s23+$0x120] =	vst v12;
	v12 =	vadd.f32 v16, v55;
	v16 =	vld [tilespmem:s23+$0x510]  }
0xa3: {  	[tilespmem:s23+$0x130] =	vst v13;
	v13 =	vadd.f32 v17, v62;
	v17 =	vld [tilespmem:s23+$0x520]  }
0xa4: {  	v5 =	vld [tilespmem:s23+$0x7550]  }
0xa5: {  	[tilespmem:s23+$0x140] =	vst v12;
	v12 =	vadd.f32 v18, v63;
	v18 =	vld [tilespmem:s23+$0x570]  }
0xa6: {  	[tilespmem:s23+$0x150] =	vst v13;
	v13 =	vadd.f32 v19, v14;
	v14 =	vld [tilespmem:s23+$0x530]  }
0xa7: {  	[tilespmem:s23+$0x160] =	vst v12;
	v12 =	vadd.f32 v20, v15;
	v15 =	vld [tilespmem:s23+$0x540]  }
0xa8: {  	[tilespmem:s23+$0x170] =	vst v13;
	v13 =	vadd.f32 v21, v16;
	v16 =	vadd.f32 v22, v17;
	v17 =	vld [tilespmem:s23+$0x560]  }
0xa9: {  	[tilespmem:s23+$0x500] =	vst v12;
	v12 =	vld [tilespmem:s23+$0x550]  }
0xaa: {  	[tilespmem:s23+$0x510] =	vst v13;
	v13 =	vld [tilespmem:s23+$0x900];
	v18 =	vadd.f32 v27, v18  }
0xab: {  	[tilespmem:s23+$0x520] =	vst v16;
	v16 =	vld [tilespmem:s23+$0x910];
	v14 =	vadd.f32 v23, v14  }
0xac: {  	v4 =	vld [tilespmem:s23+$0x7560];
	v15 =	vadd.f32 v24, v15;
	[tilespmem:s23+$0x570] =	vst v18  }
0xad: {  	[tilespmem:s23+$0x530] =	vst v14;
	v14 =	vld [tilespmem:s23+$0x920];
	v17 =	vadd.f32 v26, v17  }
0xae: {  	v12 =	vadd.f32 v25, v12;
	[tilespmem:s23+$0x540] =	vst v15;
	v15 =	vld [tilespmem:s23+$0x930]  }
0xaf: {  	v18 =	vld [tilespmem:s23+$0x970];
	[tilespmem:s23+$0x560] =	vst v17;
	v13 =	vadd.f32 v28, v13  }
0xb0: {  	v16 =	vadd.f32 v29, v16;
	[tilespmem:s23+$0x550] =	vst v12;
	v12 =	vld [tilespmem:s23+$0x940]  }
0xb1: {  	v17 =	vld [tilespmem:s23+$0x950];
	[tilespmem:s23+$0x900] =	vst v13  }
0xb2: {  	[tilespmem:s23+$0x910] =	vst v16;
	v16 =	vld [tilespmem:s23+$0x960];
	v13 =	vadd.f32 v30, v14  }
0xb3: {  	v14 =	vld [tilespmem:s23+$0xD00];
	v15 =	vadd.f32 v31, v15  }
0xb4: {  	[tilespmem:s23+$0x920] =	vst v13;
	v13 =	vld [tilespmem:s23+$0xD10]  }
0xb5: {  	v12 =	vadd.f32 v32, v12;
	[tilespmem:s23+$0x930] =	vst v15;
	v15 =	vld [tilespmem:s23+$0xD20]  }
0xb6: {  	v3 =	vld [tilespmem:s23+$0x7570];
	v17 =	vadd.f32 v33, v17  }
0xb7: {  	v16 =	vadd.f32 v34, v16;
	[tilespmem:s23+$0x940] =	vst v12;
	v12 =	vld [tilespmem:s23+$0xD30]  }
0xb8: {  	[tilespmem:s23+$0x950] =	vst v17;
	v17 =	vld [tilespmem:s23+$0xD40];
	v14 =	vadd.f32 v36, v14  }
0xb9: {  	v18 =	vadd.f32 v35, v18;
	[tilespmem:s23+$0x960] =	vst v16;
	v16 =	vld [tilespmem:s23+$0xD50]  }
0xba: {  	v13 =	vadd.f32 v37, v13;
	[tilespmem:s23+$0xD00] =	vst v14;
	v14 =	vadd.f32 v38, v15;
	v15 =	vld [tilespmem:s23+$0xD60]  }
0xbb: {  	[tilespmem:s23+$0x970] =	vst v18;
	v18 =	vld [tilespmem:s23+$0xD70]  }
0xbc: {  	[tilespmem:s23+$0xD10] =	vst v13;
	v13 =	vld [tilespmem:s23+$0x1100];
	v12 =	vadd.f32 v39, v12  }
0xbd: {  	v17 =	vadd.f32 v40, v17;
	[tilespmem:s23+$0xD20] =	vst v14;
	v14 =	vld [tilespmem:s23+$0x1110]  }
0xbe: {  	v16 =	vadd.f32 v41, v16;
	[tilespmem:s23+$0xD30] =	vst v12;
	v12 =	vld [tilespmem:s23+$0x1120]  }
0xbf: {  	[tilespmem:s23+$0xD40] =	vst v17;
	v17 =	vld [tilespmem:s23+$0x1130];
	v15 =	vadd.f32 v42, v15  }
0xc0: {  	v19 =	vld [tilespmem:s23+$0x1140];
	[tilespmem:s23+$0xD50] =	vst v16;
	v16 =	vadd.f32 v43, v18  }
0xc1: {  	v18 =	vld [tilespmem:s23+$0x1150];
	v13 =	vadd.f32 v44, v13;
	[tilespmem:s23+$0xD60] =	vst v15  }
0xc2: {  	v20 =	vld [tilespmem:s23+$0x1160];
	[tilespmem:s23+$0xD70] =	vst v16;
	v14 =	vadd.f32 v45, v14  }
0xc3: {  	v16 =	vld [tilespmem:s23+$0x1170];
	[tilespmem:s23+$0x1100] =	vst v13;
	v12 =	vadd.f32 v46, v12  }
0xc4: {  	v15 =	vld [tilespmem:s23+$0x1500];
	v13 =	vadd.f32 v47, v17;
	[tilespmem:s23+$0x1110] =	vst v14  }
0xc5: {  	v14 =	vld [tilespmem:s23+$0x1510];
	[tilespmem:s23+$0x1120] =	vst v12;
	v12 =	vadd.f32 v48, v19  }
0xc6: {  	[tilespmem:s23+$0x1130] =	vst v13;
	v13 =	vld [tilespmem:s23+$0x1520];
	v18 =	vadd.f32 v49, v18  }
0xc7: {  	s24 =	simm.s32 $0x1;
	s25 =	simm.s32 $0x0;
	v17 =	vadd.f32 v50, v20;
	[tilespmem:s23+$0x1140] =	vst v12;
	v12 =	vld [tilespmem:s23+$0x1530]  }
.LBB2_2:
0xc8: {  	s26 =	sshrl.u32 s24, $0x3;
	p0 =	sne.s32 s24, $0x1F;
	[tilespmem:s23+$0x1150] =	vst v18;
	v11 =	vadd.f32 v11, v16;
	v16 =	vld [tilespmem:s23+$0x1540]  }
0xc9: {  	s25 =	sadd.s32 $0x80, s25;
	s26 =	smul.u32 $0x1800, s26;
	[tilespmem:s23+$0x1160] =	vst v17;
	v10 =	vadd.f32 v10, v15;
	v15 =	vld [tilespmem:s23+$0x1550]  }
0xca: {  	s8 =	sand.u32 $0x380, s25;
	[tilespmem:s23+$0x1170] =	vst v11;
	v9 =	vadd.f32 v9, v14;
	v11 =	vld [tilespmem:s23+$0x1560]  }
0xcb: {  	s8 =	sor.u32 s8, s26;
	[tilespmem:s23+$0x1500] =	vst v10;
	v8 =	vadd.f32 v8, v13;
	v10 =	vld [tilespmem:s23+$0x1570]  }
0xcc: {  	v39 =	vld [tilespmem:s8+$0x6100];
	[tilespmem:s23+$0x1510] =	vst v9;
	v7 =	vadd.f32 v7, v12  }
0xcd: {  	v40 =	vld [tilespmem:s8+$0x6110];
	[tilespmem:s23+$0x1520] =	vst v8;
	v6 =	vadd.f32 v6, v16  }
0xce: {  	v41 =	vld [tilespmem:s8+$0x6120];
	[tilespmem:s23+$0x1530] =	vst v7;
	v5 =	vadd.f32 v5, v15  }
0xcf: {  	v42 =	vld [tilespmem:s8+$0x6130];
	[tilespmem:s23+$0x1540] =	vst v6;
	v4 =	vadd.f32 v4, v11  }
0xd0: {  	v43 =	vld [tilespmem:s8+$0x6140];
	[tilespmem:s23+$0x1550] =	vst v5;
	v3 =	vadd.f32 v3, v10  }
0xd1: {  	v44 =	vld [tilespmem:s8+$0x6150];
	[tilespmem:s23+$0x1560] =	vst v4  }
0xd2: {  	v45 =	vld [tilespmem:s8+$0x6160];
	[tilespmem:s23+$0x1570] =	vst v3;
	s23 =	smov.u32 s8  }
0xd3: {  	v46 =	vld [tilespmem:s23+$0x6170]  }
0xd4: {  	v47 =	vld [tilespmem:s23+$0x6500]  }
0xd5: {  	v48 =	vld [tilespmem:s23+$0x6510]  }
0xd6: {  	v49 =	vld [tilespmem:s23+$0x6520]  }
0xd7: {  	v50 =	vld [tilespmem:s23+$0x6530]  }
0xd8: {  	v38 =	vld [tilespmem:s23+$0x6540]  }
0xd9: {  	v37 =	vld [tilespmem:s23+$0x6550]  }
0xda: {  	v36 =	vld [tilespmem:s23+$0x6560]  }
0xdb: {  	v35 =	vld [tilespmem:s23+$0x6570]  }
0xdc: {  	v34 =	vld [tilespmem:s23+$0x6900]  }
0xdd: {  	v33 =	vld [tilespmem:s23+$0x6910]  }
0xde: {  	v32 =	vld [tilespmem:s23+$0x6920]  }
0xdf: {  	v31 =	vld [tilespmem:s23+$0x6930]  }
0xe0: {  	v30 =	vld [tilespmem:s23+$0x6940]  }
0xe1: {  	v29 =	vld [tilespmem:s23+$0x6950]  }
0xe2: {  	v28 =	vld [tilespmem:s23+$0x6960]  }
0xe3: {  	v27 =	vld [tilespmem:s23+$0x6970]  }
0xe4: {  	v26 =	vld [tilespmem:s23+$0x6D00]  }
0xe5: {  	v25 =	vld [tilespmem:s23+$0x6D10]  }
0xe6: {  	v24 =	vld [tilespmem:s23+$0x6D20]  }
0xe7: {  	v23 =	vld [tilespmem:s23+$0x6D30]  }
0xe8: {  	v22 =	vld [tilespmem:s23+$0x6D40]  }
0xe9: {  	v21 =	vld [tilespmem:s23+$0x6D50]  }
0xea: {  	v20 =	vld [tilespmem:s23+$0x6D60]  }
0xeb: {  	v19 =	vld [tilespmem:s23+$0x6D70]  }
0xec: {  	v18 =	vld [tilespmem:s23+$0x7100]  }
0xed: {  	v17 =	vld [tilespmem:s23+$0x7110]  }
0xee: {  	v16 =	vld [tilespmem:s23+$0x7120]  }
0xef: {  	v15 =	vld [tilespmem:s23+$0x7130]  }
0xf0: {  	v14 =	vld [tilespmem:s23+$0x7140]  }
0xf1: {  	v13 =	vld [tilespmem:s23+$0x7150]  }
0xf2: {  	v12 =	vld [tilespmem:s23+$0x7160]  }
0xf3: {  	v11 =	vld [tilespmem:s23+$0x7170]  }
0xf4: {  	v10 =	vld [tilespmem:s23+$0x7500]  }
0xf5: {  	v9 =	vld [tilespmem:s23+$0x7510]  }
0xf6: {  	v8 =	vld [tilespmem:s23+$0x7520]  }
0xf7: {  	v7 =	vld [tilespmem:s23+$0x7530]  }
0xf8: {  	v6 =	vld [tilespmem:s23+$0x7540]  }
0xf9: {  	v5 =	vld [tilespmem:s23+$0x7550]  }
0xfa: {  	v4 =	vld [tilespmem:s23+$0x7560]  }
0xfb: {  	v3 =	vld [tilespmem:s23+$0x7570]  }
0xfc: {  	v51 =	vld [tilespmem:s23+$0x100]  }
0xfd: {  	v52 =	vld [tilespmem:s23+$0x110]  }
0xfe: {  	v53 =	vld [tilespmem:s23+$0x120]  }
0xff: {  	v54 =	vld [tilespmem:s23+$0x130]  }
0x100: {  	v55 =	vld [tilespmem:s23+$0x140]  }
0x101: {  	v39 =	vadd.f32 v39, v51;
	v51 =	vld [tilespmem:s23+$0x150]  }
0x102: {  	v40 =	vadd.f32 v40, v52;
	v52 =	vld [tilespmem:s23+$0x160]  }
0x103: {  	[tilespmem:s23+$0x100] =	vst v39;
	v39 =	vadd.f32 v41, v53;
	v41 =	vld [tilespmem:s23+$0x170]  }
0x104: {  	[tilespmem:s23+$0x110] =	vst v40;
	v40 =	vadd.f32 v42, v54;
	v42 =	vld [tilespmem:s23+$0x500]  }
0x105: {  	[tilespmem:s23+$0x120] =	vst v39;
	v39 =	vadd.f32 v43, v55;
	v43 =	vld [tilespmem:s23+$0x510]  }
0x106: {  	[tilespmem:s23+$0x130] =	vst v40;
	v40 =	vadd.f32 v44, v51;
	v44 =	vld [tilespmem:s23+$0x520]  }
0x107: {  	[tilespmem:s23+$0x140] =	vst v39;
	v39 =	vadd.f32 v45, v52;
	v45 =	vld [tilespmem:s23+$0x530]  }
0x108: {  	[tilespmem:s23+$0x150] =	vst v40;
	v40 =	vadd.f32 v46, v41;
	v41 =	vld [tilespmem:s23+$0x540]  }
0x109: {  	[tilespmem:s23+$0x160] =	vst v39;
	v39 =	vadd.f32 v47, v42;
	v42 =	vld [tilespmem:s23+$0x550]  }
0x10a: {  	[tilespmem:s23+$0x170] =	vst v40;
	v40 =	vadd.f32 v48, v43;
	v43 =	vld [tilespmem:s23+$0x560]  }
0x10b: {  	[tilespmem:s23+$0x500] =	vst v39;
	v39 =	vadd.f32 v49, v44;
	v44 =	vld [tilespmem:s23+$0x570]  }
0x10c: {  	[tilespmem:s23+$0x510] =	vst v40;
	v40 =	vadd.f32 v50, v45;
	v45 =	vld [tilespmem:s23+$0x900]  }
0x10d: {  	[tilespmem:s23+$0x520] =	vst v39;
	v38 =	vadd.f32 v38, v41;
	v39 =	vld [tilespmem:s23+$0x910]  }
0x10e: {  	[tilespmem:s23+$0x530] =	vst v40;
	v37 =	vadd.f32 v37, v42;
	v40 =	vld [tilespmem:s23+$0x920]  }
0x10f: {  	[tilespmem:s23+$0x540] =	vst v38;
	v36 =	vadd.f32 v36, v43;
	v38 =	vld [tilespmem:s23+$0x930]  }
0x110: {  	[tilespmem:s23+$0x550] =	vst v37;
	v35 =	vadd.f32 v35, v44;
	v37 =	vld [tilespmem:s23+$0x940]  }
0x111: {  	[tilespmem:s23+$0x560] =	vst v36;
	v34 =	vadd.f32 v34, v45;
	v36 =	vld [tilespmem:s23+$0x950]  }
0x112: {  	[tilespmem:s23+$0x570] =	vst v35;
	v33 =	vadd.f32 v33, v39;
	v35 =	vld [tilespmem:s23+$0x960]  }
0x113: {  	[tilespmem:s23+$0x900] =	vst v34;
	v32 =	vadd.f32 v32, v40;
	v34 =	vld [tilespmem:s23+$0x970]  }
0x114: {  	[tilespmem:s23+$0x910] =	vst v33;
	v31 =	vadd.f32 v31, v38;
	v33 =	vld [tilespmem:s23+$0xD00]  }
0x115: {  	[tilespmem:s23+$0x920] =	vst v32;
	v30 =	vadd.f32 v30, v37;
	v32 =	vld [tilespmem:s23+$0xD10]  }
0x116: {  	[tilespmem:s23+$0x930] =	vst v31;
	v29 =	vadd.f32 v29, v36;
	v31 =	vld [tilespmem:s23+$0xD20]  }
0x117: {  	[tilespmem:s23+$0x940] =	vst v30;
	v28 =	vadd.f32 v28, v35;
	v30 =	vld [tilespmem:s23+$0xD30]  }
0x118: {  	[tilespmem:s23+$0x950] =	vst v29;
	v27 =	vadd.f32 v27, v34;
	v29 =	vld [tilespmem:s23+$0xD40]  }
0x119: {  	[tilespmem:s23+$0x960] =	vst v28;
	v26 =	vadd.f32 v26, v33;
	v28 =	vld [tilespmem:s23+$0xD50]  }
0x11a: {  	[tilespmem:s23+$0x970] =	vst v27;
	v25 =	vadd.f32 v25, v32;
	v27 =	vld [tilespmem:s23+$0xD60]  }
0x11b: {  	[tilespmem:s23+$0xD00] =	vst v26;
	v24 =	vadd.f32 v24, v31;
	v26 =	vld [tilespmem:s23+$0xD70]  }
0x11c: {  	[tilespmem:s23+$0xD10] =	vst v25;
	v23 =	vadd.f32 v23, v30;
	v25 =	vld [tilespmem:s23+$0x1100]  }
0x11d: {  	[tilespmem:s23+$0xD20] =	vst v24;
	v22 =	vadd.f32 v22, v29;
	v24 =	vld [tilespmem:s23+$0x1110]  }
0x11e: {  	[tilespmem:s23+$0xD30] =	vst v23;
	v21 =	vadd.f32 v21, v28;
	v23 =	vld [tilespmem:s23+$0x1120]  }
0x11f: {  	[tilespmem:s23+$0xD40] =	vst v22;
	v20 =	vadd.f32 v20, v27;
	v22 =	vld [tilespmem:s23+$0x1130]  }
0x120: {  	[tilespmem:s23+$0xD50] =	vst v21;
	v19 =	vadd.f32 v19, v26;
	v21 =	vld [tilespmem:s23+$0x1140]  }
0x121: {  	[tilespmem:s23+$0xD60] =	vst v20;
	v18 =	vadd.f32 v18, v25;
	v20 =	vld [tilespmem:s23+$0x1150]  }
0x122: {  	[tilespmem:s23+$0xD70] =	vst v19;
	v17 =	vadd.f32 v17, v24;
	v19 =	vld [tilespmem:s23+$0x1160]  }
.Ltmp0:
0x123: {  	[tilespmem:s23+$0x1100] =	vst v18;
	v18 =	vadd.f32 v16, v23;
	v16 =	vld [tilespmem:s23+$0x1170];
	(pc) =	sbr.rel @p0 .LBB2_2-.Ltmp0, $4  }
0x124: {  	[tilespmem:s23+$0x1110] =	vst v17;
	v17 =	vadd.f32 v15, v22;
	v15 =	vld [tilespmem:s23+$0x1500]  }
0x125: {  	[tilespmem:s23+$0x1120] =	vst v18;
	v21 =	vadd.f32 v14, v21;
	v14 =	vld [tilespmem:s23+$0x1510]  }
0x126: {  	[tilespmem:s23+$0x1130] =	vst v17;
	v18 =	vadd.f32 v13, v20;
	v13 =	vld [tilespmem:s23+$0x1520]  }
0x127: {  	s24 =	sadd.s32 $0x1, s24;
	[tilespmem:s23+$0x1140] =	vst v21;
	v17 =	vadd.f32 v12, v19;
	v12 =	vld [tilespmem:s23+$0x1530]  }
0x128: {  	[tilespmem:s23+$0x1150] =	vst v18;
	v18 =	vld [tilespmem:s23+$0x1540];
	v11 =	vadd.f32 v11, v16  }
0x129: {  	v16 =	vld [tilespmem:s23+$0x1550];
	[tilespmem:s23+$0x1160] =	vst v17;
	v10 =	vadd.f32 v10, v15  }
0x12a: {  	[tilespmem:s23+$0x1170] =	vst v11;
	v9 =	vadd.f32 v9, v14;
	v11 =	vld [tilespmem:s23+$0x1560]  }
0x12b: {  	[tilespmem:s23+$0x1500] =	vst v10;
	v8 =	vadd.f32 v8, v13;
	v10 =	vld [tilespmem:s23+$0x1570]  }
0x12c: {  	[tilespmem:s23+$0x1510] =	vst v9;
	v7 =	vadd.f32 v7, v12  }
0x12d: {  	[tilespmem:s23+$0x1520] =	vst v8;
	v6 =	vadd.f32 v6, v18  }
0x12e: {  	v5 =	vadd.f32 v5, v16;
	[tilespmem:s23+$0x1530] =	vst v7  }
0x12f: {  	[tilespmem:s23+$0x1540] =	vst v6;
	v4 =	vadd.f32 v4, v11  }
0x130: {  	[tilespmem:s23+$0x1550] =	vst v5;
	v3 =	vadd.f32 v3, v10  }
0x131: {  	[tilespmem:s23+$0x1560] =	vst v4  }
0x132: {  	s8 =	rddreg [dreg:$0x4];
	[tilespmem:s23+$0x1570] =	vst v3;
	s23 =	simm.s32 $0x0  }
0x133: {  	[hbm4b:s8+s23] =	stream.linear.scatter [tilespmem:s15], [sflag:$0x3], $0x6000, $0x38;
	[tilespmem:$0xC100] =	vst v63  }
0x134: {  	_ =	swait.ge [sflag:s13], $0x6000  }
0x135: {  	[sflag:s13] =	ssyncset.done $0x0  }
0x136: {  	[sflag:s13] =	ssyncadd.s32 $0xFFFFA000  }
0x137: {  	[tilespmem:s23], [sflag:$0x3] =	stream.linear.gather [hbm4b:s9+s23], $0x20, $0x38;
	[tilespmem:$0xC100] =	vst v63  }
0x138: {  	_ =	swait.ge [sflag:s13], $0x20  }
0x139: {  	[sflag:s13] =	ssyncset.done $0x0  }
0x13a: {  	s26 =	simm.s32 $0x80;
	[sflag:s13] =	ssyncadd.s32 $0xFFFFFFE0  }
0x13b: {  	[tilespmem:s26], [sflag:$0x3] =	stream.linear.gather [hbm4b:s10+s23], $0x20, $0x38;
	[tilespmem:$0xC100] =	vst v63  }
0x13c: {  	_ =	swait.ge [sflag:s13], $0x20  }
0x13d: {  	[sflag:s13] =	ssyncset.done $0x0  }
0x13e: {  	[sflag:s13] =	ssyncadd.s32 $0xFFFFFFE0  }
0x13f: {  	v3 =	vld [tilespmem:$0x0];
	_ =	sdelay $0x4  }
0x140: {  	v4 =	vshrl.u32 v3, $0x3  }
0x141: {  	v4 =	vmul.u32 $0x30, v4  }
0x142: {  	v3 =	vand.u32 $0x7, v3  }
0x143: {  	v3 =	vor.u32 v3, v4  }
0x144: {  	v4 =	vperm.xlane v3, v0;
	_ =	sdelay $0x1  }
0x145: {  	v4 =	vadd.s32 v1, v4;
	_ =	sdelay $0x3  }
0x146: {  	v3 =	vperm.xlane v3, v2  }
0x147: {  	[tilespmem:s15], [sflag:$0x1] =	stream.indirect_vreg.gather [hbm4b:s3+s23], $0x80, v4, vm0, $0xb8;
	[tilespmem:$0xC100] =	vst v63  }
0x148: {  	s24 =	simm.s32 $0x900;
	v3 =	vadd.s32 v1, v3  }
0x149: {  	[tilespmem:s24], [sflag:$0x1] =	stream.indirect_vreg.gather [hbm4b:s6+s23], $0x80, v4, vm0, $0xb8;
	[tilespmem:$0xC100] =	vst v63  }
0x14a: {  	s25 =	simm.s32 $0x1100  }
0x14b: {  	[tilespmem:s25], [sflag:$0x1] =	stream.indirect_vreg.gather [hbm4b:s7+s23], $0x80, v4, vm0, $0xb8;
	[tilespmem:$0xC100] =	vst v63  }
0x14c: {  	s26 =	simm.s32 $0x1900  }
0x14d: {  	[tilespmem:s26], [sflag:$0x1] =	stream.indirect_vreg.gather [hbm4b:s3+s23], $0x80, v3, vm0, $0xb8;
	[tilespmem:$0xC100] =	vst v63  }
0x14e: {  	s24 =	simm.s32 $0x2100  }
0x14f: {  	[tilespmem:s24], [sflag:$0x1] =	stream.indirect_vreg.gather [hbm4b:s6+s23], $0x80, v3, vm0, $0xb8;
	[tilespmem:$0xC100] =	vst v63  }
0x150: {  	s25 =	simm.s32 $0x2900  }
0x151: {  	[tilespmem:s25], [sflag:$0x1] =	stream.indirect_vreg.gather [hbm4b:s7+s23], $0x80, v3, vm0, $0xb8;
	[tilespmem:$0xC100] =	vst v63  }
0x152: {  	v3 =	vld [tilespmem:$0x10];
	_ =	sdelay $0x4  }
0x153: {  	v4 =	vshrl.u32 v3, $0x3  }
0x154: {  	v4 =	vmul.u32 $0x30, v4  }
0x155: {  	v3 =	vand.u32 $0x7, v3  }
0x156: {  	v3 =	vor.u32 v3, v4  }
0x157: {  	v4 =	vperm.xlane v3, v0;
	_ =	sdelay $0x1  }
0x158: {  	v4 =	vadd.s32 v1, v4;
	_ =	sdelay $0x3  }
0x159: {  	s26 =	simm.s32 $0x3100;
	v3 =	vperm.xlane v3, v2  }
0x15a: {  	[tilespmem:s26], [sflag:$0x1] =	stream.indirect_vreg.gather [hbm4b:s3+s23], $0x80, v4, vm0, $0xb8;
	[tilespmem:$0xC100] =	vst v63  }
0x15b: {  	s24 =	simm.s32 $0x3900;
	v3 =	vadd.s32 v1, v3  }
0x15c: {  	[tilespmem:s24], [sflag:$0x1] =	stream.indirect_vreg.gather [hbm4b:s6+s23], $0x80, v4, vm0, $0xb8;
	[tilespmem:$0xC100] =	vst v63  }
0x15d: {  	s25 =	simm.s32 $0x4100  }
0x15e: {  	[tilespmem:s25], [sflag:$0x1] =	stream.indirect_vreg.gather [hbm4b:s7+s23], $0x80, v4, vm0, $0xb8;
	[tilespmem:$0xC100] =	vst v63  }
0x15f: {  	s26 =	simm.s32 $0x4900  }
0x160: {  	[tilespmem:s26], [sflag:$0x1] =	stream.indirect_vreg.gather [hbm4b:s3+s23], $0x80, v3, vm0, $0xb8;
	[tilespmem:$0xC100] =	vst v63  }
0x161: {  	s24 =	simm.s32 $0x5100  }
0x162: {  	[tilespmem:s24], [sflag:$0x1] =	stream.indirect_vreg.gather [hbm4b:s6+s23], $0x80, v3, vm0, $0xb8;
	[tilespmem:$0xC100] =	vst v63  }
0x163: {  	s25 =	simm.s32 $0x5900  }
0x164: {  	[tilespmem:s25], [sflag:$0x1] =	stream.indirect_vreg.gather [hbm4b:s7+s23], $0x80, v3, vm0, $0xb8;
	[tilespmem:$0xC100] =	vst v63  }
0x165: {  	v3 =	vld [tilespmem:$0x80];
	_ =	sdelay $0x4  }
0x166: {  	v4 =	vshrl.u32 v3, $0x3  }
0x167: {  	v4 =	vmul.u32 $0x30, v4  }
0x168: {  	v3 =	vand.u32 $0x7, v3  }
0x169: {  	v3 =	vor.u32 v3, v4  }
0x16a: {  	v4 =	vperm.xlane v3, v0;
	_ =	sdelay $0x1  }
0x16b: {  	v4 =	vadd.s32 v1, v4;
	_ =	sdelay $0x3  }
0x16c: {  	v3 =	vperm.xlane v3, v2  }
0x16d: {  	[tilespmem:s28], [sflag:$0x2] =	stream.indirect_vreg.gather [hbm4b:s3+s23], $0x80, v4, vm0, $0xb8;
	[tilespmem:$0xC100] =	vst v63  }
0x16e: {  	v3 =	vadd.s32 v1, v3  }
0x16f: {  	[tilespmem:s29], [sflag:$0x2] =	stream.indirect_vreg.gather [hbm4b:s6+s23], $0x80, v4, vm0, $0xb8;
	[tilespmem:$0xC100] =	vst v63  }
0x170: {  	_ = 	snop  }
0x171: {  	[tilespmem:s30], [sflag:$0x2] =	stream.indirect_vreg.gather [hbm4b:s7+s23], $0x80, v4, vm0, $0xb8;
	[tilespmem:$0xC100] =	vst v63  }
0x172: {  	_ = 	snop  }
0x173: {  	[tilespmem:s31], [sflag:$0x2] =	stream.indirect_vreg.gather [hbm4b:s3+s23], $0x80, v3, vm0, $0xb8;
	[tilespmem:$0xC100] =	vst v63  }
0x174: {  	_ = 	snop  }
0x175: {  	[tilespmem:s0], [sflag:$0x2] =	stream.indirect_vreg.gather [hbm4b:s6+s23], $0x80, v3, vm0, $0xb8;
	[tilespmem:$0xC100] =	vst v63  }
0x176: {  	_ = 	snop  }
0x177: {  	[tilespmem:s2], [sflag:$0x2] =	stream.indirect_vreg.gather [hbm4b:s7+s23], $0x80, v3, vm0, $0xb8;
	[tilespmem:$0xC100] =	vst v63  }
0x178: {  	v3 =	vld [tilespmem:$0x90];
	_ =	sdelay $0x4  }
0x179: {  	v4 =	vshrl.u32 v3, $0x3  }
0x17a: {  	v4 =	vmul.u32 $0x30, v4  }
0x17b: {  	v3 =	vand.u32 $0x7, v3  }
0x17c: {  	v3 =	vor.u32 v3, v4  }
0x17d: {  	v4 =	vperm.xlane v3, v0;
	_ =	sdelay $0x1  }
0x17e: {  	v4 =	vadd.s32 v1, v4;
	_ =	sdelay $0x3  }
0x17f: {  	v3 =	vperm.xlane v3, v2  }
0x180: {  	[tilespmem:s14], [sflag:$0x2] =	stream.indirect_vreg.gather [hbm4b:s3+s23], $0x80, v4, vm0, $0xb8;
	[tilespmem:$0xC100] =	vst v63  }
0x181: {  	v3 =	vadd.s32 v1, v3  }
0x182: {  	[tilespmem:s16], [sflag:$0x2] =	stream.indirect_vreg.gather [hbm4b:s6+s23], $0x80, v4, vm0, $0xb8;
	[tilespmem:$0xC100] =	vst v63  }
0x183: {  	_ = 	snop  }
0x184: {  	[tilespmem:s17], [sflag:$0x2] =	stream.indirect_vreg.gather [hbm4b:s7+s23], $0x80, v4, vm0, $0xb8;
	[tilespmem:$0xC100] =	vst v63  }
0x185: {  	_ = 	snop  }
0x186: {  	[tilespmem:s18], [sflag:$0x2] =	stream.indirect_vreg.gather [hbm4b:s3+s23], $0x80, v3, vm0, $0xb8;
	[tilespmem:$0xC100] =	vst v63  }
0x187: {  	_ = 	snop  }
0x188: {  	[tilespmem:s19], [sflag:$0x2] =	stream.indirect_vreg.gather [hbm4b:s6+s23], $0x80, v3, vm0, $0xb8;
	[tilespmem:$0xC100] =	vst v63  }
0x189: {  	_ = 	snop  }
0x18a: {  	[tilespmem:s20], [sflag:$0x2] =	stream.indirect_vreg.gather [hbm4b:s7+s23], $0x80, v3, vm0, $0xb8;
	[tilespmem:$0xC100] =	vst v63  }
0x18b: {  	_ =	swait.ge [sflag:s21], $0x6000  }
0x18c: {  	[sflag:s21] =	ssyncset.done $0x0  }
0x18d: {  	s26 =	simm.s32 $0x0;
	[sflag:s21] =	ssyncadd.s32 $0xFFFFA000  }
0x18e: {  	s8 =	smul.u32 $0x1800, s26;
	_ =	swait.ge [sflag:s22], $0x6000  }
0x18f: {  	s24 =	sand.u32 $0x380, s23;
	[sflag:s22] =	ssyncset.done $0x0  }
0x190: {  	s24 =	sor.u32 s24, s8;
	[sflag:s22] =	ssyncadd.s32 $0xFFFFA000  }
0x191: {  	v12 =	vld [tilespmem:s24+$0x6100]  }
0x192: {  	v13 =	vld [tilespmem:s24+$0x6110]  }
0x193: {  	v14 =	vld [tilespmem:s24+$0x6120]  }
0x194: {  	v15 =	vld [tilespmem:s24+$0x6130]  }
0x195: {  	v16 =	vld [tilespmem:s24+$0x6140]  }
0x196: {  	v17 =	vld [tilespmem:s24+$0x6150]  }
0x197: {  	v18 =	vld [tilespmem:s24+$0x6160]  }
0x198: {  	v19 =	vld [tilespmem:s24+$0x6170]  }
0x199: {  	v20 =	vld [tilespmem:s24+$0x6500]  }
0x19a: {  	v21 =	vld [tilespmem:s24+$0x6510]  }
0x19b: {  	v22 =	vld [tilespmem:s24+$0x6520]  }
0x19c: {  	v23 =	vld [tilespmem:s24+$0x6530]  }
0x19d: {  	v24 =	vld [tilespmem:s24+$0x6540]  }
0x19e: {  	v25 =	vld [tilespmem:s24+$0x6550]  }
0x19f: {  	v26 =	vld [tilespmem:s24+$0x6560]  }
0x1a0: {  	v27 =	vld [tilespmem:s24+$0x6570]  }
0x1a1: {  	v28 =	vld [tilespmem:s24+$0x6900]  }
0x1a2: {  	v29 =	vld [tilespmem:s24+$0x6910]  }
0x1a3: {  	v30 =	vld [tilespmem:s24+$0x6920]  }
0x1a4: {  	v31 =	vld [tilespmem:s24+$0x6930]  }
0x1a5: {  	v32 =	vld [tilespmem:s24+$0x6940]  }
0x1a6: {  	v33 =	vld [tilespmem:s24+$0x6950]  }
0x1a7: {  	v34 =	vld [tilespmem:s24+$0x6960]  }
0x1a8: {  	v35 =	vld [tilespmem:s24+$0x6970]  }
0x1a9: {  	v36 =	vld [tilespmem:s24+$0x6D00]  }
0x1aa: {  	v37 =	vld [tilespmem:s24+$0x6D10]  }
0x1ab: {  	v38 =	vld [tilespmem:s24+$0x6D20]  }
0x1ac: {  	v39 =	vld [tilespmem:s24+$0x6D30]  }
0x1ad: {  	v40 =	vld [tilespmem:s24+$0x6D40]  }
0x1ae: {  	v41 =	vld [tilespmem:s24+$0x6D50]  }
0x1af: {  	v42 =	vld [tilespmem:s24+$0x6D60]  }
0x1b0: {  	v43 =	vld [tilespmem:s24+$0x6D70]  }
0x1b1: {  	v44 =	vld [tilespmem:s24+$0x7100]  }
0x1b2: {  	v45 =	vld [tilespmem:s24+$0x7110]  }
0x1b3: {  	v46 =	vld [tilespmem:s24+$0x7120]  }
0x1b4: {  	v47 =	vld [tilespmem:s24+$0x7130]  }
0x1b5: {  	v48 =	vld [tilespmem:s24+$0x7140]  }
0x1b6: {  	v49 =	vld [tilespmem:s24+$0x7150]  }
0x1b7: {  	v50 =	vld [tilespmem:s24+$0x7160]  }
0x1b8: {  	v11 =	vld [tilespmem:s24+$0x7170]  }
0x1b9: {  	v10 =	vld [tilespmem:s24+$0x7500]  }
0x1ba: {  	v9 =	vld [tilespmem:s24+$0x7510]  }
0x1bb: {  	v8 =	vld [tilespmem:s24+$0x7520]  }
0x1bc: {  	v7 =	vld [tilespmem:s24+$0x7530]  }
0x1bd: {  	v6 =	vld [tilespmem:s24+$0x7540]  }
0x1be: {  	v51 =	vld [tilespmem:s24+$0x100]  }
0x1bf: {  	v52 =	vld [tilespmem:s24+$0x110]  }
0x1c0: {  	v53 =	vld [tilespmem:s24+$0x120]  }
0x1c1: {  	v54 =	vld [tilespmem:s24+$0x130]  }
0x1c2: {  	v55 =	vld [tilespmem:s24+$0x140]  }
0x1c3: {  	v62 =	vld [tilespmem:s24+$0x150];
	v12 =	vadd.f32 v12, v51  }
0x1c4: {  	v63 =	vld [tilespmem:s24+$0x160];
	v13 =	vadd.f32 v13, v52  }
0x1c5: {  	[tilespmem:s24+$0x100] =	vst v12;
	v12 =	vadd.f32 v14, v53;
	v14 =	vld [tilespmem:s24+$0x170]  }
0x1c6: {  	[tilespmem:s24+$0x110] =	vst v13;
	v13 =	vadd.f32 v15, v54;
	v15 =	vld [tilespmem:s24+$0x500]  }
0x1c7: {  	[tilespmem:s24+$0x120] =	vst v12;
	v12 =	vadd.f32 v16, v55;
	v16 =	vld [tilespmem:s24+$0x510]  }
0x1c8: {  	[tilespmem:s24+$0x130] =	vst v13;
	v13 =	vadd.f32 v17, v62;
	v17 =	vld [tilespmem:s24+$0x520]  }
0x1c9: {  	v5 =	vld [tilespmem:s24+$0x7550]  }
0x1ca: {  	[tilespmem:s24+$0x140] =	vst v12;
	v12 =	vadd.f32 v18, v63;
	v18 =	vld [tilespmem:s24+$0x570]  }
0x1cb: {  	[tilespmem:s24+$0x150] =	vst v13;
	v13 =	vadd.f32 v19, v14;
	v14 =	vld [tilespmem:s24+$0x530]  }
0x1cc: {  	[tilespmem:s24+$0x160] =	vst v12;
	v12 =	vadd.f32 v20, v15;
	v15 =	vld [tilespmem:s24+$0x540]  }
0x1cd: {  	[tilespmem:s24+$0x170] =	vst v13;
	v13 =	vadd.f32 v21, v16;
	v16 =	vadd.f32 v22, v17;
	v17 =	vld [tilespmem:s24+$0x560]  }
0x1ce: {  	[tilespmem:s24+$0x500] =	vst v12;
	v12 =	vld [tilespmem:s24+$0x550]  }
0x1cf: {  	[tilespmem:s24+$0x510] =	vst v13;
	v13 =	vld [tilespmem:s24+$0x900];
	v18 =	vadd.f32 v27, v18  }
0x1d0: {  	[tilespmem:s24+$0x520] =	vst v16;
	v16 =	vld [tilespmem:s24+$0x910];
	v14 =	vadd.f32 v23, v14  }
0x1d1: {  	v4 =	vld [tilespmem:s24+$0x7560];
	v15 =	vadd.f32 v24, v15;
	[tilespmem:s24+$0x570] =	vst v18  }
0x1d2: {  	[tilespmem:s24+$0x530] =	vst v14;
	v14 =	vld [tilespmem:s24+$0x920];
	v17 =	vadd.f32 v26, v17  }
0x1d3: {  	v12 =	vadd.f32 v25, v12;
	[tilespmem:s24+$0x540] =	vst v15;
	v15 =	vld [tilespmem:s24+$0x930]  }
0x1d4: {  	v18 =	vld [tilespmem:s24+$0x970];
	[tilespmem:s24+$0x560] =	vst v17;
	v13 =	vadd.f32 v28, v13  }
0x1d5: {  	v16 =	vadd.f32 v29, v16;
	[tilespmem:s24+$0x550] =	vst v12;
	v12 =	vld [tilespmem:s24+$0x940]  }
0x1d6: {  	v17 =	vld [tilespmem:s24+$0x950];
	[tilespmem:s24+$0x900] =	vst v13  }
0x1d7: {  	[tilespmem:s24+$0x910] =	vst v16;
	v16 =	vld [tilespmem:s24+$0x960];
	v13 =	vadd.f32 v30, v14  }
0x1d8: {  	v14 =	vld [tilespmem:s24+$0xD00];
	v15 =	vadd.f32 v31, v15  }
0x1d9: {  	[tilespmem:s24+$0x920] =	vst v13;
	v13 =	vld [tilespmem:s24+$0xD10]  }
0x1da: {  	v12 =	vadd.f32 v32, v12;
	[tilespmem:s24+$0x930] =	vst v15;
	v15 =	vld [tilespmem:s24+$0xD20]  }
0x1db: {  	v3 =	vld [tilespmem:s24+$0x7570];
	v17 =	vadd.f32 v33, v17  }
0x1dc: {  	v16 =	vadd.f32 v34, v16;
	[tilespmem:s24+$0x940] =	vst v12;
	v12 =	vld [tilespmem:s24+$0xD30]  }
0x1dd: {  	[tilespmem:s24+$0x950] =	vst v17;
	v17 =	vld [tilespmem:s24+$0xD40];
	v14 =	vadd.f32 v36, v14  }
0x1de: {  	v18 =	vadd.f32 v35, v18;
	[tilespmem:s24+$0x960] =	vst v16;
	v16 =	vld [tilespmem:s24+$0xD50]  }
0x1df: {  	v13 =	vadd.f32 v37, v13;
	[tilespmem:s24+$0xD00] =	vst v14;
	v14 =	vadd.f32 v38, v15;
	v15 =	vld [tilespmem:s24+$0xD60]  }
0x1e0: {  	[tilespmem:s24+$0x970] =	vst v18;
	v18 =	vld [tilespmem:s24+$0xD70]  }
0x1e1: {  	[tilespmem:s24+$0xD10] =	vst v13;
	v13 =	vld [tilespmem:s24+$0x1100];
	v12 =	vadd.f32 v39, v12  }
0x1e2: {  	v17 =	vadd.f32 v40, v17;
	[tilespmem:s24+$0xD20] =	vst v14;
	v14 =	vld [tilespmem:s24+$0x1110]  }
0x1e3: {  	v16 =	vadd.f32 v41, v16;
	[tilespmem:s24+$0xD30] =	vst v12;
	v12 =	vld [tilespmem:s24+$0x1120]  }
0x1e4: {  	[tilespmem:s24+$0xD40] =	vst v17;
	v17 =	vld [tilespmem:s24+$0x1130];
	v15 =	vadd.f32 v42, v15  }
0x1e5: {  	v19 =	vld [tilespmem:s24+$0x1140];
	[tilespmem:s24+$0xD50] =	vst v16;
	v16 =	vadd.f32 v43, v18  }
0x1e6: {  	v18 =	vld [tilespmem:s24+$0x1150];
	v13 =	vadd.f32 v44, v13;
	[tilespmem:s24+$0xD60] =	vst v15  }
0x1e7: {  	v20 =	vld [tilespmem:s24+$0x1160];
	[tilespmem:s24+$0xD70] =	vst v16;
	v14 =	vadd.f32 v45, v14  }
0x1e8: {  	v16 =	vld [tilespmem:s24+$0x1170];
	[tilespmem:s24+$0x1100] =	vst v13;
	v12 =	vadd.f32 v46, v12  }
0x1e9: {  	v15 =	vld [tilespmem:s24+$0x1500];
	v13 =	vadd.f32 v47, v17;
	[tilespmem:s24+$0x1110] =	vst v14  }
0x1ea: {  	v14 =	vld [tilespmem:s24+$0x1510];
	[tilespmem:s24+$0x1120] =	vst v12;
	v12 =	vadd.f32 v48, v19  }
0x1eb: {  	[tilespmem:s24+$0x1130] =	vst v13;
	v13 =	vld [tilespmem:s24+$0x1520];
	v18 =	vadd.f32 v49, v18  }
0x1ec: {  	s25 =	simm.s32 $0x1;
	v17 =	vadd.f32 v50, v20;
	[tilespmem:s24+$0x1140] =	vst v12;
	v12 =	vld [tilespmem:s24+$0x1530]  }
.LBB2_4:
0x1ed: {  	s8 =	sshrl.u32 s25, $0x3;
	p0 =	sne.s32 s25, $0x1F;
	[tilespmem:s24+$0x1150] =	vst v18;
	v11 =	vadd.f32 v11, v16;
	v16 =	vld [tilespmem:s24+$0x1540]  }
0x1ee: {  	s23 =	sadd.s32 $0x80, s23;
	s8 =	smul.u32 $0x1800, s8;
	[tilespmem:s24+$0x1160] =	vst v17;
	v10 =	vadd.f32 v10, v15;
	v15 =	vld [tilespmem:s24+$0x1550]  }
0x1ef: {  	s26 =	sand.u32 $0x380, s23;
	[tilespmem:s24+$0x1170] =	vst v11;
	v9 =	vadd.f32 v9, v14;
	v11 =	vld [tilespmem:s24+$0x1560]  }
0x1f0: {  	s8 =	sor.u32 s26, s8;
	[tilespmem:s24+$0x1500] =	vst v10;
	v8 =	vadd.f32 v8, v13;
	v10 =	vld [tilespmem:s24+$0x1570]  }
0x1f1: {  	v39 =	vld [tilespmem:s8+$0x6100];
	[tilespmem:s24+$0x1510] =	vst v9;
	v7 =	vadd.f32 v7, v12  }
0x1f2: {  	v40 =	vld [tilespmem:s8+$0x6110];
	[tilespmem:s24+$0x1520] =	vst v8;
	v6 =	vadd.f32 v6, v16  }
0x1f3: {  	v41 =	vld [tilespmem:s8+$0x6120];
	[tilespmem:s24+$0x1530] =	vst v7;
	v5 =	vadd.f32 v5, v15  }
0x1f4: {  	v42 =	vld [tilespmem:s8+$0x6130];
	[tilespmem:s24+$0x1540] =	vst v6;
	v4 =	vadd.f32 v4, v11  }
0x1f5: {  	v43 =	vld [tilespmem:s8+$0x6140];
	[tilespmem:s24+$0x1550] =	vst v5;
	v3 =	vadd.f32 v3, v10  }
0x1f6: {  	v44 =	vld [tilespmem:s8+$0x6150];
	[tilespmem:s24+$0x1560] =	vst v4  }
0x1f7: {  	v45 =	vld [tilespmem:s8+$0x6160];
	[tilespmem:s24+$0x1570] =	vst v3;
	s24 =	smov.u32 s8  }
0x1f8: {  	v46 =	vld [tilespmem:s24+$0x6170]  }
0x1f9: {  	v47 =	vld [tilespmem:s24+$0x6500]  }
0x1fa: {  	v48 =	vld [tilespmem:s24+$0x6510]  }
0x1fb: {  	v49 =	vld [tilespmem:s24+$0x6520]  }
0x1fc: {  	v50 =	vld [tilespmem:s24+$0x6530]  }
0x1fd: {  	v38 =	vld [tilespmem:s24+$0x6540]  }
0x1fe: {  	v37 =	vld [tilespmem:s24+$0x6550]  }
0x1ff: {  	v36 =	vld [tilespmem:s24+$0x6560]  }
0x200: {  	v35 =	vld [tilespmem:s24+$0x6570]  }
0x201: {  	v34 =	vld [tilespmem:s24+$0x6900]  }
0x202: {  	v33 =	vld [tilespmem:s24+$0x6910]  }
0x203: {  	v32 =	vld [tilespmem:s24+$0x6920]  }
0x204: {  	v31 =	vld [tilespmem:s24+$0x6930]  }
0x205: {  	v30 =	vld [tilespmem:s24+$0x6940]  }
0x206: {  	v29 =	vld [tilespmem:s24+$0x6950]  }
0x207: {  	v28 =	vld [tilespmem:s24+$0x6960]  }
0x208: {  	v27 =	vld [tilespmem:s24+$0x6970]  }
0x209: {  	v26 =	vld [tilespmem:s24+$0x6D00]  }
0x20a: {  	v25 =	vld [tilespmem:s24+$0x6D10]  }
0x20b: {  	v24 =	vld [tilespmem:s24+$0x6D20]  }
0x20c: {  	v23 =	vld [tilespmem:s24+$0x6D30]  }
0x20d: {  	v22 =	vld [tilespmem:s24+$0x6D40]  }
0x20e: {  	v21 =	vld [tilespmem:s24+$0x6D50]  }
0x20f: {  	v20 =	vld [tilespmem:s24+$0x6D60]  }
0x210: {  	v19 =	vld [tilespmem:s24+$0x6D70]  }
0x211: {  	v18 =	vld [tilespmem:s24+$0x7100]  }
0x212: {  	v17 =	vld [tilespmem:s24+$0x7110]  }
0x213: {  	v16 =	vld [tilespmem:s24+$0x7120]  }
0x214: {  	v15 =	vld [tilespmem:s24+$0x7130]  }
0x215: {  	v14 =	vld [tilespmem:s24+$0x7140]  }
0x216: {  	v13 =	vld [tilespmem:s24+$0x7150]  }
0x217: {  	v12 =	vld [tilespmem:s24+$0x7160]  }
0x218: {  	v11 =	vld [tilespmem:s24+$0x7170]  }
0x219: {  	v10 =	vld [tilespmem:s24+$0x7500]  }
0x21a: {  	v9 =	vld [tilespmem:s24+$0x7510]  }
0x21b: {  	v8 =	vld [tilespmem:s24+$0x7520]  }
0x21c: {  	v7 =	vld [tilespmem:s24+$0x7530]  }
0x21d: {  	v6 =	vld [tilespmem:s24+$0x7540]  }
0x21e: {  	v5 =	vld [tilespmem:s24+$0x7550]  }
0x21f: {  	v4 =	vld [tilespmem:s24+$0x7560]  }
0x220: {  	v3 =	vld [tilespmem:s24+$0x7570]  }
0x221: {  	v51 =	vld [tilespmem:s24+$0x100]  }
0x222: {  	v52 =	vld [tilespmem:s24+$0x110]  }
0x223: {  	v53 =	vld [tilespmem:s24+$0x120]  }
0x224: {  	v54 =	vld [tilespmem:s24+$0x130]  }
0x225: {  	v55 =	vld [tilespmem:s24+$0x140]  }
0x226: {  	v39 =	vadd.f32 v39, v51;
	v51 =	vld [tilespmem:s24+$0x150]  }
0x227: {  	v40 =	vadd.f32 v40, v52;
	v52 =	vld [tilespmem:s24+$0x160]  }
0x228: {  	[tilespmem:s24+$0x100] =	vst v39;
	v39 =	vadd.f32 v41, v53;
	v41 =	vld [tilespmem:s24+$0x170]  }
0x229: {  	[tilespmem:s24+$0x110] =	vst v40;
	v40 =	vadd.f32 v42, v54;
	v42 =	vld [tilespmem:s24+$0x500]  }
0x22a: {  	[tilespmem:s24+$0x120] =	vst v39;
	v39 =	vadd.f32 v43, v55;
	v43 =	vld [tilespmem:s24+$0x510]  }
0x22b: {  	[tilespmem:s24+$0x130] =	vst v40;
	v40 =	vadd.f32 v44, v51;
	v44 =	vld [tilespmem:s24+$0x520]  }
0x22c: {  	[tilespmem:s24+$0x140] =	vst v39;
	v39 =	vadd.f32 v45, v52;
	v45 =	vld [tilespmem:s24+$0x530]  }
0x22d: {  	[tilespmem:s24+$0x150] =	vst v40;
	v40 =	vadd.f32 v46, v41;
	v41 =	vld [tilespmem:s24+$0x540]  }
0x22e: {  	[tilespmem:s24+$0x160] =	vst v39;
	v39 =	vadd.f32 v47, v42;
	v42 =	vld [tilespmem:s24+$0x550]  }
0x22f: {  	[tilespmem:s24+$0x170] =	vst v40;
	v40 =	vadd.f32 v48, v43;
	v43 =	vld [tilespmem:s24+$0x560]  }
0x230: {  	[tilespmem:s24+$0x500] =	vst v39;
	v39 =	vadd.f32 v49, v44;
	v44 =	vld [tilespmem:s24+$0x570]  }
0x231: {  	[tilespmem:s24+$0x510] =	vst v40;
	v40 =	vadd.f32 v50, v45;
	v45 =	vld [tilespmem:s24+$0x900]  }
0x232: {  	[tilespmem:s24+$0x520] =	vst v39;
	v38 =	vadd.f32 v38, v41;
	v39 =	vld [tilespmem:s24+$0x910]  }
0x233: {  	[tilespmem:s24+$0x530] =	vst v40;
	v37 =	vadd.f32 v37, v42;
	v40 =	vld [tilespmem:s24+$0x920]  }
0x234: {  	[tilespmem:s24+$0x540] =	vst v38;
	v36 =	vadd.f32 v36, v43;
	v38 =	vld [tilespmem:s24+$0x930]  }
0x235: {  	[tilespmem:s24+$0x550] =	vst v37;
	v35 =	vadd.f32 v35, v44;
	v37 =	vld [tilespmem:s24+$0x940]  }
0x236: {  	[tilespmem:s24+$0x560] =	vst v36;
	v34 =	vadd.f32 v34, v45;
	v36 =	vld [tilespmem:s24+$0x950]  }
0x237: {  	[tilespmem:s24+$0x570] =	vst v35;
	v33 =	vadd.f32 v33, v39;
	v35 =	vld [tilespmem:s24+$0x960]  }
0x238: {  	[tilespmem:s24+$0x900] =	vst v34;
	v32 =	vadd.f32 v32, v40;
	v34 =	vld [tilespmem:s24+$0x970]  }
0x239: {  	[tilespmem:s24+$0x910] =	vst v33;
	v31 =	vadd.f32 v31, v38;
	v33 =	vld [tilespmem:s24+$0xD00]  }
0x23a: {  	[tilespmem:s24+$0x920] =	vst v32;
	v30 =	vadd.f32 v30, v37;
	v32 =	vld [tilespmem:s24+$0xD10]  }
0x23b: {  	[tilespmem:s24+$0x930] =	vst v31;
	v29 =	vadd.f32 v29, v36;
	v31 =	vld [tilespmem:s24+$0xD20]  }
0x23c: {  	[tilespmem:s24+$0x940] =	vst v30;
	v28 =	vadd.f32 v28, v35;
	v30 =	vld [tilespmem:s24+$0xD30]  }
0x23d: {  	[tilespmem:s24+$0x950] =	vst v29;
	v27 =	vadd.f32 v27, v34;
	v29 =	vld [tilespmem:s24+$0xD40]  }
0x23e: {  	[tilespmem:s24+$0x960] =	vst v28;
	v26 =	vadd.f32 v26, v33;
	v28 =	vld [tilespmem:s24+$0xD50]  }
0x23f: {  	[tilespmem:s24+$0x970] =	vst v27;
	v25 =	vadd.f32 v25, v32;
	v27 =	vld [tilespmem:s24+$0xD60]  }
0x240: {  	[tilespmem:s24+$0xD00] =	vst v26;
	v24 =	vadd.f32 v24, v31;
	v26 =	vld [tilespmem:s24+$0xD70]  }
0x241: {  	[tilespmem:s24+$0xD10] =	vst v25;
	v23 =	vadd.f32 v23, v30;
	v25 =	vld [tilespmem:s24+$0x1100]  }
0x242: {  	[tilespmem:s24+$0xD20] =	vst v24;
	v22 =	vadd.f32 v22, v29;
	v24 =	vld [tilespmem:s24+$0x1110]  }
0x243: {  	[tilespmem:s24+$0xD30] =	vst v23;
	v21 =	vadd.f32 v21, v28;
	v23 =	vld [tilespmem:s24+$0x1120]  }
0x244: {  	[tilespmem:s24+$0xD40] =	vst v22;
	v20 =	vadd.f32 v20, v27;
	v22 =	vld [tilespmem:s24+$0x1130]  }
0x245: {  	[tilespmem:s24+$0xD50] =	vst v21;
	v19 =	vadd.f32 v19, v26;
	v21 =	vld [tilespmem:s24+$0x1140]  }
0x246: {  	[tilespmem:s24+$0xD60] =	vst v20;
	v18 =	vadd.f32 v18, v25;
	v20 =	vld [tilespmem:s24+$0x1150]  }
0x247: {  	[tilespmem:s24+$0xD70] =	vst v19;
	v17 =	vadd.f32 v17, v24;
	v19 =	vld [tilespmem:s24+$0x1160]  }
.Ltmp1:
0x248: {  	[tilespmem:s24+$0x1100] =	vst v18;
	v18 =	vadd.f32 v16, v23;
	v16 =	vld [tilespmem:s24+$0x1170];
	(pc) =	sbr.rel @p0 .LBB2_4-.Ltmp1, $4  }
0x249: {  	[tilespmem:s24+$0x1110] =	vst v17;
	v17 =	vadd.f32 v15, v22;
	v15 =	vld [tilespmem:s24+$0x1500]  }
0x24a: {  	[tilespmem:s24+$0x1120] =	vst v18;
	v21 =	vadd.f32 v14, v21;
	v14 =	vld [tilespmem:s24+$0x1510]  }
0x24b: {  	[tilespmem:s24+$0x1130] =	vst v17;
	v18 =	vadd.f32 v13, v20;
	v13 =	vld [tilespmem:s24+$0x1520]  }
0x24c: {  	s25 =	sadd.s32 $0x1, s25;
	[tilespmem:s24+$0x1140] =	vst v21;
	v17 =	vadd.f32 v12, v19;
	v12 =	vld [tilespmem:s24+$0x1530]  }
0x24d: {  	[tilespmem:s24+$0x1150] =	vst v18;
	v60 =	vld [tilespmem:s24+$0x1540];
	v11 =	vadd.f32 v11, v16  }
0x24e: {  	v61 =	vld [tilespmem:s24+$0x1550];
	[tilespmem:s24+$0x1160] =	vst v17;
	v10 =	vadd.f32 v10, v15  }
0x24f: {  	v62 =	vld [tilespmem:s24+$0x1560];
	[tilespmem:s24+$0x1170] =	vst v11;
	v9 =	vadd.f32 v9, v14  }
0x250: {  	v63 =	vld [tilespmem:s24+$0x1570];
	[tilespmem:s24+$0x1500] =	vst v10;
	v8 =	vadd.f32 v8, v13  }
0x251: {  	[tilespmem:s24+$0x1510] =	vst v9;
	v7 =	vadd.f32 v7, v12  }
0x252: {  	[tilespmem:s24+$0x1520] =	vst v8;
	v6 =	vadd.f32 v6, v60  }
0x253: {  	v5 =	vadd.f32 v5, v61;
	[tilespmem:s24+$0x1530] =	vst v7  }
0x254: {  	v4 =	vadd.f32 v4, v62;
	[tilespmem:s24+$0x1540] =	vst v6  }
0x255: {  	s5 =	sadd.s32 $0x1, s5;
	v3 =	vadd.f32 v3, v63;
	[tilespmem:s24+$0x1550] =	vst v5  }
0x256: {  	p0 =	sne.s32 s5, s12;
	[tilespmem:s24+$0x1560] =	vst v4  }
.Ltmp2:
0x257: {  	[tilespmem:s24+$0x1570] =	vst v3;
	(pc) =	sbr.rel @p0 .LBB2_1-.Ltmp2, $4  }
0x258: {  	[hbm4b:s11+s1] =	stream.linear.scatter [tilespmem:s15], [sflag:$0x3], $0x6000, $0x38;
	[tilespmem:$0xC100] =	vst v63  }
0x259: {  	_ =	swait.ge [sflag:s13], $0x6000  }
0x25a: {  	[sflag:s13] =	ssyncset.done $0x0  }
0x25b: {  	[sflag:s13] =	ssyncadd.s32 $0xFFFFA000  }
0x25c: {  	_ =	sfence.sel $0x180000  }
0x25d: {  	[bflag:$0x0] =	sbarrier.arrive $0xFFFF  }
0x25e: {  	_ =	strace $0x9000004A  }
0x25f: {  	s0 =	stileid.u32;
	[bflag:$0x2] =	sbarrier.arrive $0xFFFF  }
0x260: {  	p0 =	sne.s32 s0, $0x0;
	s0 =	rddreg [dreg:$0x2]  }
0x261: {  	s0 =	sadd.s32 @!p0 $0x100000, s0  }
0x262: {  	[sflag:s0] =	ssyncadd.tile.s32 @!p0 $0x1;
	_ =	shalt  }
.Lfunc_end2:
_tile_overlayer_lowered:
.L_overlay_start_2:
0x263: {  	(tag) =	ssettag $0x2  }
0x264: {  	s0 =	rddreg [dreg:$0x0];
	s2 =	stileid.u32  }
0x265: {  	s1 =	rddreg [dreg:$0x1];
	p0 =	sne.s32 s2, $0x0  }
0x266: {  	s3 =	rddreg [dreg:$0x2];
	[bflag:$0x3] =	sbarrier.arrive $0xFFFF;
	s2 =	simm.s32 @!p0 $0x1C03  }
0x267: {  	[timem:s3], [sflag:s2] =	dma.local @!p0 [hbm:s0], s1  }
0x268: {  	s0 =	simm.s32 @!p0 $0x3  }
0x269: {  	_ =	swait.ge @!p0 [sflag:s0], s1  }
0x26a: {  	s1 =	ssub.s32 @!p0 $0x0, s1;
	[sflag:s0] =	ssyncset.done @!p0 $0x0  }
0x26b: {  	[sflag:s0] =	ssyncadd.s32 @!p0 s1  }
0x26c: {  	[bflag:$0x3] =	sbarrier.arrive $0xFFFF  }
0x26d: {  	_ =	shalt  }

</sc_bundles>
